<compile_context>
chip_gen: v7x
topology: tpu7x:2x2x1
jax: 0.10.2.dev20260603
libtpu: 0.0.44.dev20260713+nightly
codegen_flags: <defaults>
</compile_context>

<pallas_src>
import functools

import jax
import jax.numpy as jnp
from jax import lax
from jax.experimental import pallas as pl
from jax.experimental.pallas import tpu as pltpu
from jax.experimental.pallas import tpu_sc as plsc

N_NODES = 10000
N_EDGES = 160000
D = 256
HALF = 128
N_GRAPHS = 64
N_CLASS = 64

NC = 2
NS = 16
CH = 128
CHUNKS_PER_TILE = 80
E_PAD = NS * CHUNKS_PER_TILE * CH
ROWS_PER_TILE = N_NODES // NS
ACC_ROWS = N_NODES + NS

_PREC = lax.Precision.HIGHEST


def _fc_in_body(x_ref, wt_ref, b_ref, out_ref):
    x = x_ref[...].astype(jnp.bfloat16)
    y = lax.dot_general(x, wt_ref[...], (((1,), (0,)), ((), ())),
                        preferred_element_type=jnp.float32)
    y = (y + b_ref[...]).astype(jnp.bfloat16)
    out_ref[0] = y[:, :HALF]
    out_ref[1] = y[:, HALF:]


def _fc_in(x, wt, b2d, relu_halves):
    blk = 1000
    grid = (N_NODES // blk,)
    if relu_halves:
        in_specs = [pl.BlockSpec((2, blk, HALF), lambda i: (0, i, 0))]
        body = _fc_mid_body
    else:
        in_specs = [pl.BlockSpec((blk, D), lambda i: (i, 0))]
        body = _fc_in_body
    in_specs += [
        pl.BlockSpec((D, D), lambda i: (0, 0)),
        pl.BlockSpec((1, D), lambda i: (0, 0)),
    ]
    return pl.pallas_call(
        body,
        grid=grid,
        in_specs=in_specs,
        out_specs=pl.BlockSpec((2, blk, HALF), lambda i: (0, i, 0)),
        out_shape=jax.ShapeDtypeStruct((2, N_NODES, HALF), jnp.bfloat16),
    )(x, wt, b2d)


def _fc_mid_body(p_ref, wt_ref, b_ref, out_ref):
    h = jnp.concatenate([p_ref[0], p_ref[1]], axis=-1)
    h = jnp.maximum(h, 0)
    y = lax.dot_general(h, wt_ref[...], (((1,), (0,)), ((), ())),
                        preferred_element_type=jnp.float32)
    y = (y + b_ref[...]).astype(jnp.bfloat16)
    out_ref[0] = y[:, :HALF]
    out_ref[1] = y[:, HALF:]


def _prop_body(hsrc, epack, out, acc_sh,
               row_a, row_b, sv_a, sv_b, dv_a, dv_b, blk, gsem):
    c = lax.axis_index("c")
    s = lax.axis_index("s")
    tbase = s * CHUNKS_PER_TILE
    coff = c * N_NODES

    r0 = s * ROWS_PER_TILE
    pltpu.sync_copy(hsrc.at[pl.ds(c * N_NODES + r0, ROWS_PER_TILE)],
                    acc_sh.at[pl.ds(r0, ROWS_PER_TILE)])
    @pl.when(s == 0)
    def _():
        pltpu.sync_copy(hsrc.at[pl.ds(c * N_NODES, NS)],
                        acc_sh.at[pl.ds(N_NODES, NS)])
    plsc.subcore_barrier()

    def unpack(k, sv, dv):
        for v in range(CH // 16):
            sl = pl.ds(v * 16, 16)
            p = blk[k, sl]
            sv[sl] = lax.shift_right_logical(p, 14) + coff
            dv[sl] = lax.bitwise_and(p, 16383)

    def g_issue(sv, row, k):
        pltpu.async_copy(hsrc.at[sv], row, gsem.at[k])

    def g_wait(row, k):
        pltpu.make_async_copy(hsrc.at[pl.ds(0, CH)], row, gsem.at[k]).wait()

    def load_blk(kb):
        pltpu.sync_copy(epack.at[pl.ds(tbase + kb * 8, 8)], blk)

    load_blk(0)
    unpack(0, sv_a, dv_a)
    g_issue(sv_a, row_a, 0)

    n_blocks = CHUNKS_PER_TILE // 8

    def outer(kb, carry):
        for u in range(8):
            lu = (u + 1) % 8
            sv_l, dv_l, row_l = (sv_b, dv_b, row_b) if u % 2 == 0 \
                else (sv_a, dv_a, row_a)
            sv_s, dv_s, row_s = (sv_a, dv_a, row_a) if u % 2 == 0 \
                else (sv_b, dv_b, row_b)

            if u < 7:
                unpack(lu, sv_l, dv_l)
                g_issue(sv_l, row_l, (u + 1) % 2)
            else:
                @pl.when(kb < n_blocks - 1)
                def _():
                    load_blk(kb + 1)
                    unpack(0, sv_l, dv_l)
                    g_issue(sv_l, row_l, (u + 1) % 2)
            g_wait(row_s, u % 2)
            pltpu.sync_copy(row_s, acc_sh.at[dv_s], add=True)
        return carry

    lax.fori_loop(0, n_blocks, outer, 0)
    plsc.subcore_barrier()

    pltpu.sync_copy(acc_sh.at[pl.ds(r0, ROWS_PER_TILE)],
                    out.at[pl.ds(c * N_NODES + r0, ROWS_PER_TILE)])


@functools.partial(jax.jit, static_argnums=())
def _propagate(hsrc, epack):
    fn = pl.kernel(
        _prop_body,
        out_type=jax.ShapeDtypeStruct((2 * N_NODES, HALF), jnp.bfloat16),
        mesh=plsc.VectorSubcoreMesh(core_axis_name="c", subcore_axis_name="s"),
        scratch_types=(
            [pltpu.VMEM_SHARED((ACC_ROWS, HALF), jnp.bfloat16)]
            + [pltpu.VMEM((CH, HALF), jnp.bfloat16)] * 2
            + [pltpu.VMEM((CH,), jnp.int32)] * 4
            + [pltpu.VMEM((8, CH), jnp.int32)]
            + [pltpu.SemaphoreType.DMA((2,))]
        ),
        compiler_params=pltpu.CompilerParams(use_tc_tiling_on_sc=False),
    )
    return fn(hsrc, epack)


def _head_body(prop_ref, idx_ref, w3t_ref, b3_ref, w4t_ref, b4_ref,
               out_ref, pooled_acc):
    t = pl.program_id(0)
    c = t // 5

    @pl.when(t == 0)
    def _():
        pooled_acc[...] = jnp.zeros_like(pooled_acc)

    h = jnp.maximum(prop_ref[...], 0).astype(jnp.float32)
    idxb = idx_ref[0]
    iota = lax.broadcasted_iota(jnp.int32, (N_GRAPHS, 2000), 0)
    onehot = jnp.where(idxb == iota, 1.0, 0.0)
    part = lax.dot_general(onehot, h, (((1,), (0,)), ((), ())),
                           precision=_PREC, preferred_element_type=jnp.float32)
    csl = pl.ds(c * HALF, HALF)
    pooled_acc[:, csl] += part

    @pl.when(t == 9)
    def _():
        pooled = pooled_acc[...]
        z = lax.dot_general(pooled, w3t_ref[...], (((1,), (0,)), ((), ())),
                            precision=_PREC,
                            preferred_element_type=jnp.float32)
        z = jnp.maximum(z + b3_ref[...], 0.0)
        o = lax.dot_general(z, w4t_ref[...], (((1,), (0,)), ((), ())),
                            precision=_PREC,
                            preferred_element_type=jnp.float32)
        o = o + b4_ref[...]
        m = jnp.max(o, axis=1, keepdims=True)
        lse = m + jnp.log(jnp.sum(jnp.exp(o - m), axis=1, keepdims=True))
        out_ref[...] = o - lse


def _head(prop_flat, idx3, w3t, b3_2d, w4t, b4_2d):
    return pl.pallas_call(
        _head_body,
        grid=(10,),
        in_specs=[
            pl.BlockSpec((2000, HALF), lambda t: (t, 0)),
            pl.BlockSpec((1, 1, 2000), lambda t: (t % 5, 0, 0)),
            pl.BlockSpec((D, D), lambda t: (0, 0)),
            pl.BlockSpec((1, D), lambda t: (0, 0)),
            pl.BlockSpec((D, N_CLASS), lambda t: (0, 0)),
            pl.BlockSpec((1, N_CLASS), lambda t: (0, 0)),
        ],
        out_specs=pl.BlockSpec((N_GRAPHS, N_CLASS), lambda t: (0, 0)),
        out_shape=jax.ShapeDtypeStruct((N_GRAPHS, N_CLASS), jnp.float32),
        scratch_shapes=[pltpu.VMEM((N_GRAPHS, D), jnp.float32)],
    )(prop_flat, idx3, w3t, b3_2d, w4t, b4_2d)


def kernel(x_in, edge_index, idx, W1, b1, W2, b2, W3, b3, W4, b4):
    src = edge_index[0].astype(jnp.int32)
    dst = edge_index[1].astype(jnp.int32)
    pad = E_PAD - N_EDGES
    src_p = jnp.concatenate([src, jnp.zeros((pad,), jnp.int32)])
    dst_p = jnp.concatenate([dst, jnp.full((pad,), N_NODES, jnp.int32)])
    epack = (src_p * 16384 + dst_p).reshape(NS * CHUNKS_PER_TILE, CH)
    idx3 = idx.astype(jnp.int32).reshape(5, 1, 2000)

    h1 = _fc_in(x_in, W1.T.astype(jnp.bfloat16), b1.reshape(1, D),
                relu_halves=False)
    p1 = _propagate(h1.reshape(2 * N_NODES, HALF), epack)
    h2 = _fc_in(p1.reshape(2, N_NODES, HALF), W2.T.astype(jnp.bfloat16),
                b2.reshape(1, D), relu_halves=True)
    p2 = _propagate(h2.reshape(2 * N_NODES, HALF), epack)
    return _head(p2, idx3, W3.T, b3.reshape(1, D), W4.T,
                 b4.reshape(1, N_CLASS))

# --- scband reference (transcript-rebuilt; emitter-appended) ---
"""Pipeline reference for scband-gnn-88330297410355 (READ-ONLY COPY).

The authoritative reference and input builder live on the scoring server;
editing this copy changes nothing except your own understanding.
"""

import jax, jax.numpy as jnp
import numpy as np

N_NODES = 10000
N_EDGES = 160000
D_IN = 256
H1 = 256
H2 = 256
H3 = 256
N_CLASS = 64
N_GRAPHS = 64


def setup_inputs(seed: int = 0) -> dict:
    key = jax.random.key(seed)
    ks = jax.random.split(key, 12)
    x_in = jax.random.normal(ks[0], (N_NODES, D_IN), dtype=jnp.float32)
    edge_index = jax.random.randint(ks[1], (2, N_EDGES), 0, N_NODES, dtype=jnp.int64)
    idx = jnp.sort(jax.random.randint(ks[2], (N_NODES,), 0, N_GRAPHS, dtype=jnp.int64))
    idx = idx.at[-1].set(N_GRAPHS - 1)  # guarantee max(idx)+1 == N_GRAPHS
    s1 = 1.0 / np.sqrt(D_IN)
    s2 = 1.0 / np.sqrt(H1)
    s3 = 1.0 / np.sqrt(H2)
    s4 = 1.0 / np.sqrt(H3)
    W1 = jax.random.uniform(ks[3], (H1, D_IN), jnp.float32, -s1, s1)
    b1 = jax.random.uniform(ks[4], (H1,), jnp.float32, -s1, s1)
    W2 = jax.random.uniform(ks[5], (H2, H1), jnp.float32, -s2, s2)
    b2 = jax.random.uniform(ks[6], (H2,), jnp.float32, -s2, s2)
    W3 = jax.random.uniform(ks[7], (H3, H2), jnp.float32, -s3, s3)
    b3 = jax.random.uniform(ks[8], (H3,), jnp.float32, -s3, s3)
    W4 = jax.random.uniform(ks[9], (N_CLASS, H3), jnp.float32, -s4, s4)
    b4 = jax.random.uniform(ks[10], (N_CLASS,), jnp.float32, -s4, s4)
    return {"x_in": x_in, "edge_index": edge_index, "idx": idx,
            "W1": W1, "b1": b1, "W2": W2, "b2": b2,
            "W3": W3, "b3": b3, "W4": W4, "b4": b4}


def reference(x_in, edge_index, idx, W1, b1, W2, b2, W3, b3, W4, b4):
    # adj (+ self-loops via identity) applied as gather -> segment_sum scatter-add.
    N = x_in.shape[0]
    src = edge_index[0]
    dst = edge_index[1]

    # x = relu((adj + I) @ fc1(x_in))
    h = jnp.dot(x_in, W1.T) + b1
    h = jax.ops.segment_sum(h[src], dst, num_segments=N) + h
    h = jax.nn.relu(h)

    # x = relu((adj + I) @ fc2(x))
    h = jnp.dot(h, W2.T) + b2
    h = jax.ops.segment_sum(h[src], dst, num_segments=N) + h
    h = jax.nn.relu(h)

    # graph readout: scatter_add by idx into [max(idx)+1, H2]
    # setup_inputs guarantees max(idx)+1 == N_GRAPHS for every seed.
    pooled = jax.ops.segment_sum(h, idx, num_segments=N_GRAPHS)

    z = jax.nn.relu(jnp.dot(pooled, W3.T) + b3)
    out = jnp.dot(z, W4.T) + b4
    return jax.nn.log_softmax(out, axis=1)

if __name__ == "__main__":
    import jax
    _d = setup_inputs()
    print(jax.jit(kernel)(*tuple(_d.values())))

</pallas_src>

<mosaic_0001>
#map = affine_map<(d0, d1) -> (0, 0)>
module attributes {stable_mosaic.version = 14 : i64} {
  func.func @_prop_body(%arg0: i32, %arg1: i32, %arg2: memref<20000x128xbf16, #tpu.memory_space<hbm>>, %arg3: memref<1280x128xi32, #tpu.memory_space<hbm>>, %arg4: memref<20000x128xbf16, #tpu.memory_space<hbm>>, %arg5: memref<10016x128xbf16, #tpu.memory_space<vmem_shared>>, %arg6: memref<128x128xbf16, #tpu.memory_space<vmem>>, %arg7: memref<128x128xbf16, #tpu.memory_space<vmem>>, %arg8: memref<128xi32, #tpu.memory_space<vmem>>, %arg9: memref<128xi32, #tpu.memory_space<vmem>>, %arg10: memref<128xi32, #tpu.memory_space<vmem>>, %arg11: memref<128xi32, #tpu.memory_space<vmem>>, %arg12: memref<8x128xi32, #tpu.memory_space<vmem>>, %arg13: memref<2x!tpu.dma_semaphore, #tpu.memory_space<semaphore_mem>>) attributes {dimension_semantics = [#tpu.dimension_semantics<core_parallel>, #tpu.dimension_semantics<subcore_parallel>], iteration_bounds = array<i64: 2, 16>, scalar_prefetch = 0 : i64, scratch_operands = 9 : i64, tpu.core_type = #tpu.core_type<sc_vector_subcore>, window_params = [{transform_indices = #map}, {transform_indices = #map}, {transform_indices = #map}]} {
    %mul3A = arith.constant 80 : i32
    %mul3A_0 = arith.muli %arg1, %mul3A : i32
    %mul3A_1 = arith.constant 10000 : i32
    %mul3A_2 = arith.muli %arg0, %mul3A_1 : i32
    %mul3A_3 = arith.constant 625 : i32
    %mul3A_4 = arith.muli %arg1, %mul3A_3 : i32
    %mul3A_5 = arith.constant 10000 : i32
    %mul3A_6 = arith.muli %arg0, %mul3A_5 : i32
    %add3A = arith.addi %mul3A_6, %mul3A_4 : i32
    "tpu.region"() ({
      %run_scoped3A = tpu.sem_alloc : memref<!tpu.dma_semaphore, #tpu.memory_space<semaphore_mem>>
      %dma_start3A_189 = arith.constant 0 : i32
      %dma_start3A_190 = tpu.memref_slice %arg5[%mul3A_4, %dma_start3A_189] : memref<10016x128xbf16, #tpu.memory_space<vmem_shared>> -> memref<625x128xbf16, #tpu.memory_space<vmem_shared>>
      %dma_start3A_191 = arith.constant 0 : i32
      %dma_start3A_192 = tpu.memref_slice %arg2[%add3A, %dma_start3A_191] : memref<20000x128xbf16, #tpu.memory_space<hbm>> -> memref<625x128xbf16, #tpu.memory_space<hbm>>
      tpu.enqueue_dma source(%dma_start3A_192 : memref<625x128xbf16, #tpu.memory_space<hbm>>) target(%dma_start3A_190 : memref<625x128xbf16, #tpu.memory_space<vmem_shared>>) target_semaphore(%run_scoped3A : memref<!tpu.dma_semaphore, #tpu.memory_space<semaphore_mem>>)
      %dma_wait3A = arith.constant 0 : i32
      %dma_wait3A_193 = tpu.memref_slice %arg5[%mul3A_4, %dma_wait3A] : memref<10016x128xbf16, #tpu.memory_space<vmem_shared>> -> memref<625x128xbf16, #tpu.memory_space<vmem_shared>>
      %dma_wait3A_194 = arith.constant 0 : i32
      %dma_wait3A_195 = tpu.memref_slice %arg2[%add3A, %dma_wait3A_194] : memref<20000x128xbf16, #tpu.memory_space<hbm>> -> memref<625x128xbf16, #tpu.memory_space<hbm>>
      tpu.wait_dma2 semaphore(%run_scoped3A : memref<!tpu.dma_semaphore, #tpu.memory_space<semaphore_mem>>) src(%dma_wait3A_195 : memref<625x128xbf16, #tpu.memory_space<hbm>>) dst(%dma_wait3A_193 : memref<625x128xbf16, #tpu.memory_space<vmem_shared>>)
      tpu.yield
    }) : () -> ()
    %eq3A = arith.constant 0 : i32
    %eq3A_7 = arith.cmpi eq, %arg1, %eq3A : i32
    %convert_element_type3A = arith.extui %eq3A_7 : i1 to i32
    %cond3A = arith.constant 0 : i32
    %cond3A_8 = arith.cmpi ne, %convert_element_type3A, %cond3A : i32
    scf.if %cond3A_8 {
      %mul3A_189 = arith.constant 10000 : i32
      %mul3A_190 = arith.muli %arg0, %mul3A_189 : i32
      "tpu.region"() ({
        %run_scoped3A = tpu.sem_alloc : memref<!tpu.dma_semaphore, #tpu.memory_space<semaphore_mem>>
        %dma_start3A_191 = arith.constant 10000 : i32
        %dma_start3A_192 = arith.constant 0 : i32
        %dma_start3A_193 = tpu.memref_slice %arg5[%dma_start3A_191, %dma_start3A_192] : memref<10016x128xbf16, #tpu.memory_space<vmem_shared>> -> memref<16x128xbf16, #tpu.memory_space<vmem_shared>>
        %dma_start3A_194 = arith.constant 0 : i32
        %dma_start3A_195 = tpu.memref_slice %arg2[%mul3A_190, %dma_start3A_194] : memref<20000x128xbf16, #tpu.memory_space<hbm>> -> memref<16x128xbf16, #tpu.memory_space<hbm>>
        tpu.enqueue_dma source(%dma_start3A_195 : memref<16x128xbf16, #tpu.memory_space<hbm>>) target(%dma_start3A_193 : memref<16x128xbf16, #tpu.memory_space<vmem_shared>>) target_semaphore(%run_scoped3A : memref<!tpu.dma_semaphore, #tpu.memory_space<semaphore_mem>>)
        %dma_wait3A = arith.constant 10000 : i32
        %dma_wait3A_196 = arith.constant 0 : i32
        %dma_wait3A_197 = tpu.memref_slice %arg5[%dma_wait3A, %dma_wait3A_196] : memref<10016x128xbf16, #tpu.memory_space<vmem_shared>> -> memref<16x128xbf16, #tpu.memory_space<vmem_shared>>
        %dma_wait3A_198 = arith.constant 0 : i32
        %dma_wait3A_199 = tpu.memref_slice %arg2[%mul3A_190, %dma_wait3A_198] : memref<20000x128xbf16, #tpu.memory_space<hbm>> -> memref<16x128xbf16, #tpu.memory_space<hbm>>
        tpu.wait_dma2 semaphore(%run_scoped3A : memref<!tpu.dma_semaphore, #tpu.memory_space<semaphore_mem>>) src(%dma_wait3A_199 : memref<16x128xbf16, #tpu.memory_space<hbm>>) dst(%dma_wait3A_197 : memref<16x128xbf16, #tpu.memory_space<vmem_shared>>)
        tpu.yield
      }) : () -> ()
    } else {
    }
    %barrier3A = arith.constant 0 : index
    tpu.barrier barrier_id(%barrier3A)
    %add3A_9 = arith.constant 0 : i32
    %add3A_10 = arith.addi %mul3A_0, %add3A_9 : i32
    "tpu.region"() ({
      %run_scoped3A = tpu.sem_alloc : memref<!tpu.dma_semaphore, #tpu.memory_space<semaphore_mem>>
      %dma_start3A_189 = arith.constant 0 : i32
      %dma_start3A_190 = tpu.memref_slice %arg3[%add3A_10, %dma_start3A_189] : memref<1280x128xi32, #tpu.memory_space<hbm>> -> memref<8x128xi32, #tpu.memory_space<hbm>>
      %dma_start3A_191 = arith.constant 0 : i32
      %dma_start3A_192 = tpu.memref_slice %arg3[%add3A_10, %dma_start3A_191] : memref<1280x128xi32, #tpu.memory_space<hbm>> -> memref<8x128xi32, #tpu.memory_space<hbm>>
      tpu.enqueue_dma source(%dma_start3A_192 : memref<8x128xi32, #tpu.memory_space<hbm>>) target(%arg12 : memref<8x128xi32, #tpu.memory_space<vmem>>) target_semaphore(%run_scoped3A : memref<!tpu.dma_semaphore, #tpu.memory_space<semaphore_mem>>)
      %dma_wait3A = arith.constant 0 : i32
      %dma_wait3A_193 = tpu.memref_slice %arg3[%add3A_10, %dma_wait3A] : memref<1280x128xi32, #tpu.memory_space<hbm>> -> memref<8x128xi32, #tpu.memory_space<hbm>>
      %dma_wait3A_194 = arith.constant 0 : i32
      %dma_wait3A_195 = tpu.memref_slice %arg3[%add3A_10, %dma_wait3A_194] : memref<1280x128xi32, #tpu.memory_space<hbm>> -> memref<8x128xi32, #tpu.memory_space<hbm>>
      tpu.wait_dma2 semaphore(%run_scoped3A : memref<!tpu.dma_semaphore, #tpu.memory_space<semaphore_mem>>) src(%dma_wait3A_195 : memref<8x128xi32, #tpu.memory_space<hbm>>) dst(%arg12 : memref<8x128xi32, #tpu.memory_space<vmem>>)
      tpu.yield
    }) : () -> ()
    %get3A = arith.constant 0 : i32
    %get3A_11 = arith.index_cast %get3A : i32 to index
    %get3A_12 = arith.constant 0 : index
    %get3A_13 = tpu.vector_load %arg12[%get3A_11, %get3A_12] {strides = array<i32>} : memref<8x128xi32, #tpu.memory_space<vmem>>, vector<1x16xi32>,
    %get3A_14 = vector.shape_cast %get3A_13 : vector<1x16xi32> to vector<16xi32>
    %shift_right_logical3A = arith.constant 14 : i32
    %shift_right_logical3A_15 = vector.broadcast %shift_right_logical3A : i32 to vector<16xi32>
    %shift_right_logical3A_16 = arith.shrui %get3A_14, %shift_right_logical3A_15 : vector<16xi32>
    %add3A_17 = vector.broadcast %mul3A_2 : i32 to vector<16xi32>
    %add3A_18 = arith.addi %shift_right_logical3A_16, %add3A_17 : vector<16xi32>
    %swap3A = arith.constant 0 : index
    %swap3A_19 = tpu.vector_load %arg8[%swap3A] {strides = array<i32>} : memref<128xi32, #tpu.memory_space<vmem>>, vector<16xi32>,
    %swap3A_20 = vector.shape_cast %swap3A_19 : vector<16xi32> to vector<16xi32>
    %swap3A_21 = vector.shape_cast %add3A_18 : vector<16xi32> to vector<16xi32>
    tpu.vector_store %arg8[%swap3A], %swap3A_21 {strides = array<i32>} : memref<128xi32, #tpu.memory_space<vmem>>, vector<16xi32>,
    %and3A = arith.constant 16383 : i32
    %and3A_22 = vector.broadcast %and3A : i32 to vector<16xi32>
    %and3A_23 = arith.andi %get3A_14, %and3A_22 : vector<16xi32>
    %swap3A_24 = arith.constant 0 : index
    %swap3A_25 = tpu.vector_load %arg10[%swap3A_24] {strides = array<i32>} : memref<128xi32, #tpu.memory_space<vmem>>, vector<16xi32>,
    %swap3A_26 = vector.shape_cast %swap3A_25 : vector<16xi32> to vector<16xi32>
    %swap3A_27 = vector.shape_cast %and3A_23 : vector<16xi32> to vector<16xi32>
    tpu.vector_store %arg10[%swap3A_24], %swap3A_27 {strides = array<i32>} : memref<128xi32, #tpu.memory_space<vmem>>, vector<16xi32>,
    %get3A_28 = arith.constant 0 : i32
    %get3A_29 = arith.index_cast %get3A_28 : i32 to index
    %get3A_30 = arith.constant 16 : index
    %get3A_31 = tpu.vector_load %arg12[%get3A_29, %get3A_30] {strides = array<i32>} : memref<8x128xi32, #tpu.memory_space<vmem>>, vector<1x16xi32>,
    %get3A_32 = vector.shape_cast %get3A_31 : vector<1x16xi32> to vector<16xi32>
    %shift_right_logical3A_33 = arith.constant 14 : i32
    %shift_right_logical3A_34 = vector.broadcast %shift_right_logical3A_33 : i32 to vector<16xi32>
    %shift_right_logical3A_35 = arith.shrui %get3A_32, %shift_right_logical3A_34 : vector<16xi32>
    %add3A_36 = vector.broadcast %mul3A_2 : i32 to vector<16xi32>
    %add3A_37 = arith.addi %shift_right_logical3A_35, %add3A_36 : vector<16xi32>
    %swap3A_38 = arith.constant 16 : index
    %swap3A_39 = tpu.vector_load %arg8[%swap3A_38] {strides = array<i32>} : memref<128xi32, #tpu.memory_space<vmem>>, vector<16xi32>,
    %swap3A_40 = vector.shape_cast %swap3A_39 : vector<16xi32> to vector<16xi32>
    %swap3A_41 = vector.shape_cast %add3A_37 : vector<16xi32> to vector<16xi32>
    tpu.vector_store %arg8[%swap3A_38], %swap3A_41 {strides = array<i32>} : memref<128xi32, #tpu.memory_space<vmem>>, vector<16xi32>,
    %and3A_42 = arith.constant 16383 : i32
    %and3A_43 = vector.broadcast %and3A_42 : i32 to vector<16xi32>
    %and3A_44 = arith.andi %get3A_32, %and3A_43 : vector<16xi32>
    %swap3A_45 = arith.constant 16 : index
    %swap3A_46 = tpu.vector_load %arg10[%swap3A_45] {strides = array<i32>} : memref<128xi32, #tpu.memory_space<vmem>>, vector<16xi32>,
    %swap3A_47 = vector.shape_cast %swap3A_46 : vector<16xi32> to vector<16xi32>
    %swap3A_48 = vector.shape_cast %and3A_44 : vector<16xi32> to vector<16xi32>
    tpu.vector_store %arg10[%swap3A_45], %swap3A_48 {strides = array<i32>} : memref<128xi32, #tpu.memory_space<vmem>>, vector<16xi32>,
    %get3A_49 = arith.constant 0 : i32
    %get3A_50 = arith.index_cast %get3A_49 : i32 to index
    %get3A_51 = arith.constant 32 : index
    %get3A_52 = tpu.vector_load %arg12[%get3A_50, %get3A_51] {strides = array<i32>} : memref<8x128xi32, #tpu.memory_space<vmem>>, vector<1x16xi32>,
    %get3A_53 = vector.shape_cast %get3A_52 : vector<1x16xi32> to vector<16xi32>
    %shift_right_logical3A_54 = arith.constant 14 : i32
    %shift_right_logical3A_55 = vector.broadcast %shift_right_logical3A_54 : i32 to vector<16xi32>
    %shift_right_logical3A_56 = arith.shrui %get3A_53, %shift_right_logical3A_55 : vector<16xi32>
    %add3A_57 = vector.broadcast %mul3A_2 : i32 to vector<16xi32>
    %add3A_58 = arith.addi %shift_right_logical3A_56, %add3A_57 : vector<16xi32>
    %swap3A_59 = arith.constant 32 : index
    %swap3A_60 = tpu.vector_load %arg8[%swap3A_59] {strides = array<i32>} : memref<128xi32, #tpu.memory_space<vmem>>, vector<16xi32>,
    %swap3A_61 = vector.shape_cast %swap3A_60 : vector<16xi32> to vector<16xi32>
    %swap3A_62 = vector.shape_cast %add3A_58 : vector<16xi32> to vector<16xi32>
    tpu.vector_store %arg8[%swap3A_59], %swap3A_62 {strides = array<i32>} : memref<128xi32, #tpu.memory_space<vmem>>, vector<16xi32>,
    %and3A_63 = arith.constant 16383 : i32
    %and3A_64 = vector.broadcast %and3A_63 : i32 to vector<16xi32>
    %and3A_65 = arith.andi %get3A_53, %and3A_64 : vector<16xi32>
    %swap3A_66 = arith.constant 32 : index
    %swap3A_67 = tpu.vector_load %arg10[%swap3A_66] {strides = array<i32>} : memref<128xi32, #tpu.memory_space<vmem>>, vector<16xi32>,
    %swap3A_68 = vector.shape_cast %swap3A_67 : vector<16xi32> to vector<16xi32>
    %swap3A_69 = vector.shape_cast %and3A_65 : vector<16xi32> to vector<16xi32>
    tpu.vector_store %arg10[%swap3A_66], %swap3A_69 {strides = array<i32>} : memref<128xi32, #tpu.memory_space<vmem>>, vector<16xi32>,
    %get3A_70 = arith.constant 0 : i32
    %get3A_71 = arith.index_cast %get3A_70 : i32 to index
    %get3A_72 = arith.constant 48 : index
    %get3A_73 = tpu.vector_load %arg12[%get3A_71, %get3A_72] {strides = array<i32>} : memref<8x128xi32, #tpu.memory_space<vmem>>, vector<1x16xi32>,
    %get3A_74 = vector.shape_cast %get3A_73 : vector<1x16xi32> to vector<16xi32>
    %shift_right_logical3A_75 = arith.constant 14 : i32
    %shift_right_logical3A_76 = vector.broadcast %shift_right_logical3A_75 : i32 to vector<16xi32>
    %shift_right_logical3A_77 = arith.shrui %get3A_74, %shift_right_logical3A_76 : vector<16xi32>
    %add3A_78 = vector.broadcast %mul3A_2 : i32 to vector<16xi32>
    %add3A_79 = arith.addi %shift_right_logical3A_77, %add3A_78 : vector<16xi32>
    %swap3A_80 = arith.constant 48 : index
    %swap3A_81 = tpu.vector_load %arg8[%swap3A_80] {strides = array<i32>} : memref<128xi32, #tpu.memory_space<vmem>>, vector<16xi32>,
    %swap3A_82 = vector.shape_cast %swap3A_81 : vector<16xi32> to vector<16xi32>
    %swap3A_83 = vector.shape_cast %add3A_79 : vector<16xi32> to vector<16xi32>
    tpu.vector_store %arg8[%swap3A_80], %swap3A_83 {strides = array<i32>} : memref<128xi32, #tpu.memory_space<vmem>>, vector<16xi32>,
    %and3A_84 = arith.constant 16383 : i32
    %and3A_85 = vector.broadcast %and3A_84 : i32 to vector<16xi32>
    %and3A_86 = arith.andi %get3A_74, %and3A_85 : vector<16xi32>
    %swap3A_87 = arith.constant 48 : index
    %swap3A_88 = tpu.vector_load %arg10[%swap3A_87] {strides = array<i32>} : memref<128xi32, #tpu.memory_space<vmem>>, vector<16xi32>,
    %swap3A_89 = vector.shape_cast %swap3A_88 : vector<16xi32> to vector<16xi32>
    %swap3A_90 = vector.shape_cast %and3A_86 : vector<16xi32> to vector<16xi32>
    tpu.vector_store %arg10[%swap3A_87], %swap3A_90 {strides = array<i32>} : memref<128xi32, #tpu.memory_space<vmem>>, vector<16xi32>,
    %get3A_91 = arith.constant 0 : i32
    %get3A_92 = arith.index_cast %get3A_91 : i32 to index
    %get3A_93 = arith.constant 64 : index
    %get3A_94 = tpu.vector_load %arg12[%get3A_92, %get3A_93] {strides = array<i32>} : memref<8x128xi32, #tpu.memory_space<vmem>>, vector<1x16xi32>,
    %get3A_95 = vector.shape_cast %get3A_94 : vector<1x16xi32> to vector<16xi32>
    %shift_right_logical3A_96 = arith.constant 14 : i32
    %shift_right_logical3A_97 = vector.broadcast %shift_right_logical3A_96 : i32 to vector<16xi32>
    %shift_right_logical3A_98 = arith.shrui %get3A_95, %shift_right_logical3A_97 : vector<16xi32>
    %add3A_99 = vector.broadcast %mul3A_2 : i32 to vector<16xi32>
    %add3A_100 = arith.addi %shift_right_logical3A_98, %add3A_99 : vector<16xi32>
    %swap3A_101 = arith.constant 64 : index
    %swap3A_102 = tpu.vector_load %arg8[%swap3A_101] {strides = array<i32>} : memref<128xi32, #tpu.memory_space<vmem>>, vector<16xi32>,
    %swap3A_103 = vector.shape_cast %swap3A_102 : vector<16xi32> to vector<16xi32>
    %swap3A_104 = vector.shape_cast %add3A_100 : vector<16xi32> to vector<16xi32>
    tpu.vector_store %arg8[%swap3A_101], %swap3A_104 {strides = array<i32>} : memref<128xi32, #tpu.memory_space<vmem>>, vector<16xi32>,
    %and3A_105 = arith.constant 16383 : i32
    %and3A_106 = vector.broadcast %and3A_105 : i32 to vector<16xi32>
    %and3A_107 = arith.andi %get3A_95, %and3A_106 : vector<16xi32>
    %swap3A_108 = arith.constant 64 : index
    %swap3A_109 = tpu.vector_load %arg10[%swap3A_108] {strides = array<i32>} : memref<128xi32, #tpu.memory_space<vmem>>, vector<16xi32>,
    %swap3A_110 = vector.shape_cast %swap3A_109 : vector<16xi32> to vector<16xi32>
    %swap3A_111 = vector.shape_cast %and3A_107 : vector<16xi32> to vector<16xi32>
    tpu.vector_store %arg10[%swap3A_108], %swap3A_111 {strides = array<i32>} : memref<128xi32, #tpu.memory_space<vmem>>, vector<16xi32>,
    %get3A_112 = arith.constant 0 : i32
    %get3A_113 = arith.index_cast %get3A_112 : i32 to index
    %get3A_114 = arith.constant 80 : index
    %get3A_115 = tpu.vector_load %arg12[%get3A_113, %get3A_114] {strides = array<i32>} : memref<8x128xi32, #tpu.memory_space<vmem>>, vector<1x16xi32>,
    %get3A_116 = vector.shape_cast %get3A_115 : vector<1x16xi32> to vector<16xi32>
    %shift_right_logical3A_117 = arith.constant 14 : i32
    %shift_right_logical3A_118 = vector.broadcast %shift_right_logical3A_117 : i32 to vector<16xi32>
    %shift_right_logical3A_119 = arith.shrui %get3A_116, %shift_right_logical3A_118 : vector<16xi32>
    %add3A_120 = vector.broadcast %mul3A_2 : i32 to vector<16xi32>
    %add3A_121 = arith.addi %shift_right_logical3A_119, %add3A_120 : vector<16xi32>
    %swap3A_122 = arith.constant 80 : index
    %swap3A_123 = tpu.vector_load %arg8[%swap3A_122] {strides = array<i32>} : memref<128xi32, #tpu.memory_space<vmem>>, vector<16xi32>,
    %swap3A_124 = vector.shape_cast %swap3A_123 : vector<16xi32> to vector<16xi32>
    %swap3A_125 = vector.shape_cast %add3A_121 : vector<16xi32> to vector<16xi32>
    tpu.vector_store %arg8[%swap3A_122], %swap3A_125 {strides = array<i32>} : memref<128xi32, #tpu.memory_space<vmem>>, vector<16xi32>,
    %and3A_126 = arith.constant 16383 : i32
    %and3A_127 = vector.broadcast %and3A_126 : i32 to vector<16xi32>
    %and3A_128 = arith.andi %get3A_116, %and3A_127 : vector<16xi32>
    %swap3A_129 = arith.constant 80 : index
    %swap3A_130 = tpu.vector_load %arg10[%swap3A_129] {strides = array<i32>} : memref<128xi32, #tpu.memory_space<vmem>>, vector<16xi32>,
    %swap3A_131 = vector.shape_cast %swap3A_130 : vector<16xi32> to vector<16xi32>
    %swap3A_132 = vector.shape_cast %and3A_128 : vector<16xi32> to vector<16xi32>
    tpu.vector_store %arg10[%swap3A_129], %swap3A_132 {strides = array<i32>} : memref<128xi32, #tpu.memory_space<vmem>>, vector<16xi32>,
    %get3A_133 = arith.constant 0 : i32
    %get3A_134 = arith.index_cast %get3A_133 : i32 to index
    %get3A_135 = arith.constant 96 : index
    %get3A_136 = tpu.vector_load %arg12[%get3A_134, %get3A_135] {strides = array<i32>} : memref<8x128xi32, #tpu.memory_space<vmem>>, vector<1x16xi32>,
    %get3A_137 = vector.shape_cast %get3A_136 : vector<1x16xi32> to vector<16xi32>
    %shift_right_logical3A_138 = arith.constant 14 : i32
    %shift_right_logical3A_139 = vector.broadcast %shift_right_logical3A_138 : i32 to vector<16xi32>
    %shift_right_logical3A_140 = arith.shrui %get3A_137, %shift_right_logical3A_139 : vector<16xi32>
    %add3A_141 = vector.broadcast %mul3A_2 : i32 to vector<16xi32>
    %add3A_142 = arith.addi %shift_right_logical3A_140, %add3A_141 : vector<16xi32>
    %swap3A_143 = arith.constant 96 : index
    %swap3A_144 = tpu.vector_load %arg8[%swap3A_143] {strides = array<i32>} : memref<128xi32, #tpu.memory_space<vmem>>, vector<16xi32>,
    %swap3A_145 = vector.shape_cast %swap3A_144 : vector<16xi32> to vector<16xi32>
    %swap3A_146 = vector.shape_cast %add3A_142 : vector<16xi32> to vector<16xi32>
    tpu.vector_store %arg8[%swap3A_143], %swap3A_146 {strides = array<i32>} : memref<128xi32, #tpu.memory_space<vmem>>, vector<16xi32>,
    %and3A_147 = arith.constant 16383 : i32
    %and3A_148 = vector.broadcast %and3A_147 : i32 to vector<16xi32>
    %and3A_149 = arith.andi %get3A_137, %and3A_148 : vector<16xi32>
    %swap3A_150 = arith.constant 96 : index
    %swap3A_151 = tpu.vector_load %arg10[%swap3A_150] {strides = array<i32>} : memref<128xi32, #tpu.memory_space<vmem>>, vector<16xi32>,
    %swap3A_152 = vector.shape_cast %swap3A_151 : vector<16xi32> to vector<16xi32>
    %swap3A_153 = vector.shape_cast %and3A_149 : vector<16xi32> to vector<16xi32>
    tpu.vector_store %arg10[%swap3A_150], %swap3A_153 {strides = array<i32>} : memref<128xi32, #tpu.memory_space<vmem>>, vector<16xi32>,
    %get3A_154 = arith.constant 0 : i32
    %get3A_155 = arith.index_cast %get3A_154 : i32 to index
    %get3A_156 = arith.constant 112 : index
    %get3A_157 = tpu.vector_load %arg12[%get3A_155, %get3A_156] {strides = array<i32>} : memref<8x128xi32, #tpu.memory_space<vmem>>, vector<1x16xi32>,
    %get3A_158 = vector.shape_cast %get3A_157 : vector<1x16xi32> to vector<16xi32>
    %shift_right_logical3A_159 = arith.constant 14 : i32
    %shift_right_logical3A_160 = vector.broadcast %shift_right_logical3A_159 : i32 to vector<16xi32>
    %shift_right_logical3A_161 = arith.shrui %get3A_158, %shift_right_logical3A_160 : vector<16xi32>
    %add3A_162 = vector.broadcast %mul3A_2 : i32 to vector<16xi32>
    %add3A_163 = arith.addi %shift_right_logical3A_161, %add3A_162 : vector<16xi32>
    %swap3A_164 = arith.constant 112 : index
    %swap3A_165 = tpu.vector_load %arg8[%swap3A_164] {strides = array<i32>} : memref<128xi32, #tpu.memory_space<vmem>>, vector<16xi32>,
    %swap3A_166 = vector.shape_cast %swap3A_165 : vector<16xi32> to vector<16xi32>
    %swap3A_167 = vector.shape_cast %add3A_163 : vector<16xi32> to vector<16xi32>
    tpu.vector_store %arg8[%swap3A_164], %swap3A_167 {strides = array<i32>} : memref<128xi32, #tpu.memory_space<vmem>>, vector<16xi32>,
    %and3A_168 = arith.constant 16383 : i32
    %and3A_169 = vector.broadcast %and3A_168 : i32 to vector<16xi32>
    %and3A_170 = arith.andi %get3A_158, %and3A_169 : vector<16xi32>
    %swap3A_171 = arith.constant 112 : index
    %swap3A_172 = tpu.vector_load %arg10[%swap3A_171] {strides = array<i32>} : memref<128xi32, #tpu.memory_space<vmem>>, vector<16xi32>,
    %swap3A_173 = vector.shape_cast %swap3A_172 : vector<16xi32> to vector<16xi32>
    %swap3A_174 = vector.shape_cast %and3A_170 : vector<16xi32> to vector<16xi32>
    tpu.vector_store %arg10[%swap3A_171], %swap3A_174 {strides = array<i32>} : memref<128xi32, #tpu.memory_space<vmem>>, vector<16xi32>,
    %dma_start3A = arith.constant 0 : i32
    %dma_start3A_175 = arith.constant 0 : i32
    %dma_start3A_176 = arith.constant 0 : i32
    %dma_start3A_177 = tpu.memref_slice %arg2[%dma_start3A_175, %dma_start3A_176] : memref<20000x128xbf16, #tpu.memory_space<hbm>> -> memref<20000x128xbf16, #tpu.memory_space<hbm>>
    %dma_start3A_178 = tpu.memref_slice %arg13[%dma_start3A] : memref<2x!tpu.dma_semaphore, #tpu.memory_space<semaphore_mem>> -> memref<1x!tpu.dma_semaphore, #tpu.memory_space<semaphore_mem>>
    %dma_start3A_179 = tpu.memref_squeeze %dma_start3A_178 : memref<1x!tpu.dma_semaphore, #tpu.memory_space<semaphore_mem>> -> memref<!tpu.dma_semaphore, #tpu.memory_space<semaphore_mem>>
    tpu.enqueue_indirect_dma source(%dma_start3A_177 : memref<20000x128xbf16, #tpu.memory_space<hbm>>) target(%arg6 : memref<128x128xbf16, #tpu.memory_space<vmem>>) offsets(%arg8 : memref<128xi32, #tpu.memory_space<vmem>>) semaphore(%dma_start3A_179 : memref<!tpu.dma_semaphore, #tpu.memory_space<semaphore_mem>>)
    %scan3A = arith.constant 0 : i32
    %scan3A_180 = arith.constant 0 : i32
    %scan3A_181 = arith.constant 10 : i32
    %scan3A_182 = arith.addi %scan3A_180, %scan3A_181 : i32
    %scan3A_183 = arith.constant 1 : i32
    scf.for %scan3A_189 = %scan3A_180 to %scan3A_182 step %scan3A_183  : i32 {
      %get3A_190 = arith.constant 1 : i32
      %get3A_191 = arith.index_cast %get3A_190 : i32 to index
      %get3A_192 = arith.constant 0 : index
      %get3A_193 = tpu.vector_load %arg12[%get3A_191, %get3A_192] {strides = array<i32>} : memref<8x128xi32, #tpu.memory_space<vmem>>, vector<1x16xi32>,
      %get3A_194 = vector.shape_cast %get3A_193 : vector<1x16xi32> to vector<16xi32>
      %shift_right_logical3A_195 = arith.constant 14 : i32
      %shift_right_logical3A_196 = vector.broadcast %shift_right_logical3A_195 : i32 to vector<16xi32>
      %shift_right_logical3A_197 = arith.shrui %get3A_194, %shift_right_logical3A_196 : vector<16xi32>
      %add3A_198 = vector.broadcast %mul3A_2 : i32 to vector<16xi32>
      %add3A_199 = arith.addi %shift_right_logical3A_197, %add3A_198 : vector<16xi32>
      %swap3A_200 = arith.constant 0 : index
      %swap3A_201 = tpu.vector_load %arg9[%swap3A_200] {strides = array<i32>} : memref<128xi32, #tpu.memory_space<vmem>>, vector<16xi32>,
      %swap3A_202 = vector.shape_cast %swap3A_201 : vector<16xi32> to vector<16xi32>
      %swap3A_203 = vector.shape_cast %add3A_199 : vector<16xi32> to vector<16xi32>
      tpu.vector_store %arg9[%swap3A_200], %swap3A_203 {strides = array<i32>} : memref<128xi32, #tpu.memory_space<vmem>>, vector<16xi32>,
      %and3A_204 = arith.constant 16383 : i32
      %and3A_205 = vector.broadcast %and3A_204 : i32 to vector<16xi32>
      %and3A_206 = arith.andi %get3A_194, %and3A_205 : vector<16xi32>
      %swap3A_207 = arith.constant 0 : index
      %swap3A_208 = tpu.vector_load %arg11[%swap3A_207] {strides = array<i32>} : memref<128xi32, #tpu.memory_space<vmem>>, vector<16xi32>,
      %swap3A_209 = vector.shape_cast %swap3A_208 : vector<16xi32> to vector<16xi32>
      %swap3A_210 = vector.shape_cast %and3A_206 : vector<16xi32> to vector<16xi32>
      tpu.vector_store %arg11[%swap3A_207], %swap3A_210 {strides = array<i32>} : memref<128xi32, #tpu.memory_space<vmem>>, vector<16xi32>,
      %get3A_211 = arith.constant 1 : i32
      %get3A_212 = arith.index_cast %get3A_211 : i32 to index
      %get3A_213 = arith.constant 16 : index
      %get3A_214 = tpu.vector_load %arg12[%get3A_212, %get3A_213] {strides = array<i32>} : memref<8x128xi32, #tpu.memory_space<vmem>>, vector<1x16xi32>,
      %get3A_215 = vector.shape_cast %get3A_214 : vector<1x16xi32> to vector<16xi32>
      %shift_right_logical3A_216 = arith.constant 14 : i32
      %shift_right_logical3A_217 = vector.broadcast %shift_right_logical3A_216 : i32 to vector<16xi32>
      %shift_right_logical3A_218 = arith.shrui %get3A_215, %shift_right_logical3A_217 : vector<16xi32>
      %add3A_219 = vector.broadcast %mul3A_2 : i32 to vector<16xi32>
      %add3A_220 = arith.addi %shift_right_logical3A_218, %add3A_219 : vector<16xi32>
      %swap3A_221 = arith.constant 16 : index
      %swap3A_222 = tpu.vector_load %arg9[%swap3A_221] {strides = array<i32>} : memref<128xi32, #tpu.memory_space<vmem>>, vector<16xi32>,
      %swap3A_223 = vector.shape_cast %swap3A_222 : vector<16xi32> to vector<16xi32>
      %swap3A_224 = vector.shape_cast %add3A_220 : vector<16xi32> to vector<16xi32>
      tpu.vector_store %arg9[%swap3A_221], %swap3A_224 {strides = array<i32>} : memref<128xi32, #tpu.memory_space<vmem>>, vector<16xi32>,
      %and3A_225 = arith.constant 16383 : i32
      %and3A_226 = vector.broadcast %and3A_225 : i32 to vector<16xi32>
      %and3A_227 = arith.andi %get3A_215, %and3A_226 : vector<16xi32>
      %swap3A_228 = arith.constant 16 : index
      %swap3A_229 = tpu.vector_load %arg11[%swap3A_228] {strides = array<i32>} : memref<128xi32, #tpu.memory_space<vmem>>, vector<16xi32>,
      %swap3A_230 = vector.shape_cast %swap3A_229 : vector<16xi32> to vector<16xi32>
      %swap3A_231 = vector.shape_cast %and3A_227 : vector<16xi32> to vector<16xi32>
      tpu.vector_store %arg11[%swap3A_228], %swap3A_231 {strides = array<i32>} : memref<128xi32, #tpu.memory_space<vmem>>, vector<16xi32>,
      %get3A_232 = arith.constant 1 : i32
      %get3A_233 = arith.index_cast %get3A_232 : i32 to index
      %get3A_234 = arith.constant 32 : index
      %get3A_235 = tpu.vector_load %arg12[%get3A_233, %get3A_234] {strides = array<i32>} : memref<8x128xi32, #tpu.memory_space<vmem>>, vector<1x16xi32>,
      %get3A_236 = vector.shape_cast %get3A_235 : vector<1x16xi32> to vector<16xi32>
      %shift_right_logical3A_237 = arith.constant 14 : i32
      %shift_right_logical3A_238 = vector.broadcast %shift_right_logical3A_237 : i32 to vector<16xi32>
      %shift_right_logical3A_239 = arith.shrui %get3A_236, %shift_right_logical3A_238 : vector<16xi32>
      %add3A_240 = vector.broadcast %mul3A_2 : i32 to vector<16xi32>
      %add3A_241 = arith.addi %shift_right_logical3A_239, %add3A_240 : vector<16xi32>
      %swap3A_242 = arith.constant 32 : index
      %swap3A_243 = tpu.vector_load %arg9[%swap3A_242] {strides = array<i32>} : memref<128xi32, #tpu.memory_space<vmem>>, vector<16xi32>,
      %swap3A_244 = vector.shape_cast %swap3A_243 : vector<16xi32> to vector<16xi32>
      %swap3A_245 = vector.shape_cast %add3A_241 : vector<16xi32> to vector<16xi32>
      tpu.vector_store %arg9[%swap3A_242], %swap3A_245 {strides = array<i32>} : memref<128xi32, #tpu.memory_space<vmem>>, vector<16xi32>,
      %and3A_246 = arith.constant 16383 : i32
      %and3A_247 = vector.broadcast %and3A_246 : i32 to vector<16xi32>
      %and3A_248 = arith.andi %get3A_236, %and3A_247 : vector<16xi32>
      %swap3A_249 = arith.constant 32 : index
      %swap3A_250 = tpu.vector_load %arg11[%swap3A_249] {strides = array<i32>} : memref<128xi32, #tpu.memory_space<vmem>>, vector<16xi32>,
      %swap3A_251 = vector.shape_cast %swap3A_250 : vector<16xi32> to vector<16xi32>
      %swap3A_252 = vector.shape_cast %and3A_248 : vector<16xi32> to vector<16xi32>
      tpu.vector_store %arg11[%swap3A_249], %swap3A_252 {strides = array<i32>} : memref<128xi32, #tpu.memory_space<vmem>>, vector<16xi32>,
      %get3A_253 = arith.constant 1 : i32
      %get3A_254 = arith.index_cast %get3A_253 : i32 to index
      %get3A_255 = arith.constant 48 : index
      %get3A_256 = tpu.vector_load %arg12[%get3A_254, %get3A_255] {strides = array<i32>} : memref<8x128xi32, #tpu.memory_space<vmem>>, vector<1x16xi32>,
      %get3A_257 = vector.shape_cast %get3A_256 : vector<1x16xi32> to vector<16xi32>
      %shift_right_logical3A_258 = arith.constant 14 : i32
      %shift_right_logical3A_259 = vector.broadcast %shift_right_logical3A_258 : i32 to vector<16xi32>
      %shift_right_logical3A_260 = arith.shrui %get3A_257, %shift_right_logical3A_259 : vector<16xi32>
      %add3A_261 = vector.broadcast %mul3A_2 : i32 to vector<16xi32>
      %add3A_262 = arith.addi %shift_right_logical3A_260, %add3A_261 : vector<16xi32>
      %swap3A_263 = arith.constant 48 : index
      %swap3A_264 = tpu.vector_load %arg9[%swap3A_263] {strides = array<i32>} : memref<128xi32, #tpu.memory_space<vmem>>, vector<16xi32>,
      %swap3A_265 = vector.shape_cast %swap3A_264 : vector<16xi32> to vector<16xi32>
      %swap3A_266 = vector.shape_cast %add3A_262 : vector<16xi32> to vector<16xi32>
      tpu.vector_store %arg9[%swap3A_263], %swap3A_266 {strides = array<i32>} : memref<128xi32, #tpu.memory_space<vmem>>, vector<16xi32>,
      %and3A_267 = arith.constant 16383 : i32
      %and3A_268 = vector.broadcast %and3A_267 : i32 to vector<16xi32>
      %and3A_269 = arith.andi %get3A_257, %and3A_268 : vector<16xi32>
      %swap3A_270 = arith.constant 48 : index
      %swap3A_271 = tpu.vector_load %arg11[%swap3A_270] {strides = array<i32>} : memref<128xi32, #tpu.memory_space<vmem>>, vector<16xi32>,
      %swap3A_272 = vector.shape_cast %swap3A_271 : vector<16xi32> to vector<16xi32>
      %swap3A_273 = vector.shape_cast %and3A_269 : vector<16xi32> to vector<16xi32>
      tpu.vector_store %arg11[%swap3A_270], %swap3A_273 {strides = array<i32>} : memref<128xi32, #tpu.memory_space<vmem>>, vector<16xi32>,
      %get3A_274 = arith.constant 1 : i32
      %get3A_275 = arith.index_cast %get3A_274 : i32 to index
      %get3A_276 = arith.constant 64 : index
      %get3A_277 = tpu.vector_load %arg12[%get3A_275, %get3A_276] {strides = array<i32>} : memref<8x128xi32, #tpu.memory_space<vmem>>, vector<1x16xi32>,
      %get3A_278 = vector.shape_cast %get3A_277 : vector<1x16xi32> to vector<16xi32>
      %shift_right_logical3A_279 = arith.constant 14 : i32
      %shift_right_logical3A_280 = vector.broadcast %shift_right_logical3A_279 : i32 to vector<16xi32>
      %shift_right_logical3A_281 = arith.shrui %get3A_278, %shift_right_logical3A_280 : vector<16xi32>
      %add3A_282 = vector.broadcast %mul3A_2 : i32 to vector<16xi32>
      %add3A_283 = arith.addi %shift_right_logical3A_281, %add3A_282 : vector<16xi32>
      %swap3A_284 = arith.constant 64 : index
      %swap3A_285 = tpu.vector_load %arg9[%swap3A_284] {strides = array<i32>} : memref<128xi32, #tpu.memory_space<vmem>>, vector<16xi32>,
      %swap3A_286 = vector.shape_cast %swap3A_285 : vector<16xi32> to vector<16xi32>
      %swap3A_287 = vector.shape_cast %add3A_283 : vector<16xi32> to vector<16xi32>
      tpu.vector_store %arg9[%swap3A_284], %swap3A_287 {strides = array<i32>} : memref<128xi32, #tpu.memory_space<vmem>>, vector<16xi32>,
      %and3A_288 = arith.constant 16383 : i32
      %and3A_289 = vector.broadcast %and3A_288 : i32 to vector<16xi32>
      %and3A_290 = arith.andi %get3A_278, %and3A_289 : vector<16xi32>
      %swap3A_291 = arith.constant 64 : index
      %swap3A_292 = tpu.vector_load %arg11[%swap3A_291] {strides = array<i32>} : memref<128xi32, #tpu.memory_space<vmem>>, vector<16xi32>,
      %swap3A_293 = vector.shape_cast %swap3A_292 : vector<16xi32> to vector<16xi32>
      %swap3A_294 = vector.shape_cast %and3A_290 : vector<16xi32> to vector<16xi32>
      tpu.vector_store %arg11[%swap3A_291], %swap3A_294 {strides = array<i32>} : memref<128xi32, #tpu.memory_space<vmem>>, vector<16xi32>,
      %get3A_295 = arith.constant 1 : i32
      %get3A_296 = arith.index_cast %get3A_295 : i32 to index
      %get3A_297 = arith.constant 80 : index
      %get3A_298 = tpu.vector_load %arg12[%get3A_296, %get3A_297] {strides = array<i32>} : memref<8x128xi32, #tpu.memory_space<vmem>>, vector<1x16xi32>,
      %get3A_299 = vector.shape_cast %get3A_298 : vector<1x16xi32> to vector<16xi32>
      %shift_right_logical3A_300 = arith.constant 14 : i32
      %shift_right_logical3A_301 = vector.broadcast %shift_right_logical3A_300 : i32 to vector<16xi32>
      %shift_right_logical3A_302 = arith.shrui %get3A_299, %shift_right_logical3A_301 : vector<16xi32>
      %add3A_303 = vector.broadcast %mul3A_2 : i32 to vector<16xi32>
      %add3A_304 = arith.addi %shift_right_logical3A_302, %add3A_303 : vector<16xi32>
      %swap3A_305 = arith.constant 80 : index
      %swap3A_306 = tpu.vector_load %arg9[%swap3A_305] {strides = array<i32>} : memref<128xi32, #tpu.memory_space<vmem>>, vector<16xi32>,
      %swap3A_307 = vector.shape_cast %swap3A_306 : vector<16xi32> to vector<16xi32>
      %swap3A_308 = vector.shape_cast %add3A_304 : vector<16xi32> to vector<16xi32>
      tpu.vector_store %arg9[%swap3A_305], %swap3A_308 {strides = array<i32>} : memref<128xi32, #tpu.memory_space<vmem>>, vector<16xi32>,
      %and3A_309 = arith.constant 16383 : i32
      %and3A_310 = vector.broadcast %and3A_309 : i32 to vector<16xi32>
      %and3A_311 = arith.andi %get3A_299, %and3A_310 : vector<16xi32>
      %swap3A_312 = arith.constant 80 : index
      %swap3A_313 = tpu.vector_load %arg11[%swap3A_312] {strides = array<i32>} : memref<128xi32, #tpu.memory_space<vmem>>, vector<16xi32>,
      %swap3A_314 = vector.shape_cast %swap3A_313 : vector<16xi32> to vector<16xi32>
      %swap3A_315 = vector.shape_cast %and3A_311 : vector<16xi32> to vector<16xi32>
      tpu.vector_store %arg11[%swap3A_312], %swap3A_315 {strides = array<i32>} : memref<128xi32, #tpu.memory_space<vmem>>, vector<16xi32>,
      %get3A_316 = arith.constant 1 : i32
      %get3A_317 = arith.index_cast %get3A_316 : i32 to index
      %get3A_318 = arith.constant 96 : index
      %get3A_319 = tpu.vector_load %arg12[%get3A_317, %get3A_318] {strides = array<i32>} : memref<8x128xi32, #tpu.memory_space<vmem>>, vector<1x16xi32>,
      %get3A_320 = vector.shape_cast %get3A_319 : vector<1x16xi32> to vector<16xi32>
      %shift_right_logical3A_321 = arith.constant 14 : i32
      %shift_right_logical3A_322 = vector.broadcast %shift_right_logical3A_321 : i32 to vector<16xi32>
      %shift_right_logical3A_323 = arith.shrui %get3A_320, %shift_right_logical3A_322 : vector<16xi32>
      %add3A_324 = vector.broadcast %mul3A_2 : i32 to vector<16xi32>
      %add3A_325 = arith.addi %shift_right_logical3A_323, %add3A_324 : vector<16xi32>
      %swap3A_326 = arith.constant 96 : index
      %swap3A_327 = tpu.vector_load %arg9[%swap3A_326] {strides = array<i32>} : memref<128xi32, #tpu.memory_space<vmem>>, vector<16xi32>,
      %swap3A_328 = vector.shape_cast %swap3A_327 : vector<16xi32> to vector<16xi32>
      %swap3A_329 = vector.shape_cast %add3A_325 : vector<16xi32> to vector<16xi32>
      tpu.vector_store %arg9[%swap3A_326], %swap3A_329 {strides = array<i32>} : memref<128xi32, #tpu.memory_space<vmem>>, vector<16xi32>,
      %and3A_330 = arith.constant 16383 : i32
      %and3A_331 = vector.broadcast %and3A_330 : i32 to vector<16xi32>
      %and3A_332 = arith.andi %get3A_320, %and3A_331 : vector<16xi32>
      %swap3A_333 = arith.constant 96 : index
      %swap3A_334 = tpu.vector_load %arg11[%swap3A_333] {strides = array<i32>} : memref<128xi32, #tpu.memory_space<vmem>>, vector<16xi32>,
      %swap3A_335 = vector.shape_cast %swap3A_334 : vector<16xi32> to vector<16xi32>
      %swap3A_336 = vector.shape_cast %and3A_332 : vector<16xi32> to vector<16xi32>
      tpu.vector_store %arg11[%swap3A_333], %swap3A_336 {strides = array<i32>} : memref<128xi32, #tpu.memory_space<vmem>>, vector<16xi32>,
      %get3A_337 = arith.constant 1 : i32
      %get3A_338 = arith.index_cast %get3A_337 : i32 to index
      %get3A_339 = arith.constant 112 : index
      %get3A_340 = tpu.vector_load %arg12[%get3A_338, %get3A_339] {strides = array<i32>} : memref<8x128xi32, #tpu.memory_space<vmem>>, vector<1x16xi32>,
      %get3A_341 = vector.shape_cast %get3A_340 : vector<1x16xi32> to vector<16xi32>
      %shift_right_logical3A_342 = arith.constant 14 : i32
      %shift_right_logical3A_343 = vector.broadcast %shift_right_logical3A_342 : i32 to vector<16xi32>
      %shift_right_logical3A_344 = arith.shrui %get3A_341, %shift_right_logical3A_343 : vector<16xi32>
      %add3A_345 = vector.broadcast %mul3A_2 : i32 to vector<16xi32>
      %add3A_346 = arith.addi %shift_right_logical3A_344, %add3A_345 : vector<16xi32>
      %swap3A_347 = arith.constant 112 : index
      %swap3A_348 = tpu.vector_load %arg9[%swap3A_347] {strides = array<i32>} : memref<128xi32, #tpu.memory_space<vmem>>, vector<16xi32>,
      %swap3A_349 = vector.shape_cast %swap3A_348 : vector<16xi32> to vector<16xi32>
      %swap3A_350 = vector.shape_cast %add3A_346 : vector<16xi32> to vector<16xi32>
      tpu.vector_store %arg9[%swap3A_347], %swap3A_350 {strides = array<i32>} : memref<128xi32, #tpu.memory_space<vmem>>, vector<16xi32>,
      %and3A_351 = arith.constant 16383 : i32
      %and3A_352 = vector.broadcast %and3A_351 : i32 to vector<16xi32>
      %and3A_353 = arith.andi %get3A_341, %and3A_352 : vector<16xi32>
      %swap3A_354 = arith.constant 112 : index
      %swap3A_355 = tpu.vector_load %arg11[%swap3A_354] {strides = array<i32>} : memref<128xi32, #tpu.memory_space<vmem>>, vector<16xi32>,
      %swap3A_356 = vector.shape_cast %swap3A_355 : vector<16xi32> to vector<16xi32>
      %swap3A_357 = vector.shape_cast %and3A_353 : vector<16xi32> to vector<16xi32>
      tpu.vector_store %arg11[%swap3A_354], %swap3A_357 {strides = array<i32>} : memref<128xi32, #tpu.memory_space<vmem>>, vector<16xi32>,
      %dma_start3A_358 = arith.constant 1 : i32
      %dma_start3A_359 = arith.constant 0 : i32
      %dma_start3A_360 = arith.constant 0 : i32
      %dma_start3A_361 = tpu.memref_slice %arg2[%dma_start3A_359, %dma_start3A_360] : memref<20000x128xbf16, #tpu.memory_space<hbm>> -> memref<20000x128xbf16, #tpu.memory_space<hbm>>
      %dma_start3A_362 = tpu.memref_slice %arg13[%dma_start3A_358] : memref<2x!tpu.dma_semaphore, #tpu.memory_space<semaphore_mem>> -> memref<1x!tpu.dma_semaphore, #tpu.memory_space<semaphore_mem>>
      %dma_start3A_363 = tpu.memref_squeeze %dma_start3A_362 : memref<1x!tpu.dma_semaphore, #tpu.memory_space<semaphore_mem>> -> memref<!tpu.dma_semaphore, #tpu.memory_space<semaphore_mem>>
      tpu.enqueue_indirect_dma source(%dma_start3A_361 : memref<20000x128xbf16, #tpu.memory_space<hbm>>) target(%arg7 : memref<128x128xbf16, #tpu.memory_space<vmem>>) offsets(%arg9 : memref<128xi32, #tpu.memory_space<vmem>>) semaphore(%dma_start3A_363 : memref<!tpu.dma_semaphore, #tpu.memory_space<semaphore_mem>>)
      %dma_wait3A = arith.constant 0 : i32
      %dma_wait3A_364 = arith.constant 0 : i32
      %dma_wait3A_365 = arith.constant 0 : i32
      %dma_wait3A_366 = tpu.memref_slice %arg2[%dma_wait3A_364, %dma_wait3A_365] : memref<20000x128xbf16, #tpu.memory_space<hbm>> -> memref<128x128xbf16, #tpu.memory_space<hbm>>
      %dma_wait3A_367 = tpu.memref_slice %arg13[%dma_wait3A] : memref<2x!tpu.dma_semaphore, #tpu.memory_space<semaphore_mem>> -> memref<1x!tpu.dma_semaphore, #tpu.memory_space<semaphore_mem>>
      %dma_wait3A_368 = tpu.memref_squeeze %dma_wait3A_367 : memref<1x!tpu.dma_semaphore, #tpu.memory_space<semaphore_mem>> -> memref<!tpu.dma_semaphore, #tpu.memory_space<semaphore_mem>>
      %dma_wait3A_369 = arith.constant 0 : i32
      %dma_wait3A_370 = arith.constant 0 : i32
      %dma_wait3A_371 = tpu.memref_slice %arg2[%dma_wait3A_369, %dma_wait3A_370] : memref<20000x128xbf16, #tpu.memory_space<hbm>> -> memref<128x128xbf16, #tpu.memory_space<hbm>>
      tpu.wait_dma2 semaphore(%dma_wait3A_368 : memref<!tpu.dma_semaphore, #tpu.memory_space<semaphore_mem>>) src(%dma_wait3A_371 : memref<128x128xbf16, #tpu.memory_space<hbm>>) dst(%arg6 : memref<128x128xbf16, #tpu.memory_space<vmem>>)
      "tpu.region"() ({
        %run_scoped3A = tpu.sem_alloc : memref<!tpu.dma_semaphore, #tpu.memory_space<semaphore_mem>>
        %dma_start3A_1483 = arith.constant 0 : i32
        %dma_start3A_1484 = arith.constant 0 : i32
        %dma_start3A_1485 = tpu.memref_slice %arg5[%dma_start3A_1483, %dma_start3A_1484] : memref<10016x128xbf16, #tpu.memory_space<vmem_shared>> -> memref<10016x128xbf16, #tpu.memory_space<vmem_shared>>
        tpu.enqueue_indirect_dma source(%arg6 : memref<128x128xbf16, #tpu.memory_space<vmem>>) target(%dma_start3A_1485 : memref<10016x128xbf16, #tpu.memory_space<vmem_shared>>) offsets(%arg10 : memref<128xi32, #tpu.memory_space<vmem>>) semaphore(%run_scoped3A : memref<!tpu.dma_semaphore, #tpu.memory_space<semaphore_mem>>) {add = true}
        %dma_wait3A_1486 = arith.constant 0 : i32
        %dma_wait3A_1487 = arith.constant 0 : i32
        %dma_wait3A_1488 = tpu.memref_slice %arg5[%dma_wait3A_1486, %dma_wait3A_1487] : memref<10016x128xbf16, #tpu.memory_space<vmem_shared>> -> memref<10016x128xbf16, #tpu.memory_space<vmem_shared>>
        tpu.wait_indirect_dma semaphore(%run_scoped3A : memref<!tpu.dma_semaphore, #tpu.memory_space<semaphore_mem>>) src(%arg6 : memref<128x128xbf16, #tpu.memory_space<vmem>>) dst(%dma_wait3A_1488 : memref<10016x128xbf16, #tpu.memory_space<vmem_shared>>)
        tpu.yield
      }) : () -> ()
      %get3A_372 = arith.constant 2 : i32
      %get3A_373 = arith.index_cast %get3A_372 : i32 to index
      %get3A_374 = arith.constant 0 : index
      %get3A_375 = tpu.vector_load %arg12[%get3A_373, %get3A_374] {strides = array<i32>} : memref<8x128xi32, #tpu.memory_space<vmem>>, vector<1x16xi32>,
      %get3A_376 = vector.shape_cast %get3A_375 : vector<1x16xi32> to vector<16xi32>
      %shift_right_logical3A_377 = arith.constant 14 : i32
      %shift_right_logical3A_378 = vector.broadcast %shift_right_logical3A_377 : i32 to vector<16xi32>
      %shift_right_logical3A_379 = arith.shrui %get3A_376, %shift_right_logical3A_378 : vector<16xi32>
      %add3A_380 = vector.broadcast %mul3A_2 : i32 to vector<16xi32>
      %add3A_381 = arith.addi %shift_right_logical3A_379, %add3A_380 : vector<16xi32>
      %swap3A_382 = arith.constant 0 : index
      %swap3A_383 = tpu.vector_load %arg8[%swap3A_382] {strides = array<i32>} : memref<128xi32, #tpu.memory_space<vmem>>, vector<16xi32>,
      %swap3A_384 = vector.shape_cast %swap3A_383 : vector<16xi32> to vector<16xi32>
      %swap3A_385 = vector.shape_cast %add3A_381 : vector<16xi32> to vector<16xi32>
      tpu.vector_store %arg8[%swap3A_382], %swap3A_385 {strides = array<i32>} : memref<128xi32, #tpu.memory_space<vmem>>, vector<16xi32>,
      %and3A_386 = arith.constant 16383 : i32
      %and3A_387 = vector.broadcast %and3A_386 : i32 to vector<16xi32>
      %and3A_388 = arith.andi %get3A_376, %and3A_387 : vector<16xi32>
      %swap3A_389 = arith.constant 0 : index
      %swap3A_390 = tpu.vector_load %arg10[%swap3A_389] {strides = array<i32>} : memref<128xi32, #tpu.memory_space<vmem>>, vector<16xi32>,
      %swap3A_391 = vector.shape_cast %swap3A_390 : vector<16xi32> to vector<16xi32>
      %swap3A_392 = vector.shape_cast %and3A_388 : vector<16xi32> to vector<16xi32>
      tpu.vector_store %arg10[%swap3A_389], %swap3A_392 {strides = array<i32>} : memref<128xi32, #tpu.memory_space<vmem>>, vector<16xi32>,
      %get3A_393 = arith.constant 2 : i32
      %get3A_394 = arith.index_cast %get3A_393 : i32 to index
      %get3A_395 = arith.constant 16 : index
      %get3A_396 = tpu.vector_load %arg12[%get3A_394, %get3A_395] {strides = array<i32>} : memref<8x128xi32, #tpu.memory_space<vmem>>, vector<1x16xi32>,
      %get3A_397 = vector.shape_cast %get3A_396 : vector<1x16xi32> to vector<16xi32>
      %shift_right_logical3A_398 = arith.constant 14 : i32
      %shift_right_logical3A_399 = vector.broadcast %shift_right_logical3A_398 : i32 to vector<16xi32>
      %shift_right_logical3A_400 = arith.shrui %get3A_397, %shift_right_logical3A_399 : vector<16xi32>
      %add3A_401 = vector.broadcast %mul3A_2 : i32 to vector<16xi32>
      %add3A_402 = arith.addi %shift_right_logical3A_400, %add3A_401 : vector<16xi32>
      %swap3A_403 = arith.constant 16 : index
      %swap3A_404 = tpu.vector_load %arg8[%swap3A_403] {strides = array<i32>} : memref<128xi32, #tpu.memory_space<vmem>>, vector<16xi32>,
      %swap3A_405 = vector.shape_cast %swap3A_404 : vector<16xi32> to vector<16xi32>
      %swap3A_406 = vector.shape_cast %add3A_402 : vector<16xi32> to vector<16xi32>
      tpu.vector_store %arg8[%swap3A_403], %swap3A_406 {strides = array<i32>} : memref<128xi32, #tpu.memory_space<vmem>>, vector<16xi32>,
      %and3A_407 = arith.constant 16383 : i32
      %and3A_408 = vector.broadcast %and3A_407 : i32 to vector<16xi32>
      %and3A_409 = arith.andi %get3A_397, %and3A_408 : vector<16xi32>
      %swap3A_410 = arith.constant 16 : index
      %swap3A_411 = tpu.vector_load %arg10[%swap3A_410] {strides = array<i32>} : memref<128xi32, #tpu.memory_space<vmem>>, vector<16xi32>,
      %swap3A_412 = vector.shape_cast %swap3A_411 : vector<16xi32> to vector<16xi32>
      %swap3A_413 = vector.shape_cast %and3A_409 : vector<16xi32> to vector<16xi32>
      tpu.vector_store %arg10[%swap3A_410], %swap3A_413 {strides = array<i32>} : memref<128xi32, #tpu.memory_space<vmem>>, vector<16xi32>,
      %get3A_414 = arith.constant 2 : i32
      %get3A_415 = arith.index_cast %get3A_414 : i32 to index
      %get3A_416 = arith.constant 32 : index
      %get3A_417 = tpu.vector_load %arg12[%get3A_415, %get3A_416] {strides = array<i32>} : memref<8x128xi32, #tpu.memory_space<vmem>>, vector<1x16xi32>,
      %get3A_418 = vector.shape_cast %get3A_417 : vector<1x16xi32> to vector<16xi32>
      %shift_right_logical3A_419 = arith.constant 14 : i32
      %shift_right_logical3A_420 = vector.broadcast %shift_right_logical3A_419 : i32 to vector<16xi32>
      %shift_right_logical3A_421 = arith.shrui %get3A_418, %shift_right_logical3A_420 : vector<16xi32>
      %add3A_422 = vector.broadcast %mul3A_2 : i32 to vector<16xi32>
      %add3A_423 = arith.addi %shift_right_logical3A_421, %add3A_422 : vector<16xi32>
      %swap3A_424 = arith.constant 32 : index
      %swap3A_425 = tpu.vector_load %arg8[%swap3A_424] {strides = array<i32>} : memref<128xi32, #tpu.memory_space<vmem>>, vector<16xi32>,
      %swap3A_426 = vector.shape_cast %swap3A_425 : vector<16xi32> to vector<16xi32>
      %swap3A_427 = vector.shape_cast %add3A_423 : vector<16xi32> to vector<16xi32>
      tpu.vector_store %arg8[%swap3A_424], %swap3A_427 {strides = array<i32>} : memref<128xi32, #tpu.memory_space<vmem>>, vector<16xi32>,
      %and3A_428 = arith.constant 16383 : i32
      %and3A_429 = vector.broadcast %and3A_428 : i32 to vector<16xi32>
      %and3A_430 = arith.andi %get3A_418, %and3A_429 : vector<16xi32>
      %swap3A_431 = arith.constant 32 : index
      %swap3A_432 = tpu.vector_load %arg10[%swap3A_431] {strides = array<i32>} : memref<128xi32, #tpu.memory_space<vmem>>, vector<16xi32>,
      %swap3A_433 = vector.shape_cast %swap3A_432 : vector<16xi32> to vector<16xi32>
      %swap3A_434 = vector.shape_cast %and3A_430 : vector<16xi32> to vector<16xi32>
      tpu.vector_store %arg10[%swap3A_431], %swap3A_434 {strides = array<i32>} : memref<128xi32, #tpu.memory_space<vmem>>, vector<16xi32>,
      %get3A_435 = arith.constant 2 : i32
      %get3A_436 = arith.index_cast %get3A_435 : i32 to index
      %get3A_437 = arith.constant 48 : index
      %get3A_438 = tpu.vector_load %arg12[%get3A_436, %get3A_437] {strides = array<i32>} : memref<8x128xi32, #tpu.memory_space<vmem>>, vector<1x16xi32>,
      %get3A_439 = vector.shape_cast %get3A_438 : vector<1x16xi32> to vector<16xi32>
      %shift_right_logical3A_440 = arith.constant 14 : i32
      %shift_right_logical3A_441 = vector.broadcast %shift_right_logical3A_440 : i32 to vector<16xi32>
      %shift_right_logical3A_442 = arith.shrui %get3A_439, %shift_right_logical3A_441 : vector<16xi32>
      %add3A_443 = vector.broadcast %mul3A_2 : i32 to vector<16xi32>
      %add3A_444 = arith.addi %shift_right_logical3A_442, %add3A_443 : vector<16xi32>
      %swap3A_445 = arith.constant 48 : index
      %swap3A_446 = tpu.vector_load %arg8[%swap3A_445] {strides = array<i32>} : memref<128xi32, #tpu.memory_space<vmem>>, vector<16xi32>,
      %swap3A_447 = vector.shape_cast %swap3A_446 : vector<16xi32> to vector<16xi32>
      %swap3A_448 = vector.shape_cast %add3A_444 : vector<16xi32> to vector<16xi32>
      tpu.vector_store %arg8[%swap3A_445], %swap3A_448 {strides = array<i32>} : memref<128xi32, #tpu.memory_space<vmem>>, vector<16xi32>,
      %and3A_449 = arith.constant 16383 : i32
      %and3A_450 = vector.broadcast %and3A_449 : i32 to vector<16xi32>
      %and3A_451 = arith.andi %get3A_439, %and3A_450 : vector<16xi32>
      %swap3A_452 = arith.constant 48 : index
      %swap3A_453 = tpu.vector_load %arg10[%swap3A_452] {strides = array<i32>} : memref<128xi32, #tpu.memory_space<vmem>>, vector<16xi32>,
      %swap3A_454 = vector.shape_cast %swap3A_453 : vector<16xi32> to vector<16xi32>
      %swap3A_455 = vector.shape_cast %and3A_451 : vector<16xi32> to vector<16xi32>
      tpu.vector_store %arg10[%swap3A_452], %swap3A_455 {strides = array<i32>} : memref<128xi32, #tpu.memory_space<vmem>>, vector<16xi32>,
      %get3A_456 = arith.constant 2 : i32
      %get3A_457 = arith.index_cast %get3A_456 : i32 to index
      %get3A_458 = arith.constant 64 : index
      %get3A_459 = tpu.vector_load %arg12[%get3A_457, %get3A_458] {strides = array<i32>} : memref<8x128xi32, #tpu.memory_space<vmem>>, vector<1x16xi32>,
      %get3A_460 = vector.shape_cast %get3A_459 : vector<1x16xi32> to vector<16xi32>
      %shift_right_logical3A_461 = arith.constant 14 : i32
      %shift_right_logical3A_462 = vector.broadcast %shift_right_logical3A_461 : i32 to vector<16xi32>
      %shift_right_logical3A_463 = arith.shrui %get3A_460, %shift_right_logical3A_462 : vector<16xi32>
      %add3A_464 = vector.broadcast %mul3A_2 : i32 to vector<16xi32>
      %add3A_465 = arith.addi %shift_right_logical3A_463, %add3A_464 : vector<16xi32>
      %swap3A_466 = arith.constant 64 : index
      %swap3A_467 = tpu.vector_load %arg8[%swap3A_466] {strides = array<i32>} : memref<128xi32, #tpu.memory_space<vmem>>, vector<16xi32>,
      %swap3A_468 = vector.shape_cast %swap3A_467 : vector<16xi32> to vector<16xi32>
      %swap3A_469 = vector.shape_cast %add3A_465 : vector<16xi32> to vector<16xi32>
      tpu.vector_store %arg8[%swap3A_466], %swap3A_469 {strides = array<i32>} : memref<128xi32, #tpu.memory_space<vmem>>, vector<16xi32>,
      %and3A_470 = arith.constant 16383 : i32
      %and3A_471 = vector.broadcast %and3A_470 : i32 to vector<16xi32>
      %and3A_472 = arith.andi %get3A_460, %and3A_471 : vector<16xi32>
      %swap3A_473 = arith.constant 64 : index
      %swap3A_474 = tpu.vector_load %arg10[%swap3A_473] {strides = array<i32>} : memref<128xi32, #tpu.memory_space<vmem>>, vector<16xi32>,
      %swap3A_475 = vector.shape_cast %swap3A_474 : vector<16xi32> to vector<16xi32>
      %swap3A_476 = vector.shape_cast %and3A_472 : vector<16xi32> to vector<16xi32>
      tpu.vector_store %arg10[%swap3A_473], %swap3A_476 {strides = array<i32>} : memref<128xi32, #tpu.memory_space<vmem>>, vector<16xi32>,
      %get3A_477 = arith.constant 2 : i32
      %get3A_478 = arith.index_cast %get3A_477 : i32 to index
      %get3A_479 = arith.constant 80 : index
      %get3A_480 = tpu.vector_load %arg12[%get3A_478, %get3A_479] {strides = array<i32>} : memref<8x128xi32, #tpu.memory_space<vmem>>, vector<1x16xi32>,
      %get3A_481 = vector.shape_cast %get3A_480 : vector<1x16xi32> to vector<16xi32>
      %shift_right_logical3A_482 = arith.constant 14 : i32
      %shift_right_logical3A_483 = vector.broadcast %shift_right_logical3A_482 : i32 to vector<16xi32>
      %shift_right_logical3A_484 = arith.shrui %get3A_481, %shift_right_logical3A_483 : vector<16xi32>
      %add3A_485 = vector.broadcast %mul3A_2 : i32 to vector<16xi32>
      %add3A_486 = arith.addi %shift_right_logical3A_484, %add3A_485 : vector<16xi32>
      %swap3A_487 = arith.constant 80 : index
      %swap3A_488 = tpu.vector_load %arg8[%swap3A_487] {strides = array<i32>} : memref<128xi32, #tpu.memory_space<vmem>>, vector<16xi32>,
      %swap3A_489 = vector.shape_cast %swap3A_488 : vector<16xi32> to vector<16xi32>
      %swap3A_490 = vector.shape_cast %add3A_486 : vector<16xi32> to vector<16xi32>
      tpu.vector_store %arg8[%swap3A_487], %swap3A_490 {strides = array<i32>} : memref<128xi32, #tpu.memory_space<vmem>>, vector<16xi32>,
      %and3A_491 = arith.constant 16383 : i32
      %and3A_492 = vector.broadcast %and3A_491 : i32 to vector<16xi32>
      %and3A_493 = arith.andi %get3A_481, %and3A_492 : vector<16xi32>
      %swap3A_494 = arith.constant 80 : index
      %swap3A_495 = tpu.vector_load %arg10[%swap3A_494] {strides = array<i32>} : memref<128xi32, #tpu.memory_space<vmem>>, vector<16xi32>,
      %swap3A_496 = vector.shape_cast %swap3A_495 : vector<16xi32> to vector<16xi32>
      %swap3A_497 = vector.shape_cast %and3A_493 : vector<16xi32> to vector<16xi32>
      tpu.vector_store %arg10[%swap3A_494], %swap3A_497 {strides = array<i32>} : memref<128xi32, #tpu.memory_space<vmem>>, vector<16xi32>,
      %get3A_498 = arith.constant 2 : i32
      %get3A_499 = arith.index_cast %get3A_498 : i32 to index
      %get3A_500 = arith.constant 96 : index
      %get3A_501 = tpu.vector_load %arg12[%get3A_499, %get3A_500] {strides = array<i32>} : memref<8x128xi32, #tpu.memory_space<vmem>>, vector<1x16xi32>,
      %get3A_502 = vector.shape_cast %get3A_501 : vector<1x16xi32> to vector<16xi32>
      %shift_right_logical3A_503 = arith.constant 14 : i32
      %shift_right_logical3A_504 = vector.broadcast %shift_right_logical3A_503 : i32 to vector<16xi32>
      %shift_right_logical3A_505 = arith.shrui %get3A_502, %shift_right_logical3A_504 : vector<16xi32>
      %add3A_506 = vector.broadcast %mul3A_2 : i32 to vector<16xi32>
      %add3A_507 = arith.addi %shift_right_logical3A_505, %add3A_506 : vector<16xi32>
      %swap3A_508 = arith.constant 96 : index
      %swap3A_509 = tpu.vector_load %arg8[%swap3A_508] {strides = array<i32>} : memref<128xi32, #tpu.memory_space<vmem>>, vector<16xi32>,
      %swap3A_510 = vector.shape_cast %swap3A_509 : vector<16xi32> to vector<16xi32>
      %swap3A_511 = vector.shape_cast %add3A_507 : vector<16xi32> to vector<16xi32>
      tpu.vector_store %arg8[%swap3A_508], %swap3A_511 {strides = array<i32>} : memref<128xi32, #tpu.memory_space<vmem>>, vector<16xi32>,
      %and3A_512 = arith.constant 16383 : i32
      %and3A_513 = vector.broadcast %and3A_512 : i32 to vector<16xi32>
      %and3A_514 = arith.andi %get3A_502, %and3A_513 : vector<16xi32>
      %swap3A_515 = arith.constant 96 : index
      %swap3A_516 = tpu.vector_load %arg10[%swap3A_515] {strides = array<i32>} : memref<128xi32, #tpu.memory_space<vmem>>, vector<16xi32>,
      %swap3A_517 = vector.shape_cast %swap3A_516 : vector<16xi32> to vector<16xi32>
      %swap3A_518 = vector.shape_cast %and3A_514 : vector<16xi32> to vector<16xi32>
      tpu.vector_store %arg10[%swap3A_515], %swap3A_518 {strides = array<i32>} : memref<128xi32, #tpu.memory_space<vmem>>, vector<16xi32>,
      %get3A_519 = arith.constant 2 : i32
      %get3A_520 = arith.index_cast %get3A_519 : i32 to index
      %get3A_521 = arith.constant 112 : index
      %get3A_522 = tpu.vector_load %arg12[%get3A_520, %get3A_521] {strides = array<i32>} : memref<8x128xi32, #tpu.memory_space<vmem>>, vector<1x16xi32>,
      %get3A_523 = vector.shape_cast %get3A_522 : vector<1x16xi32> to vector<16xi32>
      %shift_right_logical3A_524 = arith.constant 14 : i32
      %shift_right_logical3A_525 = vector.broadcast %shift_right_logical3A_524 : i32 to vector<16xi32>
      %shift_right_logical3A_526 = arith.shrui %get3A_523, %shift_right_logical3A_525 : vector<16xi32>
      %add3A_527 = vector.broadcast %mul3A_2 : i32 to vector<16xi32>
      %add3A_528 = arith.addi %shift_right_logical3A_526, %add3A_527 : vector<16xi32>
      %swap3A_529 = arith.constant 112 : index
      %swap3A_530 = tpu.vector_load %arg8[%swap3A_529] {strides = array<i32>} : memref<128xi32, #tpu.memory_space<vmem>>, vector<16xi32>,
      %swap3A_531 = vector.shape_cast %swap3A_530 : vector<16xi32> to vector<16xi32>
      %swap3A_532 = vector.shape_cast %add3A_528 : vector<16xi32> to vector<16xi32>
      tpu.vector_store %arg8[%swap3A_529], %swap3A_532 {strides = array<i32>} : memref<128xi32, #tpu.memory_space<vmem>>, vector<16xi32>,
      %and3A_533 = arith.constant 16383 : i32
      %and3A_534 = vector.broadcast %and3A_533 : i32 to vector<16xi32>
      %and3A_535 = arith.andi %get3A_523, %and3A_534 : vector<16xi32>
      %swap3A_536 = arith.constant 112 : index
      %swap3A_537 = tpu.vector_load %arg10[%swap3A_536] {strides = array<i32>} : memref<128xi32, #tpu.memory_space<vmem>>, vector<16xi32>,
      %swap3A_538 = vector.shape_cast %swap3A_537 : vector<16xi32> to vector<16xi32>
      %swap3A_539 = vector.shape_cast %and3A_535 : vector<16xi32> to vector<16xi32>
      tpu.vector_store %arg10[%swap3A_536], %swap3A_539 {strides = array<i32>} : memref<128xi32, #tpu.memory_space<vmem>>, vector<16xi32>,
      %dma_start3A_540 = arith.constant 0 : i32
      %dma_start3A_541 = arith.constant 0 : i32
      %dma_start3A_542 = arith.constant 0 : i32
      %dma_start3A_543 = tpu.memref_slice %arg2[%dma_start3A_541, %dma_start3A_542] : memref<20000x128xbf16, #tpu.memory_space<hbm>> -> memref<20000x128xbf16, #tpu.memory_space<hbm>>
      %dma_start3A_544 = tpu.memref_slice %arg13[%dma_start3A_540] : memref<2x!tpu.dma_semaphore, #tpu.memory_space<semaphore_mem>> -> memref<1x!tpu.dma_semaphore, #tpu.memory_space<semaphore_mem>>
      %dma_start3A_545 = tpu.memref_squeeze %dma_start3A_544 : memref<1x!tpu.dma_semaphore, #tpu.memory_space<semaphore_mem>> -> memref<!tpu.dma_semaphore, #tpu.memory_space<semaphore_mem>>
      tpu.enqueue_indirect_dma source(%dma_start3A_543 : memref<20000x128xbf16, #tpu.memory_space<hbm>>) target(%arg6 : memref<128x128xbf16, #tpu.memory_space<vmem>>) offsets(%arg8 : memref<128xi32, #tpu.memory_space<vmem>>) semaphore(%dma_start3A_545 : memref<!tpu.dma_semaphore, #tpu.memory_space<semaphore_mem>>)
      %dma_wait3A_546 = arith.constant 1 : i32
      %dma_wait3A_547 = arith.constant 0 : i32
      %dma_wait3A_548 = arith.constant 0 : i32
      %dma_wait3A_549 = tpu.memref_slice %arg2[%dma_wait3A_547, %dma_wait3A_548] : memref<20000x128xbf16, #tpu.memory_space<hbm>> -> memref<128x128xbf16, #tpu.memory_space<hbm>>
      %dma_wait3A_550 = tpu.memref_slice %arg13[%dma_wait3A_546] : memref<2x!tpu.dma_semaphore, #tpu.memory_space<semaphore_mem>> -> memref<1x!tpu.dma_semaphore, #tpu.memory_space<semaphore_mem>>
      %dma_wait3A_551 = tpu.memref_squeeze %dma_wait3A_550 : memref<1x!tpu.dma_semaphore, #tpu.memory_space<semaphore_mem>> -> memref<!tpu.dma_semaphore, #tpu.memory_space<semaphore_mem>>
      %dma_wait3A_552 = arith.constant 0 : i32
      %dma_wait3A_553 = arith.constant 0 : i32
      %dma_wait3A_554 = tpu.memref_slice %arg2[%dma_wait3A_552, %dma_wait3A_553] : memref<20000x128xbf16, #tpu.memory_space<hbm>> -> memref<128x128xbf16, #tpu.memory_space<hbm>>
      tpu.wait_dma2 semaphore(%dma_wait3A_551 : memref<!tpu.dma_semaphore, #tpu.memory_space<semaphore_mem>>) src(%dma_wait3A_554 : memref<128x128xbf16, #tpu.memory_space<hbm>>) dst(%arg7 : memref<128x128xbf16, #tpu.memory_space<vmem>>)
      "tpu.region"() ({
        %run_scoped3A = tpu.sem_alloc : memref<!tpu.dma_semaphore, #tpu.memory_space<semaphore_mem>>
        %dma_start3A_1483 = arith.constant 0 : i32
        %dma_start3A_1484 = arith.constant 0 : i32
        %dma_start3A_1485 = tpu.memref_slice %arg5[%dma_start3A_1483, %dma_start3A_1484] : memref<10016x128xbf16, #tpu.memory_space<vmem_shared>> -> memref<10016x128xbf16, #tpu.memory_space<vmem_shared>>
        tpu.enqueue_indirect_dma source(%arg7 : memref<128x128xbf16, #tpu.memory_space<vmem>>) target(%dma_start3A_1485 : memref<10016x128xbf16, #tpu.memory_space<vmem_shared>>) offsets(%arg11 : memref<128xi32, #tpu.memory_space<vmem>>) semaphore(%run_scoped3A : memref<!tpu.dma_semaphore, #tpu.memory_space<semaphore_mem>>) {add = true}
        %dma_wait3A_1486 = arith.constant 0 : i32
        %dma_wait3A_1487 = arith.constant 0 : i32
        %dma_wait3A_1488 = tpu.memref_slice %arg5[%dma_wait3A_1486, %dma_wait3A_1487] : memref<10016x128xbf16, #tpu.memory_space<vmem_shared>> -> memref<10016x128xbf16, #tpu.memory_space<vmem_shared>>
        tpu.wait_indirect_dma semaphore(%run_scoped3A : memref<!tpu.dma_semaphore, #tpu.memory_space<semaphore_mem>>) src(%arg7 : memref<128x128xbf16, #tpu.memory_space<vmem>>) dst(%dma_wait3A_1488 : memref<10016x128xbf16, #tpu.memory_space<vmem_shared>>)
        tpu.yield
      }) : () -> ()
      %get3A_555 = arith.constant 3 : i32
      %get3A_556 = arith.index_cast %get3A_555 : i32 to index
      %get3A_557 = arith.constant 0 : index
      %get3A_558 = tpu.vector_load %arg12[%get3A_556, %get3A_557] {strides = array<i32>} : memref<8x128xi32, #tpu.memory_space<vmem>>, vector<1x16xi32>,
      %get3A_559 = vector.shape_cast %get3A_558 : vector<1x16xi32> to vector<16xi32>
      %shift_right_logical3A_560 = arith.constant 14 : i32
      %shift_right_logical3A_561 = vector.broadcast %shift_right_logical3A_560 : i32 to vector<16xi32>
      %shift_right_logical3A_562 = arith.shrui %get3A_559, %shift_right_logical3A_561 : vector<16xi32>
      %add3A_563 = vector.broadcast %mul3A_2 : i32 to vector<16xi32>
      %add3A_564 = arith.addi %shift_right_logical3A_562, %add3A_563 : vector<16xi32>
      %swap3A_565 = arith.constant 0 : index
      %swap3A_566 = tpu.vector_load %arg9[%swap3A_565] {strides = array<i32>} : memref<128xi32, #tpu.memory_space<vmem>>, vector<16xi32>,
      %swap3A_567 = vector.shape_cast %swap3A_566 : vector<16xi32> to vector<16xi32>
      %swap3A_568 = vector.shape_cast %add3A_564 : vector<16xi32> to vector<16xi32>
      tpu.vector_store %arg9[%swap3A_565], %swap3A_568 {strides = array<i32>} : memref<128xi32, #tpu.memory_space<vmem>>, vector<16xi32>,
      %and3A_569 = arith.constant 16383 : i32
      %and3A_570 = vector.broadcast %and3A_569 : i32 to vector<16xi32>
      %and3A_571 = arith.andi %get3A_559, %and3A_570 : vector<16xi32>
      %swap3A_572 = arith.constant 0 : index
      %swap3A_573 = tpu.vector_load %arg11[%swap3A_572] {strides = array<i32>} : memref<128xi32, #tpu.memory_space<vmem>>, vector<16xi32>,
      %swap3A_574 = vector.shape_cast %swap3A_573 : vector<16xi32> to vector<16xi32>
      %swap3A_575 = vector.shape_cast %and3A_571 : vector<16xi32> to vector<16xi32>
      tpu.vector_store %arg11[%swap3A_572], %swap3A_575 {strides = array<i32>} : memref<128xi32, #tpu.memory_space<vmem>>, vector<16xi32>,
      %get3A_576 = arith.constant 3 : i32
      %get3A_577 = arith.index_cast %get3A_576 : i32 to index
      %get3A_578 = arith.constant 16 : index
      %get3A_579 = tpu.vector_load %arg12[%get3A_577, %get3A_578] {strides = array<i32>} : memref<8x128xi32, #tpu.memory_space<vmem>>, vector<1x16xi32>,
      %get3A_580 = vector.shape_cast %get3A_579 : vector<1x16xi32> to vector<16xi32>
      %shift_right_logical3A_581 = arith.constant 14 : i32
      %shift_right_logical3A_582 = vector.broadcast %shift_right_logical3A_581 : i32 to vector<16xi32>
      %shift_right_logical3A_583 = arith.shrui %get3A_580, %shift_right_logical3A_582 : vector<16xi32>
      %add3A_584 = vector.broadcast %mul3A_2 : i32 to vector<16xi32>
      %add3A_585 = arith.addi %shift_right_logical3A_583, %add3A_584 : vector<16xi32>
      %swap3A_586 = arith.constant 16 : index
      %swap3A_587 = tpu.vector_load %arg9[%swap3A_586] {strides = array<i32>} : memref<128xi32, #tpu.memory_space<vmem>>, vector<16xi32>,
      %swap3A_588 = vector.shape_cast %swap3A_587 : vector<16xi32> to vector<16xi32>
      %swap3A_589 = vector.shape_cast %add3A_585 : vector<16xi32> to vector<16xi32>
      tpu.vector_store %arg9[%swap3A_586], %swap3A_589 {strides = array<i32>} : memref<128xi32, #tpu.memory_space<vmem>>, vector<16xi32>,
      %and3A_590 = arith.constant 16383 : i32
      %and3A_591 = vector.broadcast %and3A_590 : i32 to vector<16xi32>
      %and3A_592 = arith.andi %get3A_580, %and3A_591 : vector<16xi32>
      %swap3A_593 = arith.constant 16 : index
      %swap3A_594 = tpu.vector_load %arg11[%swap3A_593] {strides = array<i32>} : memref<128xi32, #tpu.memory_space<vmem>>, vector<16xi32>,
      %swap3A_595 = vector.shape_cast %swap3A_594 : vector<16xi32> to vector<16xi32>
      %swap3A_596 = vector.shape_cast %and3A_592 : vector<16xi32> to vector<16xi32>
      tpu.vector_store %arg11[%swap3A_593], %swap3A_596 {strides = array<i32>} : memref<128xi32, #tpu.memory_space<vmem>>, vector<16xi32>,
      %get3A_597 = arith.constant 3 : i32
      %get3A_598 = arith.index_cast %get3A_597 : i32 to index
      %get3A_599 = arith.constant 32 : index
      %get3A_600 = tpu.vector_load %arg12[%get3A_598, %get3A_599] {strides = array<i32>} : memref<8x128xi32, #tpu.memory_space<vmem>>, vector<1x16xi32>,
      %get3A_601 = vector.shape_cast %get3A_600 : vector<1x16xi32> to vector<16xi32>
      %shift_right_logical3A_602 = arith.constant 14 : i32
      %shift_right_logical3A_603 = vector.broadcast %shift_right_logical3A_602 : i32 to vector<16xi32>
      %shift_right_logical3A_604 = arith.shrui %get3A_601, %shift_right_logical3A_603 : vector<16xi32>
      %add3A_605 = vector.broadcast %mul3A_2 : i32 to vector<16xi32>
      %add3A_606 = arith.addi %shift_right_logical3A_604, %add3A_605 : vector<16xi32>
      %swap3A_607 = arith.constant 32 : index
      %swap3A_608 = tpu.vector_load %arg9[%swap3A_607] {strides = array<i32>} : memref<128xi32, #tpu.memory_space<vmem>>, vector<16xi32>,
      %swap3A_609 = vector.shape_cast %swap3A_608 : vector<16xi32> to vector<16xi32>
      %swap3A_610 = vector.shape_cast %add3A_606 : vector<16xi32> to vector<16xi32>
      tpu.vector_store %arg9[%swap3A_607], %swap3A_610 {strides = array<i32>} : memref<128xi32, #tpu.memory_space<vmem>>, vector<16xi32>,
      %and3A_611 = arith.constant 16383 : i32
      %and3A_612 = vector.broadcast %and3A_611 : i32 to vector<16xi32>
      %and3A_613 = arith.andi %get3A_601, %and3A_612 : vector<16xi32>
      %swap3A_614 = arith.constant 32 : index
      %swap3A_615 = tpu.vector_load %arg11[%swap3A_614] {strides = array<i32>} : memref<128xi32, #tpu.memory_space<vmem>>, vector<16xi32>,
      %swap3A_616 = vector.shape_cast %swap3A_615 : vector<16xi32> to vector<16xi32>
      %swap3A_617 = vector.shape_cast %and3A_613 : vector<16xi32> to vector<16xi32>
      tpu.vector_store %arg11[%swap3A_614], %swap3A_617 {strides = array<i32>} : memref<128xi32, #tpu.memory_space<vmem>>, vector<16xi32>,
      %get3A_618 = arith.constant 3 : i32
      %get3A_619 = arith.index_cast %get3A_618 : i32 to index
      %get3A_620 = arith.constant 48 : index
      %get3A_621 = tpu.vector_load %arg12[%get3A_619, %get3A_620] {strides = array<i32>} : memref<8x128xi32, #tpu.memory_space<vmem>>, vector<1x16xi32>,
      %get3A_622 = vector.shape_cast %get3A_621 : vector<1x16xi32> to vector<16xi32>
      %shift_right_logical3A_623 = arith.constant 14 : i32
      %shift_right_logical3A_624 = vector.broadcast %shift_right_logical3A_623 : i32 to vector<16xi32>
      %shift_right_logical3A_625 = arith.shrui %get3A_622, %shift_right_logical3A_624 : vector<16xi32>
      %add3A_626 = vector.broadcast %mul3A_2 : i32 to vector<16xi32>
      %add3A_627 = arith.addi %shift_right_logical3A_625, %add3A_626 : vector<16xi32>
      %swap3A_628 = arith.constant 48 : index
      %swap3A_629 = tpu.vector_load %arg9[%swap3A_628] {strides = array<i32>} : memref<128xi32, #tpu.memory_space<vmem>>, vector<16xi32>,
      %swap3A_630 = vector.shape_cast %swap3A_629 : vector<16xi32> to vector<16xi32>
      %swap3A_631 = vector.shape_cast %add3A_627 : vector<16xi32> to vector<16xi32>
      tpu.vector_store %arg9[%swap3A_628], %swap3A_631 {strides = array<i32>} : memref<128xi32, #tpu.memory_space<vmem>>, vector<16xi32>,
      %and3A_632 = arith.constant 16383 : i32
      %and3A_633 = vector.broadcast %and3A_632 : i32 to vector<16xi32>
      %and3A_634 = arith.andi %get3A_622, %and3A_633 : vector<16xi32>
      %swap3A_635 = arith.constant 48 : index
      %swap3A_636 = tpu.vector_load %arg11[%swap3A_635] {strides = array<i32>} : memref<128xi32, #tpu.memory_space<vmem>>, vector<16xi32>,
      %swap3A_637 = vector.shape_cast %swap3A_636 : vector<16xi32> to vector<16xi32>
      %swap3A_638 = vector.shape_cast %and3A_634 : vector<16xi32> to vector<16xi32>
      tpu.vector_store %arg11[%swap3A_635], %swap3A_638 {strides = array<i32>} : memref<128xi32, #tpu.memory_space<vmem>>, vector<16xi32>,
      %get3A_639 = arith.constant 3 : i32
      %get3A_640 = arith.index_cast %get3A_639 : i32 to index
      %get3A_641 = arith.constant 64 : index
      %get3A_642 = tpu.vector_load %arg12[%get3A_640, %get3A_641] {strides = array<i32>} : memref<8x128xi32, #tpu.memory_space<vmem>>, vector<1x16xi32>,
      %get3A_643 = vector.shape_cast %get3A_642 : vector<1x16xi32> to vector<16xi32>
      %shift_right_logical3A_644 = arith.constant 14 : i32
      %shift_right_logical3A_645 = vector.broadcast %shift_right_logical3A_644 : i32 to vector<16xi32>
      %shift_right_logical3A_646 = arith.shrui %get3A_643, %shift_right_logical3A_645 : vector<16xi32>
      %add3A_647 = vector.broadcast %mul3A_2 : i32 to vector<16xi32>
      %add3A_648 = arith.addi %shift_right_logical3A_646, %add3A_647 : vector<16xi32>
      %swap3A_649 = arith.constant 64 : index
      %swap3A_650 = tpu.vector_load %arg9[%swap3A_649] {strides = array<i32>} : memref<128xi32, #tpu.memory_space<vmem>>, vector<16xi32>,
      %swap3A_651 = vector.shape_cast %swap3A_650 : vector<16xi32> to vector<16xi32>
      %swap3A_652 = vector.shape_cast %add3A_648 : vector<16xi32> to vector<16xi32>
      tpu.vector_store %arg9[%swap3A_649], %swap3A_652 {strides = array<i32>} : memref<128xi32, #tpu.memory_space<vmem>>, vector<16xi32>,
      %and3A_653 = arith.constant 16383 : i32
      %and3A_654 = vector.broadcast %and3A_653 : i32 to vector<16xi32>
      %and3A_655 = arith.andi %get3A_643, %and3A_654 : vector<16xi32>
      %swap3A_656 = arith.constant 64 : index
      %swap3A_657 = tpu.vector_load %arg11[%swap3A_656] {strides = array<i32>} : memref<128xi32, #tpu.memory_space<vmem>>, vector<16xi32>,
      %swap3A_658 = vector.shape_cast %swap3A_657 : vector<16xi32> to vector<16xi32>
      %swap3A_659 = vector.shape_cast %and3A_655 : vector<16xi32> to vector<16xi32>
      tpu.vector_store %arg11[%swap3A_656], %swap3A_659 {strides = array<i32>} : memref<128xi32, #tpu.memory_space<vmem>>, vector<16xi32>,
      %get3A_660 = arith.constant 3 : i32
      %get3A_661 = arith.index_cast %get3A_660 : i32 to index
      %get3A_662 = arith.constant 80 : index
      %get3A_663 = tpu.vector_load %arg12[%get3A_661, %get3A_662] {strides = array<i32>} : memref<8x128xi32, #tpu.memory_space<vmem>>, vector<1x16xi32>,
      %get3A_664 = vector.shape_cast %get3A_663 : vector<1x16xi32> to vector<16xi32>
      %shift_right_logical3A_665 = arith.constant 14 : i32
      %shift_right_logical3A_666 = vector.broadcast %shift_right_logical3A_665 : i32 to vector<16xi32>
      %shift_right_logical3A_667 = arith.shrui %get3A_664, %shift_right_logical3A_666 : vector<16xi32>
      %add3A_668 = vector.broadcast %mul3A_2 : i32 to vector<16xi32>
      %add3A_669 = arith.addi %shift_right_logical3A_667, %add3A_668 : vector<16xi32>
      %swap3A_670 = arith.constant 80 : index
      %swap3A_671 = tpu.vector_load %arg9[%swap3A_670] {strides = array<i32>} : memref<128xi32, #tpu.memory_space<vmem>>, vector<16xi32>,
      %swap3A_672 = vector.shape_cast %swap3A_671 : vector<16xi32> to vector<16xi32>
      %swap3A_673 = vector.shape_cast %add3A_669 : vector<16xi32> to vector<16xi32>
      tpu.vector_store %arg9[%swap3A_670], %swap3A_673 {strides = array<i32>} : memref<128xi32, #tpu.memory_space<vmem>>, vector<16xi32>,
      %and3A_674 = arith.constant 16383 : i32
      %and3A_675 = vector.broadcast %and3A_674 : i32 to vector<16xi32>
      %and3A_676 = arith.andi %get3A_664, %and3A_675 : vector<16xi32>
      %swap3A_677 = arith.constant 80 : index
      %swap3A_678 = tpu.vector_load %arg11[%swap3A_677] {strides = array<i32>} : memref<128xi32, #tpu.memory_space<vmem>>, vector<16xi32>,
      %swap3A_679 = vector.shape_cast %swap3A_678 : vector<16xi32> to vector<16xi32>
      %swap3A_680 = vector.shape_cast %and3A_676 : vector<16xi32> to vector<16xi32>
      tpu.vector_store %arg11[%swap3A_677], %swap3A_680 {strides = array<i32>} : memref<128xi32, #tpu.memory_space<vmem>>, vector<16xi32>,
      %get3A_681 = arith.constant 3 : i32
      %get3A_682 = arith.index_cast %get3A_681 : i32 to index
      %get3A_683 = arith.constant 96 : index
      %get3A_684 = tpu.vector_load %arg12[%get3A_682, %get3A_683] {strides = array<i32>} : memref<8x128xi32, #tpu.memory_space<vmem>>, vector<1x16xi32>,
      %get3A_685 = vector.shape_cast %get3A_684 : vector<1x16xi32> to vector<16xi32>
      %shift_right_logical3A_686 = arith.constant 14 : i32
      %shift_right_logical3A_687 = vector.broadcast %shift_right_logical3A_686 : i32 to vector<16xi32>
      %shift_right_logical3A_688 = arith.shrui %get3A_685, %shift_right_logical3A_687 : vector<16xi32>
      %add3A_689 = vector.broadcast %mul3A_2 : i32 to vector<16xi32>
      %add3A_690 = arith.addi %shift_right_logical3A_688, %add3A_689 : vector<16xi32>
      %swap3A_691 = arith.constant 96 : index
      %swap3A_692 = tpu.vector_load %arg9[%swap3A_691] {strides = array<i32>} : memref<128xi32, #tpu.memory_space<vmem>>, vector<16xi32>,
      %swap3A_693 = vector.shape_cast %swap3A_692 : vector<16xi32> to vector<16xi32>
      %swap3A_694 = vector.shape_cast %add3A_690 : vector<16xi32> to vector<16xi32>
      tpu.vector_store %arg9[%swap3A_691], %swap3A_694 {strides = array<i32>} : memref<128xi32, #tpu.memory_space<vmem>>, vector<16xi32>,
      %and3A_695 = arith.constant 16383 : i32
      %and3A_696 = vector.broadcast %and3A_695 : i32 to vector<16xi32>
      %and3A_697 = arith.andi %get3A_685, %and3A_696 : vector<16xi32>
      %swap3A_698 = arith.constant 96 : index
      %swap3A_699 = tpu.vector_load %arg11[%swap3A_698] {strides = array<i32>} : memref<128xi32, #tpu.memory_space<vmem>>, vector<16xi32>,
      %swap3A_700 = vector.shape_cast %swap3A_699 : vector<16xi32> to vector<16xi32>
      %swap3A_701 = vector.shape_cast %and3A_697 : vector<16xi32> to vector<16xi32>
      tpu.vector_store %arg11[%swap3A_698], %swap3A_701 {strides = array<i32>} : memref<128xi32, #tpu.memory_space<vmem>>, vector<16xi32>,
      %get3A_702 = arith.constant 3 : i32
      %get3A_703 = arith.index_cast %get3A_702 : i32 to index
      %get3A_704 = arith.constant 112 : index
      %get3A_705 = tpu.vector_load %arg12[%get3A_703, %get3A_704] {strides = array<i32>} : memref<8x128xi32, #tpu.memory_space<vmem>>, vector<1x16xi32>,
      %get3A_706 = vector.shape_cast %get3A_705 : vector<1x16xi32> to vector<16xi32>
      %shift_right_logical3A_707 = arith.constant 14 : i32
      %shift_right_logical3A_708 = vector.broadcast %shift_right_logical3A_707 : i32 to vector<16xi32>
      %shift_right_logical3A_709 = arith.shrui %get3A_706, %shift_right_logical3A_708 : vector<16xi32>
      %add3A_710 = vector.broadcast %mul3A_2 : i32 to vector<16xi32>
      %add3A_711 = arith.addi %shift_right_logical3A_709, %add3A_710 : vector<16xi32>
      %swap3A_712 = arith.constant 112 : index
      %swap3A_713 = tpu.vector_load %arg9[%swap3A_712] {strides = array<i32>} : memref<128xi32, #tpu.memory_space<vmem>>, vector<16xi32>,
      %swap3A_714 = vector.shape_cast %swap3A_713 : vector<16xi32> to vector<16xi32>
      %swap3A_715 = vector.shape_cast %add3A_711 : vector<16xi32> to vector<16xi32>
      tpu.vector_store %arg9[%swap3A_712], %swap3A_715 {strides = array<i32>} : memref<128xi32, #tpu.memory_space<vmem>>, vector<16xi32>,
      %and3A_716 = arith.constant 16383 : i32
      %and3A_717 = vector.broadcast %and3A_716 : i32 to vector<16xi32>
      %and3A_718 = arith.andi %get3A_706, %and3A_717 : vector<16xi32>
      %swap3A_719 = arith.constant 112 : index
      %swap3A_720 = tpu.vector_load %arg11[%swap3A_719] {strides = array<i32>} : memref<128xi32, #tpu.memory_space<vmem>>, vector<16xi32>,
      %swap3A_721 = vector.shape_cast %swap3A_720 : vector<16xi32> to vector<16xi32>
      %swap3A_722 = vector.shape_cast %and3A_718 : vector<16xi32> to vector<16xi32>
      tpu.vector_store %arg11[%swap3A_719], %swap3A_722 {strides = array<i32>} : memref<128xi32, #tpu.memory_space<vmem>>, vector<16xi32>,
      %dma_start3A_723 = arith.constant 1 : i32
      %dma_start3A_724 = arith.constant 0 : i32
      %dma_start3A_725 = arith.constant 0 : i32
      %dma_start3A_726 = tpu.memref_slice %arg2[%dma_start3A_724, %dma_start3A_725] : memref<20000x128xbf16, #tpu.memory_space<hbm>> -> memref<20000x128xbf16, #tpu.memory_space<hbm>>
      %dma_start3A_727 = tpu.memref_slice %arg13[%dma_start3A_723] : memref<2x!tpu.dma_semaphore, #tpu.memory_space<semaphore_mem>> -> memref<1x!tpu.dma_semaphore, #tpu.memory_space<semaphore_mem>>
      %dma_start3A_728 = tpu.memref_squeeze %dma_start3A_727 : memref<1x!tpu.dma_semaphore, #tpu.memory_space<semaphore_mem>> -> memref<!tpu.dma_semaphore, #tpu.memory_space<semaphore_mem>>
      tpu.enqueue_indirect_dma source(%dma_start3A_726 : memref<20000x128xbf16, #tpu.memory_space<hbm>>) target(%arg7 : memref<128x128xbf16, #tpu.memory_space<vmem>>) offsets(%arg9 : memref<128xi32, #tpu.memory_space<vmem>>) semaphore(%dma_start3A_728 : memref<!tpu.dma_semaphore, #tpu.memory_space<semaphore_mem>>)
      %dma_wait3A_729 = arith.constant 0 : i32
      %dma_wait3A_730 = arith.constant 0 : i32
      %dma_wait3A_731 = arith.constant 0 : i32
      %dma_wait3A_732 = tpu.memref_slice %arg2[%dma_wait3A_730, %dma_wait3A_731] : memref<20000x128xbf16, #tpu.memory_space<hbm>> -> memref<128x128xbf16, #tpu.memory_space<hbm>>
      %dma_wait3A_733 = tpu.memref_slice %arg13[%dma_wait3A_729] : memref<2x!tpu.dma_semaphore, #tpu.memory_space<semaphore_mem>> -> memref<1x!tpu.dma_semaphore, #tpu.memory_space<semaphore_mem>>
      %dma_wait3A_734 = tpu.memref_squeeze %dma_wait3A_733 : memref<1x!tpu.dma_semaphore, #tpu.memory_space<semaphore_mem>> -> memref<!tpu.dma_semaphore, #tpu.memory_space<semaphore_mem>>
      %dma_wait3A_735 = arith.constant 0 : i32
      %dma_wait3A_736 = arith.constant 0 : i32
      %dma_wait3A_737 = tpu.memref_slice %arg2[%dma_wait3A_735, %dma_wait3A_736] : memref<20000x128xbf16, #tpu.memory_space<hbm>> -> memref<128x128xbf16, #tpu.memory_space<hbm>>
      tpu.wait_dma2 semaphore(%dma_wait3A_734 : memref<!tpu.dma_semaphore, #tpu.memory_space<semaphore_mem>>) src(%dma_wait3A_737 : memref<128x128xbf16, #tpu.memory_space<hbm>>) dst(%arg6 : memref<128x128xbf16, #tpu.memory_space<vmem>>)
      "tpu.region"() ({
        %run_scoped3A = tpu.sem_alloc : memref<!tpu.dma_semaphore, #tpu.memory_space<semaphore_mem>>
        %dma_start3A_1483 = arith.constant 0 : i32
        %dma_start3A_1484 = arith.constant 0 : i32
        %dma_start3A_1485 = tpu.memref_slice %arg5[%dma_start3A_1483, %dma_start3A_1484] : memref<10016x128xbf16, #tpu.memory_space<vmem_shared>> -> memref<10016x128xbf16, #tpu.memory_space<vmem_shared>>
        tpu.enqueue_indirect_dma source(%arg6 : memref<128x128xbf16, #tpu.memory_space<vmem>>) target(%dma_start3A_1485 : memref<10016x128xbf16, #tpu.memory_space<vmem_shared>>) offsets(%arg10 : memref<128xi32, #tpu.memory_space<vmem>>) semaphore(%run_scoped3A : memref<!tpu.dma_semaphore, #tpu.memory_space<semaphore_mem>>) {add = true}
        %dma_wait3A_1486 = arith.constant 0 : i32
        %dma_wait3A_1487 = arith.constant 0 : i32
        %dma_wait3A_1488 = tpu.memref_slice %arg5[%dma_wait3A_1486, %dma_wait3A_1487] : memref<10016x128xbf16, #tpu.memory_space<vmem_shared>> -> memref<10016x128xbf16, #tpu.memory_space<vmem_shared>>
        tpu.wait_indirect_dma semaphore(%run_scoped3A : memref<!tpu.dma_semaphore, #tpu.memory_space<semaphore_mem>>) src(%arg6 : memref<128x128xbf16, #tpu.memory_space<vmem>>) dst(%dma_wait3A_1488 : memref<10016x128xbf16, #tpu.memory_space<vmem_shared>>)
        tpu.yield
      }) : () -> ()
      %get3A_738 = arith.constant 4 : i32
      %get3A_739 = arith.index_cast %get3A_738 : i32 to index
      %get3A_740 = arith.constant 0 : index
      %get3A_741 = tpu.vector_load %arg12[%get3A_739, %get3A_740] {strides = array<i32>} : memref<8x128xi32, #tpu.memory_space<vmem>>, vector<1x16xi32>,
      %get3A_742 = vector.shape_cast %get3A_741 : vector<1x16xi32> to vector<16xi32>
      %shift_right_logical3A_743 = arith.constant 14 : i32
      %shift_right_logical3A_744 = vector.broadcast %shift_right_logical3A_743 : i32 to vector<16xi32>
      %shift_right_logical3A_745 = arith.shrui %get3A_742, %shift_right_logical3A_744 : vector<16xi32>
      %add3A_746 = vector.broadcast %mul3A_2 : i32 to vector<16xi32>
      %add3A_747 = arith.addi %shift_right_logical3A_745, %add3A_746 : vector<16xi32>
      %swap3A_748 = arith.constant 0 : index
      %swap3A_749 = tpu.vector_load %arg8[%swap3A_748] {strides = array<i32>} : memref<128xi32, #tpu.memory_space<vmem>>, vector<16xi32>,
      %swap3A_750 = vector.shape_cast %swap3A_749 : vector<16xi32> to vector<16xi32>
      %swap3A_751 = vector.shape_cast %add3A_747 : vector<16xi32> to vector<16xi32>
      tpu.vector_store %arg8[%swap3A_748], %swap3A_751 {strides = array<i32>} : memref<128xi32, #tpu.memory_space<vmem>>, vector<16xi32>,
      %and3A_752 = arith.constant 16383 : i32
      %and3A_753 = vector.broadcast %and3A_752 : i32 to vector<16xi32>
      %and3A_754 = arith.andi %get3A_742, %and3A_753 : vector<16xi32>
      %swap3A_755 = arith.constant 0 : index
      %swap3A_756 = tpu.vector_load %arg10[%swap3A_755] {strides = array<i32>} : memref<128xi32, #tpu.memory_space<vmem>>, vector<16xi32>,
      %swap3A_757 = vector.shape_cast %swap3A_756 : vector<16xi32> to vector<16xi32>
      %swap3A_758 = vector.shape_cast %and3A_754 : vector<16xi32> to vector<16xi32>
      tpu.vector_store %arg10[%swap3A_755], %swap3A_758 {strides = array<i32>} : memref<128xi32, #tpu.memory_space<vmem>>, vector<16xi32>,
      %get3A_759 = arith.constant 4 : i32
      %get3A_760 = arith.index_cast %get3A_759 : i32 to index
      %get3A_761 = arith.constant 16 : index
      %get3A_762 = tpu.vector_load %arg12[%get3A_760, %get3A_761] {strides = array<i32>} : memref<8x128xi32, #tpu.memory_space<vmem>>, vector<1x16xi32>,
      %get3A_763 = vector.shape_cast %get3A_762 : vector<1x16xi32> to vector<16xi32>
      %shift_right_logical3A_764 = arith.constant 14 : i32
      %shift_right_logical3A_765 = vector.broadcast %shift_right_logical3A_764 : i32 to vector<16xi32>
      %shift_right_logical3A_766 = arith.shrui %get3A_763, %shift_right_logical3A_765 : vector<16xi32>
      %add3A_767 = vector.broadcast %mul3A_2 : i32 to vector<16xi32>
      %add3A_768 = arith.addi %shift_right_logical3A_766, %add3A_767 : vector<16xi32>
      %swap3A_769 = arith.constant 16 : index
      %swap3A_770 = tpu.vector_load %arg8[%swap3A_769] {strides = array<i32>} : memref<128xi32, #tpu.memory_space<vmem>>, vector<16xi32>,
      %swap3A_771 = vector.shape_cast %swap3A_770 : vector<16xi32> to vector<16xi32>
      %swap3A_772 = vector.shape_cast %add3A_768 : vector<16xi32> to vector<16xi32>
      tpu.vector_store %arg8[%swap3A_769], %swap3A_772 {strides = array<i32>} : memref<128xi32, #tpu.memory_space<vmem>>, vector<16xi32>,
      %and3A_773 = arith.constant 16383 : i32
      %and3A_774 = vector.broadcast %and3A_773 : i32 to vector<16xi32>
      %and3A_775 = arith.andi %get3A_763, %and3A_774 : vector<16xi32>
      %swap3A_776 = arith.constant 16 : index
      %swap3A_777 = tpu.vector_load %arg10[%swap3A_776] {strides = array<i32>} : memref<128xi32, #tpu.memory_space<vmem>>, vector<16xi32>,
      %swap3A_778 = vector.shape_cast %swap3A_777 : vector<16xi32> to vector<16xi32>
      %swap3A_779 = vector.shape_cast %and3A_775 : vector<16xi32> to vector<16xi32>
      tpu.vector_store %arg10[%swap3A_776], %swap3A_779 {strides = array<i32>} : memref<128xi32, #tpu.memory_space<vmem>>, vector<16xi32>,
      %get3A_780 = arith.constant 4 : i32
      %get3A_781 = arith.index_cast %get3A_780 : i32 to index
      %get3A_782 = arith.constant 32 : index
      %get3A_783 = tpu.vector_load %arg12[%get3A_781, %get3A_782] {strides = array<i32>} : memref<8x128xi32, #tpu.memory_space<vmem>>, vector<1x16xi32>,
      %get3A_784 = vector.shape_cast %get3A_783 : vector<1x16xi32> to vector<16xi32>
      %shift_right_logical3A_785 = arith.constant 14 : i32
      %shift_right_logical3A_786 = vector.broadcast %shift_right_logical3A_785 : i32 to vector<16xi32>
      %shift_right_logical3A_787 = arith.shrui %get3A_784, %shift_right_logical3A_786 : vector<16xi32>
      %add3A_788 = vector.broadcast %mul3A_2 : i32 to vector<16xi32>
      %add3A_789 = arith.addi %shift_right_logical3A_787, %add3A_788 : vector<16xi32>
      %swap3A_790 = arith.constant 32 : index
      %swap3A_791 = tpu.vector_load %arg8[%swap3A_790] {strides = array<i32>} : memref<128xi32, #tpu.memory_space<vmem>>, vector<16xi32>,
      %swap3A_792 = vector.shape_cast %swap3A_791 : vector<16xi32> to vector<16xi32>
      %swap3A_793 = vector.shape_cast %add3A_789 : vector<16xi32> to vector<16xi32>
      tpu.vector_store %arg8[%swap3A_790], %swap3A_793 {strides = array<i32>} : memref<128xi32, #tpu.memory_space<vmem>>, vector<16xi32>,
      %and3A_794 = arith.constant 16383 : i32
      %and3A_795 = vector.broadcast %and3A_794 : i32 to vector<16xi32>
      %and3A_796 = arith.andi %get3A_784, %and3A_795 : vector<16xi32>
      %swap3A_797 = arith.constant 32 : index
      %swap3A_798 = tpu.vector_load %arg10[%swap3A_797] {strides = array<i32>} : memref<128xi32, #tpu.memory_space<vmem>>, vector<16xi32>,
      %swap3A_799 = vector.shape_cast %swap3A_798 : vector<16xi32> to vector<16xi32>
      %swap3A_800 = vector.shape_cast %and3A_796 : vector<16xi32> to vector<16xi32>
      tpu.vector_store %arg10[%swap3A_797], %swap3A_800 {strides = array<i32>} : memref<128xi32, #tpu.memory_space<vmem>>, vector<16xi32>,
      %get3A_801 = arith.constant 4 : i32
      %get3A_802 = arith.index_cast %get3A_801 : i32 to index
      %get3A_803 = arith.constant 48 : index
      %get3A_804 = tpu.vector_load %arg12[%get3A_802, %get3A_803] {strides = array<i32>} : memref<8x128xi32, #tpu.memory_space<vmem>>, vector<1x16xi32>,
      %get3A_805 = vector.shape_cast %get3A_804 : vector<1x16xi32> to vector<16xi32>
      %shift_right_logical3A_806 = arith.constant 14 : i32
      %shift_right_logical3A_807 = vector.broadcast %shift_right_logical3A_806 : i32 to vector<16xi32>
      %shift_right_logical3A_808 = arith.shrui %get3A_805, %shift_right_logical3A_807 : vector<16xi32>
      %add3A_809 = vector.broadcast %mul3A_2 : i32 to vector<16xi32>
      %add3A_810 = arith.addi %shift_right_logical3A_808, %add3A_809 : vector<16xi32>
      %swap3A_811 = arith.constant 48 : index
      %swap3A_812 = tpu.vector_load %arg8[%swap3A_811] {strides = array<i32>} : memref<128xi32, #tpu.memory_space<vmem>>, vector<16xi32>,
      %swap3A_813 = vector.shape_cast %swap3A_812 : vector<16xi32> to vector<16xi32>
      %swap3A_814 = vector.shape_cast %add3A_810 : vector<16xi32> to vector<16xi32>
      tpu.vector_store %arg8[%swap3A_811], %swap3A_814 {strides = array<i32>} : memref<128xi32, #tpu.memory_space<vmem>>, vector<16xi32>,
      %and3A_815 = arith.constant 16383 : i32
      %and3A_816 = vector.broadcast %and3A_815 : i32 to vector<16xi32>
      %and3A_817 = arith.andi %get3A_805, %and3A_816 : vector<16xi32>
      %swap3A_818 = arith.constant 48 : index
      %swap3A_819 = tpu.vector_load %arg10[%swap3A_818] {strides = array<i32>} : memref<128xi32, #tpu.memory_space<vmem>>, vector<16xi32>,
      %swap3A_820 = vector.shape_cast %swap3A_819 : vector<16xi32> to vector<16xi32>
      %swap3A_821 = vector.shape_cast %and3A_817 : vector<16xi32> to vector<16xi32>
      tpu.vector_store %arg10[%swap3A_818], %swap3A_821 {strides = array<i32>} : memref<128xi32, #tpu.memory_space<vmem>>, vector<16xi32>,
      %get3A_822 = arith.constant 4 : i32
      %get3A_823 = arith.index_cast %get3A_822 : i32 to index
      %get3A_824 = arith.constant 64 : index
      %get3A_825 = tpu.vector_load %arg12[%get3A_823, %get3A_824] {strides = array<i32>} : memref<8x128xi32, #tpu.memory_space<vmem>>, vector<1x16xi32>,
      %get3A_826 = vector.shape_cast %get3A_825 : vector<1x16xi32> to vector<16xi32>
      %shift_right_logical3A_827 = arith.constant 14 : i32
      %shift_right_logical3A_828 = vector.broadcast %shift_right_logical3A_827 : i32 to vector<16xi32>
      %shift_right_logical3A_829 = arith.shrui %get3A_826, %shift_right_logical3A_828 : vector<16xi32>
      %add3A_830 = vector.broadcast %mul3A_2 : i32 to vector<16xi32>
      %add3A_831 = arith.addi %shift_right_logical3A_829, %add3A_830 : vector<16xi32>
      %swap3A_832 = arith.constant 64 : index
      %swap3A_833 = tpu.vector_load %arg8[%swap3A_832] {strides = array<i32>} : memref<128xi32, #tpu.memory_space<vmem>>, vector<16xi32>,
      %swap3A_834 = vector.shape_cast %swap3A_833 : vector<16xi32> to vector<16xi32>
      %swap3A_835 = vector.shape_cast %add3A_831 : vector<16xi32> to vector<16xi32>
      tpu.vector_store %arg8[%swap3A_832], %swap3A_835 {strides = array<i32>} : memref<128xi32, #tpu.memory_space<vmem>>, vector<16xi32>,
      %and3A_836 = arith.constant 16383 : i32
      %and3A_837 = vector.broadcast %and3A_836 : i32 to vector<16xi32>
      %and3A_838 = arith.andi %get3A_826, %and3A_837 : vector<16xi32>
      %swap3A_839 = arith.constant 64 : index
      %swap3A_840 = tpu.vector_load %arg10[%swap3A_839] {strides = array<i32>} : memref<128xi32, #tpu.memory_space<vmem>>, vector<16xi32>,
      %swap3A_841 = vector.shape_cast %swap3A_840 : vector<16xi32> to vector<16xi32>
      %swap3A_842 = vector.shape_cast %and3A_838 : vector<16xi32> to vector<16xi32>
      tpu.vector_store %arg10[%swap3A_839], %swap3A_842 {strides = array<i32>} : memref<128xi32, #tpu.memory_space<vmem>>, vector<16xi32>,
      %get3A_843 = arith.constant 4 : i32
      %get3A_844 = arith.index_cast %get3A_843 : i32 to index
      %get3A_845 = arith.constant 80 : index
      %get3A_846 = tpu.vector_load %arg12[%get3A_844, %get3A_845] {strides = array<i32>} : memref<8x128xi32, #tpu.memory_space<vmem>>, vector<1x16xi32>,
      %get3A_847 = vector.shape_cast %get3A_846 : vector<1x16xi32> to vector<16xi32>
      %shift_right_logical3A_848 = arith.constant 14 : i32
      %shift_right_logical3A_849 = vector.broadcast %shift_right_logical3A_848 : i32 to vector<16xi32>
      %shift_right_logical3A_850 = arith.shrui %get3A_847, %shift_right_logical3A_849 : vector<16xi32>
      %add3A_851 = vector.broadcast %mul3A_2 : i32 to vector<16xi32>
      %add3A_852 = arith.addi %shift_right_logical3A_850, %add3A_851 : vector<16xi32>
      %swap3A_853 = arith.constant 80 : index
      %swap3A_854 = tpu.vector_load %arg8[%swap3A_853] {strides = array<i32>} : memref<128xi32, #tpu.memory_space<vmem>>, vector<16xi32>,
      %swap3A_855 = vector.shape_cast %swap3A_854 : vector<16xi32> to vector<16xi32>
      %swap3A_856 = vector.shape_cast %add3A_852 : vector<16xi32> to vector<16xi32>
      tpu.vector_store %arg8[%swap3A_853], %swap3A_856 {strides = array<i32>} : memref<128xi32, #tpu.memory_space<vmem>>, vector<16xi32>,
      %and3A_857 = arith.constant 16383 : i32
      %and3A_858 = vector.broadcast %and3A_857 : i32 to vector<16xi32>
      %and3A_859 = arith.andi %get3A_847, %and3A_858 : vector<16xi32>
      %swap3A_860 = arith.constant 80 : index
      %swap3A_861 = tpu.vector_load %arg10[%swap3A_860] {strides = array<i32>} : memref<128xi32, #tpu.memory_space<vmem>>, vector<16xi32>,
      %swap3A_862 = vector.shape_cast %swap3A_861 : vector<16xi32> to vector<16xi32>
      %swap3A_863 = vector.shape_cast %and3A_859 : vector<16xi32> to vector<16xi32>
      tpu.vector_store %arg10[%swap3A_860], %swap3A_863 {strides = array<i32>} : memref<128xi32, #tpu.memory_space<vmem>>, vector<16xi32>,
      %get3A_864 = arith.constant 4 : i32
      %get3A_865 = arith.index_cast %get3A_864 : i32 to index
      %get3A_866 = arith.constant 96 : index
      %get3A_867 = tpu.vector_load %arg12[%get3A_865, %get3A_866] {strides = array<i32>} : memref<8x128xi32, #tpu.memory_space<vmem>>, vector<1x16xi32>,
      %get3A_868 = vector.shape_cast %get3A_867 : vector<1x16xi32> to vector<16xi32>
      %shift_right_logical3A_869 = arith.constant 14 : i32
      %shift_right_logical3A_870 = vector.broadcast %shift_right_logical3A_869 : i32 to vector<16xi32>
      %shift_right_logical3A_871 = arith.shrui %get3A_868, %shift_right_logical3A_870 : vector<16xi32>
      %add3A_872 = vector.broadcast %mul3A_2 : i32 to vector<16xi32>
      %add3A_873 = arith.addi %shift_right_logical3A_871, %add3A_872 : vector<16xi32>
      %swap3A_874 = arith.constant 96 : index
      %swap3A_875 = tpu.vector_load %arg8[%swap3A_874] {strides = array<i32>} : memref<128xi32, #tpu.memory_space<vmem>>, vector<16xi32>,
      %swap3A_876 = vector.shape_cast %swap3A_875 : vector<16xi32> to vector<16xi32>
      %swap3A_877 = vector.shape_cast %add3A_873 : vector<16xi32> to vector<16xi32>
      tpu.vector_store %arg8[%swap3A_874], %swap3A_877 {strides = array<i32>} : memref<128xi32, #tpu.memory_space<vmem>>, vector<16xi32>,
      %and3A_878 = arith.constant 16383 : i32
      %and3A_879 = vector.broadcast %and3A_878 : i32 to vector<16xi32>
      %and3A_880 = arith.andi %get3A_868, %and3A_879 : vector<16xi32>
      %swap3A_881 = arith.constant 96 : index
      %swap3A_882 = tpu.vector_load %arg10[%swap3A_881] {strides = array<i32>} : memref<128xi32, #tpu.memory_space<vmem>>, vector<16xi32>,
      %swap3A_883 = vector.shape_cast %swap3A_882 : vector<16xi32> to vector<16xi32>
      %swap3A_884 = vector.shape_cast %and3A_880 : vector<16xi32> to vector<16xi32>
      tpu.vector_store %arg10[%swap3A_881], %swap3A_884 {strides = array<i32>} : memref<128xi32, #tpu.memory_space<vmem>>, vector<16xi32>,
      %get3A_885 = arith.constant 4 : i32
      %get3A_886 = arith.index_cast %get3A_885 : i32 to index
      %get3A_887 = arith.constant 112 : index
      %get3A_888 = tpu.vector_load %arg12[%get3A_886, %get3A_887] {strides = array<i32>} : memref<8x128xi32, #tpu.memory_space<vmem>>, vector<1x16xi32>,
      %get3A_889 = vector.shape_cast %get3A_888 : vector<1x16xi32> to vector<16xi32>
      %shift_right_logical3A_890 = arith.constant 14 : i32
      %shift_right_logical3A_891 = vector.broadcast %shift_right_logical3A_890 : i32 to vector<16xi32>
      %shift_right_logical3A_892 = arith.shrui %get3A_889, %shift_right_logical3A_891 : vector<16xi32>
      %add3A_893 = vector.broadcast %mul3A_2 : i32 to vector<16xi32>
      %add3A_894 = arith.addi %shift_right_logical3A_892, %add3A_893 : vector<16xi32>
      %swap3A_895 = arith.constant 112 : index
      %swap3A_896 = tpu.vector_load %arg8[%swap3A_895] {strides = array<i32>} : memref<128xi32, #tpu.memory_space<vmem>>, vector<16xi32>,
      %swap3A_897 = vector.shape_cast %swap3A_896 : vector<16xi32> to vector<16xi32>
      %swap3A_898 = vector.shape_cast %add3A_894 : vector<16xi32> to vector<16xi32>
      tpu.vector_store %arg8[%swap3A_895], %swap3A_898 {strides = array<i32>} : memref<128xi32, #tpu.memory_space<vmem>>, vector<16xi32>,
      %and3A_899 = arith.constant 16383 : i32
      %and3A_900 = vector.broadcast %and3A_899 : i32 to vector<16xi32>
      %and3A_901 = arith.andi %get3A_889, %and3A_900 : vector<16xi32>
      %swap3A_902 = arith.constant 112 : index
      %swap3A_903 = tpu.vector_load %arg10[%swap3A_902] {strides = array<i32>} : memref<128xi32, #tpu.memory_space<vmem>>, vector<16xi32>,
      %swap3A_904 = vector.shape_cast %swap3A_903 : vector<16xi32> to vector<16xi32>
      %swap3A_905 = vector.shape_cast %and3A_901 : vector<16xi32> to vector<16xi32>
      tpu.vector_store %arg10[%swap3A_902], %swap3A_905 {strides = array<i32>} : memref<128xi32, #tpu.memory_space<vmem>>, vector<16xi32>,
      %dma_start3A_906 = arith.constant 0 : i32
      %dma_start3A_907 = arith.constant 0 : i32
      %dma_start3A_908 = arith.constant 0 : i32
      %dma_start3A_909 = tpu.memref_slice %arg2[%dma_start3A_907, %dma_start3A_908] : memref<20000x128xbf16, #tpu.memory_space<hbm>> -> memref<20000x128xbf16, #tpu.memory_space<hbm>>
      %dma_start3A_910 = tpu.memref_slice %arg13[%dma_start3A_906] : memref<2x!tpu.dma_semaphore, #tpu.memory_space<semaphore_mem>> -> memref<1x!tpu.dma_semaphore, #tpu.memory_space<semaphore_mem>>
      %dma_start3A_911 = tpu.memref_squeeze %dma_start3A_910 : memref<1x!tpu.dma_semaphore, #tpu.memory_space<semaphore_mem>> -> memref<!tpu.dma_semaphore, #tpu.memory_space<semaphore_mem>>
      tpu.enqueue_indirect_dma source(%dma_start3A_909 : memref<20000x128xbf16, #tpu.memory_space<hbm>>) target(%arg6 : memref<128x128xbf16, #tpu.memory_space<vmem>>) offsets(%arg8 : memref<128xi32, #tpu.memory_space<vmem>>) semaphore(%dma_start3A_911 : memref<!tpu.dma_semaphore, #tpu.memory_space<semaphore_mem>>)
      %dma_wait3A_912 = arith.constant 1 : i32
      %dma_wait3A_913 = arith.constant 0 : i32
      %dma_wait3A_914 = arith.constant 0 : i32
      %dma_wait3A_915 = tpu.memref_slice %arg2[%dma_wait3A_913, %dma_wait3A_914] : memref<20000x128xbf16, #tpu.memory_space<hbm>> -> memref<128x128xbf16, #tpu.memory_space<hbm>>
      %dma_wait3A_916 = tpu.memref_slice %arg13[%dma_wait3A_912] : memref<2x!tpu.dma_semaphore, #tpu.memory_space<semaphore_mem>> -> memref<1x!tpu.dma_semaphore, #tpu.memory_space<semaphore_mem>>
      %dma_wait3A_917 = tpu.memref_squeeze %dma_wait3A_916 : memref<1x!tpu.dma_semaphore, #tpu.memory_space<semaphore_mem>> -> memref<!tpu.dma_semaphore, #tpu.memory_space<semaphore_mem>>
      %dma_wait3A_918 = arith.constant 0 : i32
      %dma_wait3A_919 = arith.constant 0 : i32
      %dma_wait3A_920 = tpu.memref_slice %arg2[%dma_wait3A_918, %dma_wait3A_919] : memref<20000x128xbf16, #tpu.memory_space<hbm>> -> memref<128x128xbf16, #tpu.memory_space<hbm>>
      tpu.wait_dma2 semaphore(%dma_wait3A_917 : memref<!tpu.dma_semaphore, #tpu.memory_space<semaphore_mem>>) src(%dma_wait3A_920 : memref<128x128xbf16, #tpu.memory_space<hbm>>) dst(%arg7 : memref<128x128xbf16, #tpu.memory_space<vmem>>)
      "tpu.region"() ({
        %run_scoped3A = tpu.sem_alloc : memref<!tpu.dma_semaphore, #tpu.memory_space<semaphore_mem>>
        %dma_start3A_1483 = arith.constant 0 : i32
        %dma_start3A_1484 = arith.constant 0 : i32
        %dma_start3A_1485 = tpu.memref_slice %arg5[%dma_start3A_1483, %dma_start3A_1484] : memref<10016x128xbf16, #tpu.memory_space<vmem_shared>> -> memref<10016x128xbf16, #tpu.memory_space<vmem_shared>>
        tpu.enqueue_indirect_dma source(%arg7 : memref<128x128xbf16, #tpu.memory_space<vmem>>) target(%dma_start3A_1485 : memref<10016x128xbf16, #tpu.memory_space<vmem_shared>>) offsets(%arg11 : memref<128xi32, #tpu.memory_space<vmem>>) semaphore(%run_scoped3A : memref<!tpu.dma_semaphore, #tpu.memory_space<semaphore_mem>>) {add = true}
        %dma_wait3A_1486 = arith.constant 0 : i32
        %dma_wait3A_1487 = arith.constant 0 : i32
        %dma_wait3A_1488 = tpu.memref_slice %arg5[%dma_wait3A_1486, %dma_wait3A_1487] : memref<10016x128xbf16, #tpu.memory_space<vmem_shared>> -> memref<10016x128xbf16, #tpu.memory_space<vmem_shared>>
        tpu.wait_indirect_dma semaphore(%run_scoped3A : memref<!tpu.dma_semaphore, #tpu.memory_space<semaphore_mem>>) src(%arg7 : memref<128x128xbf16, #tpu.memory_space<vmem>>) dst(%dma_wait3A_1488 : memref<10016x128xbf16, #tpu.memory_space<vmem_shared>>)
        tpu.yield
      }) : () -> ()
      %get3A_921 = arith.constant 5 : i32
      %get3A_922 = arith.index_cast %get3A_921 : i32 to index
      %get3A_923 = arith.constant 0 : index
      %get3A_924 = tpu.vector_load %arg12[%get3A_922, %get3A_923] {strides = array<i32>} : memref<8x128xi32, #tpu.memory_space<vmem>>, vector<1x16xi32>,
      %get3A_925 = vector.shape_cast %get3A_924 : vector<1x16xi32> to vector<16xi32>
      %shift_right_logical3A_926 = arith.constant 14 : i32
      %shift_right_logical3A_927 = vector.broadcast %shift_right_logical3A_926 : i32 to vector<16xi32>
      %shift_right_logical3A_928 = arith.shrui %get3A_925, %shift_right_logical3A_927 : vector<16xi32>
      %add3A_929 = vector.broadcast %mul3A_2 : i32 to vector<16xi32>
      %add3A_930 = arith.addi %shift_right_logical3A_928, %add3A_929 : vector<16xi32>
      %swap3A_931 = arith.constant 0 : index
      %swap3A_932 = tpu.vector_load %arg9[%swap3A_931] {strides = array<i32>} : memref<128xi32, #tpu.memory_space<vmem>>, vector<16xi32>,
      %swap3A_933 = vector.shape_cast %swap3A_932 : vector<16xi32> to vector<16xi32>
      %swap3A_934 = vector.shape_cast %add3A_930 : vector<16xi32> to vector<16xi32>
      tpu.vector_store %arg9[%swap3A_931], %swap3A_934 {strides = array<i32>} : memref<128xi32, #tpu.memory_space<vmem>>, vector<16xi32>,
      %and3A_935 = arith.constant 16383 : i32
      %and3A_936 = vector.broadcast %and3A_935 : i32 to vector<16xi32>
      %and3A_937 = arith.andi %get3A_925, %and3A_936 : vector<16xi32>
      %swap3A_938 = arith.constant 0 : index
      %swap3A_939 = tpu.vector_load %arg11[%swap3A_938] {strides = array<i32>} : memref<128xi32, #tpu.memory_space<vmem>>, vector<16xi32>,
      %swap3A_940 = vector.shape_cast %swap3A_939 : vector<16xi32> to vector<16xi32>
      %swap3A_941 = vector.shape_cast %and3A_937 : vector<16xi32> to vector<16xi32>
      tpu.vector_store %arg11[%swap3A_938], %swap3A_941 {strides = array<i32>} : memref<128xi32, #tpu.memory_space<vmem>>, vector<16xi32>,
      %get3A_942 = arith.constant 5 : i32
      %get3A_943 = arith.index_cast %get3A_942 : i32 to index
      %get3A_944 = arith.constant 16 : index
      %get3A_945 = tpu.vector_load %arg12[%get3A_943, %get3A_944] {strides = array<i32>} : memref<8x128xi32, #tpu.memory_space<vmem>>, vector<1x16xi32>,
      %get3A_946 = vector.shape_cast %get3A_945 : vector<1x16xi32> to vector<16xi32>
      %shift_right_logical3A_947 = arith.constant 14 : i32
      %shift_right_logical3A_948 = vector.broadcast %shift_right_logical3A_947 : i32 to vector<16xi32>
      %shift_right_logical3A_949 = arith.shrui %get3A_946, %shift_right_logical3A_948 : vector<16xi32>
      %add3A_950 = vector.broadcast %mul3A_2 : i32 to vector<16xi32>
      %add3A_951 = arith.addi %shift_right_logical3A_949, %add3A_950 : vector<16xi32>
      %swap3A_952 = arith.constant 16 : index
      %swap3A_953 = tpu.vector_load %arg9[%swap3A_952] {strides = array<i32>} : memref<128xi32, #tpu.memory_space<vmem>>, vector<16xi32>,
      %swap3A_954 = vector.shape_cast %swap3A_953 : vector<16xi32> to vector<16xi32>
      %swap3A_955 = vector.shape_cast %add3A_951 : vector<16xi32> to vector<16xi32>
      tpu.vector_store %arg9[%swap3A_952], %swap3A_955 {strides = array<i32>} : memref<128xi32, #tpu.memory_space<vmem>>, vector<16xi32>,
      %and3A_956 = arith.constant 16383 : i32
      %and3A_957 = vector.broadcast %and3A_956 : i32 to vector<16xi32>
      %and3A_958 = arith.andi %get3A_946, %and3A_957 : vector<16xi32>
      %swap3A_959 = arith.constant 16 : index
      %swap3A_960 = tpu.vector_load %arg11[%swap3A_959] {strides = array<i32>} : memref<128xi32, #tpu.memory_space<vmem>>, vector<16xi32>,
      %swap3A_961 = vector.shape_cast %swap3A_960 : vector<16xi32> to vector<16xi32>
      %swap3A_962 = vector.shape_cast %and3A_958 : vector<16xi32> to vector<16xi32>
      tpu.vector_store %arg11[%swap3A_959], %swap3A_962 {strides = array<i32>} : memref<128xi32, #tpu.memory_space<vmem>>, vector<16xi32>,
      %get3A_963 = arith.constant 5 : i32
      %get3A_964 = arith.index_cast %get3A_963 : i32 to index
      %get3A_965 = arith.constant 32 : index
      %get3A_966 = tpu.vector_load %arg12[%get3A_964, %get3A_965] {strides = array<i32>} : memref<8x128xi32, #tpu.memory_space<vmem>>, vector<1x16xi32>,
      %get3A_967 = vector.shape_cast %get3A_966 : vector<1x16xi32> to vector<16xi32>
      %shift_right_logical3A_968 = arith.constant 14 : i32
      %shift_right_logical3A_969 = vector.broadcast %shift_right_logical3A_968 : i32 to vector<16xi32>
      %shift_right_logical3A_970 = arith.shrui %get3A_967, %shift_right_logical3A_969 : vector<16xi32>
      %add3A_971 = vector.broadcast %mul3A_2 : i32 to vector<16xi32>
      %add3A_972 = arith.addi %shift_right_logical3A_970, %add3A_971 : vector<16xi32>
      %swap3A_973 = arith.constant 32 : index
      %swap3A_974 = tpu.vector_load %arg9[%swap3A_973] {strides = array<i32>} : memref<128xi32, #tpu.memory_space<vmem>>, vector<16xi32>,
      %swap3A_975 = vector.shape_cast %swap3A_974 : vector<16xi32> to vector<16xi32>
      %swap3A_976 = vector.shape_cast %add3A_972 : vector<16xi32> to vector<16xi32>
      tpu.vector_store %arg9[%swap3A_973], %swap3A_976 {strides = array<i32>} : memref<128xi32, #tpu.memory_space<vmem>>, vector<16xi32>,
      %and3A_977 = arith.constant 16383 : i32
      %and3A_978 = vector.broadcast %and3A_977 : i32 to vector<16xi32>
      %and3A_979 = arith.andi %get3A_967, %and3A_978 : vector<16xi32>
      %swap3A_980 = arith.constant 32 : index
      %swap3A_981 = tpu.vector_load %arg11[%swap3A_980] {strides = array<i32>} : memref<128xi32, #tpu.memory_space<vmem>>, vector<16xi32>,
      %swap3A_982 = vector.shape_cast %swap3A_981 : vector<16xi32> to vector<16xi32>
      %swap3A_983 = vector.shape_cast %and3A_979 : vector<16xi32> to vector<16xi32>
      tpu.vector_store %arg11[%swap3A_980], %swap3A_983 {strides = array<i32>} : memref<128xi32, #tpu.memory_space<vmem>>, vector<16xi32>,
      %get3A_984 = arith.constant 5 : i32
      %get3A_985 = arith.index_cast %get3A_984 : i32 to index
      %get3A_986 = arith.constant 48 : index
      %get3A_987 = tpu.vector_load %arg12[%get3A_985, %get3A_986] {strides = array<i32>} : memref<8x128xi32, #tpu.memory_space<vmem>>, vector<1x16xi32>,
      %get3A_988 = vector.shape_cast %get3A_987 : vector<1x16xi32> to vector<16xi32>
      %shift_right_logical3A_989 = arith.constant 14 : i32
      %shift_right_logical3A_990 = vector.broadcast %shift_right_logical3A_989 : i32 to vector<16xi32>
      %shift_right_logical3A_991 = arith.shrui %get3A_988, %shift_right_logical3A_990 : vector<16xi32>
      %add3A_992 = vector.broadcast %mul3A_2 : i32 to vector<16xi32>
      %add3A_993 = arith.addi %shift_right_logical3A_991, %add3A_992 : vector<16xi32>
      %swap3A_994 = arith.constant 48 : index
      %swap3A_995 = tpu.vector_load %arg9[%swap3A_994] {strides = array<i32>} : memref<128xi32, #tpu.memory_space<vmem>>, vector<16xi32>,
      %swap3A_996 = vector.shape_cast %swap3A_995 : vector<16xi32> to vector<16xi32>
      %swap3A_997 = vector.shape_cast %add3A_993 : vector<16xi32> to vector<16xi32>
      tpu.vector_store %arg9[%swap3A_994], %swap3A_997 {strides = array<i32>} : memref<128xi32, #tpu.memory_space<vmem>>, vector<16xi32>,
      %and3A_998 = arith.constant 16383 : i32
      %and3A_999 = vector.broadcast %and3A_998 : i32 to vector<16xi32>
      %and3A_1000 = arith.andi %get3A_988, %and3A_999 : vector<16xi32>
      %swap3A_1001 = arith.constant 48 : index
      %swap3A_1002 = tpu.vector_load %arg11[%swap3A_1001] {strides = array<i32>} : memref<128xi32, #tpu.memory_space<vmem>>, vector<16xi32>,
      %swap3A_1003 = vector.shape_cast %swap3A_1002 : vector<16xi32> to vector<16xi32>
      %swap3A_1004 = vector.shape_cast %and3A_1000 : vector<16xi32> to vector<16xi32>
      tpu.vector_store %arg11[%swap3A_1001], %swap3A_1004 {strides = array<i32>} : memref<128xi32, #tpu.memory_space<vmem>>, vector<16xi32>,
      %get3A_1005 = arith.constant 5 : i32
      %get3A_1006 = arith.index_cast %get3A_1005 : i32 to index
      %get3A_1007 = arith.constant 64 : index
      %get3A_1008 = tpu.vector_load %arg12[%get3A_1006, %get3A_1007] {strides = array<i32>} : memref<8x128xi32, #tpu.memory_space<vmem>>, vector<1x16xi32>,
      %get3A_1009 = vector.shape_cast %get3A_1008 : vector<1x16xi32> to vector<16xi32>
      %shift_right_logical3A_1010 = arith.constant 14 : i32
      %shift_right_logical3A_1011 = vector.broadcast %shift_right_logical3A_1010 : i32 to vector<16xi32>
      %shift_right_logical3A_1012 = arith.shrui %get3A_1009, %shift_right_logical3A_1011 : vector<16xi32>
      %add3A_1013 = vector.broadcast %mul3A_2 : i32 to vector<16xi32>
      %add3A_1014 = arith.addi %shift_right_logical3A_1012, %add3A_1013 : vector<16xi32>
      %swap3A_1015 = arith.constant 64 : index
      %swap3A_1016 = tpu.vector_load %arg9[%swap3A_1015] {strides = array<i32>} : memref<128xi32, #tpu.memory_space<vmem>>, vector<16xi32>,
      %swap3A_1017 = vector.shape_cast %swap3A_1016 : vector<16xi32> to vector<16xi32>
      %swap3A_1018 = vector.shape_cast %add3A_1014 : vector<16xi32> to vector<16xi32>
      tpu.vector_store %arg9[%swap3A_1015], %swap3A_1018 {strides = array<i32>} : memref<128xi32, #tpu.memory_space<vmem>>, vector<16xi32>,
      %and3A_1019 = arith.constant 16383 : i32
      %and3A_1020 = vector.broadcast %and3A_1019 : i32 to vector<16xi32>
      %and3A_1021 = arith.andi %get3A_1009, %and3A_1020 : vector<16xi32>
      %swap3A_1022 = arith.constant 64 : index
      %swap3A_1023 = tpu.vector_load %arg11[%swap3A_1022] {strides = array<i32>} : memref<128xi32, #tpu.memory_space<vmem>>, vector<16xi32>,
      %swap3A_1024 = vector.shape_cast %swap3A_1023 : vector<16xi32> to vector<16xi32>
      %swap3A_1025 = vector.shape_cast %and3A_1021 : vector<16xi32> to vector<16xi32>
      tpu.vector_store %arg11[%swap3A_1022], %swap3A_1025 {strides = array<i32>} : memref<128xi32, #tpu.memory_space<vmem>>, vector<16xi32>,
      %get3A_1026 = arith.constant 5 : i32
      %get3A_1027 = arith.index_cast %get3A_1026 : i32 to index
      %get3A_1028 = arith.constant 80 : index
      %get3A_1029 = tpu.vector_load %arg12[%get3A_1027, %get3A_1028] {strides = array<i32>} : memref<8x128xi32, #tpu.memory_space<vmem>>, vector<1x16xi32>,
      %get3A_1030 = vector.shape_cast %get3A_1029 : vector<1x16xi32> to vector<16xi32>
      %shift_right_logical3A_1031 = arith.constant 14 : i32
      %shift_right_logical3A_1032 = vector.broadcast %shift_right_logical3A_1031 : i32 to vector<16xi32>
      %shift_right_logical3A_1033 = arith.shrui %get3A_1030, %shift_right_logical3A_1032 : vector<16xi32>
      %add3A_1034 = vector.broadcast %mul3A_2 : i32 to vector<16xi32>
      %add3A_1035 = arith.addi %shift_right_logical3A_1033, %add3A_1034 : vector<16xi32>
      %swap3A_1036 = arith.constant 80 : index
      %swap3A_1037 = tpu.vector_load %arg9[%swap3A_1036] {strides = array<i32>} : memref<128xi32, #tpu.memory_space<vmem>>, vector<16xi32>,
      %swap3A_1038 = vector.shape_cast %swap3A_1037 : vector<16xi32> to vector<16xi32>
      %swap3A_1039 = vector.shape_cast %add3A_1035 : vector<16xi32> to vector<16xi32>
      tpu.vector_store %arg9[%swap3A_1036], %swap3A_1039 {strides = array<i32>} : memref<128xi32, #tpu.memory_space<vmem>>, vector<16xi32>,
      %and3A_1040 = arith.constant 16383 : i32
      %and3A_1041 = vector.broadcast %and3A_1040 : i32 to vector<16xi32>
      %and3A_1042 = arith.andi %get3A_1030, %and3A_1041 : vector<16xi32>
      %swap3A_1043 = arith.constant 80 : index
      %swap3A_1044 = tpu.vector_load %arg11[%swap3A_1043] {strides = array<i32>} : memref<128xi32, #tpu.memory_space<vmem>>, vector<16xi32>,
      %swap3A_1045 = vector.shape_cast %swap3A_1044 : vector<16xi32> to vector<16xi32>
      %swap3A_1046 = vector.shape_cast %and3A_1042 : vector<16xi32> to vector<16xi32>
      tpu.vector_store %arg11[%swap3A_1043], %swap3A_1046 {strides = array<i32>} : memref<128xi32, #tpu.memory_space<vmem>>, vector<16xi32>,
      %get3A_1047 = arith.constant 5 : i32
      %get3A_1048 = arith.index_cast %get3A_1047 : i32 to index
      %get3A_1049 = arith.constant 96 : index
      %get3A_1050 = tpu.vector_load %arg12[%get3A_1048, %get3A_1049] {strides = array<i32>} : memref<8x128xi32, #tpu.memory_space<vmem>>, vector<1x16xi32>,
      %get3A_1051 = vector.shape_cast %get3A_1050 : vector<1x16xi32> to vector<16xi32>
      %shift_right_logical3A_1052 = arith.constant 14 : i32
      %shift_right_logical3A_1053 = vector.broadcast %shift_right_logical3A_1052 : i32 to vector<16xi32>
      %shift_right_logical3A_1054 = arith.shrui %get3A_1051, %shift_right_logical3A_1053 : vector<16xi32>
      %add3A_1055 = vector.broadcast %mul3A_2 : i32 to vector<16xi32>
      %add3A_1056 = arith.addi %shift_right_logical3A_1054, %add3A_1055 : vector<16xi32>
      %swap3A_1057 = arith.constant 96 : index
      %swap3A_1058 = tpu.vector_load %arg9[%swap3A_1057] {strides = array<i32>} : memref<128xi32, #tpu.memory_space<vmem>>, vector<16xi32>,
      %swap3A_1059 = vector.shape_cast %swap3A_1058 : vector<16xi32> to vector<16xi32>
      %swap3A_1060 = vector.shape_cast %add3A_1056 : vector<16xi32> to vector<16xi32>
      tpu.vector_store %arg9[%swap3A_1057], %swap3A_1060 {strides = array<i32>} : memref<128xi32, #tpu.memory_space<vmem>>, vector<16xi32>,
      %and3A_1061 = arith.constant 16383 : i32
      %and3A_1062 = vector.broadcast %and3A_1061 : i32 to vector<16xi32>
      %and3A_1063 = arith.andi %get3A_1051, %and3A_1062 : vector<16xi32>
      %swap3A_1064 = arith.constant 96 : index
      %swap3A_1065 = tpu.vector_load %arg11[%swap3A_1064] {strides = array<i32>} : memref<128xi32, #tpu.memory_space<vmem>>, vector<16xi32>,
      %swap3A_1066 = vector.shape_cast %swap3A_1065 : vector<16xi32> to vector<16xi32>
      %swap3A_1067 = vector.shape_cast %and3A_1063 : vector<16xi32> to vector<16xi32>
      tpu.vector_store %arg11[%swap3A_1064], %swap3A_1067 {strides = array<i32>} : memref<128xi32, #tpu.memory_space<vmem>>, vector<16xi32>,
      %get3A_1068 = arith.constant 5 : i32
      %get3A_1069 = arith.index_cast %get3A_1068 : i32 to index
      %get3A_1070 = arith.constant 112 : index
      %get3A_1071 = tpu.vector_load %arg12[%get3A_1069, %get3A_1070] {strides = array<i32>} : memref<8x128xi32, #tpu.memory_space<vmem>>, vector<1x16xi32>,
      %get3A_1072 = vector.shape_cast %get3A_1071 : vector<1x16xi32> to vector<16xi32>
      %shift_right_logical3A_1073 = arith.constant 14 : i32
      %shift_right_logical3A_1074 = vector.broadcast %shift_right_logical3A_1073 : i32 to vector<16xi32>
      %shift_right_logical3A_1075 = arith.shrui %get3A_1072, %shift_right_logical3A_1074 : vector<16xi32>
      %add3A_1076 = vector.broadcast %mul3A_2 : i32 to vector<16xi32>
      %add3A_1077 = arith.addi %shift_right_logical3A_1075, %add3A_1076 : vector<16xi32>
      %swap3A_1078 = arith.constant 112 : index
      %swap3A_1079 = tpu.vector_load %arg9[%swap3A_1078] {strides = array<i32>} : memref<128xi32, #tpu.memory_space<vmem>>, vector<16xi32>,
      %swap3A_1080 = vector.shape_cast %swap3A_1079 : vector<16xi32> to vector<16xi32>
      %swap3A_1081 = vector.shape_cast %add3A_1077 : vector<16xi32> to vector<16xi32>
      tpu.vector_store %arg9[%swap3A_1078], %swap3A_1081 {strides = array<i32>} : memref<128xi32, #tpu.memory_space<vmem>>, vector<16xi32>,
      %and3A_1082 = arith.constant 16383 : i32
      %and3A_1083 = vector.broadcast %and3A_1082 : i32 to vector<16xi32>
      %and3A_1084 = arith.andi %get3A_1072, %and3A_1083 : vector<16xi32>
      %swap3A_1085 = arith.constant 112 : index
      %swap3A_1086 = tpu.vector_load %arg11[%swap3A_1085] {strides = array<i32>} : memref<128xi32, #tpu.memory_space<vmem>>, vector<16xi32>,
      %swap3A_1087 = vector.shape_cast %swap3A_1086 : vector<16xi32> to vector<16xi32>
      %swap3A_1088 = vector.shape_cast %and3A_1084 : vector<16xi32> to vector<16xi32>
      tpu.vector_store %arg11[%swap3A_1085], %swap3A_1088 {strides = array<i32>} : memref<128xi32, #tpu.memory_space<vmem>>, vector<16xi32>,
      %dma_start3A_1089 = arith.constant 1 : i32
      %dma_start3A_1090 = arith.constant 0 : i32
      %dma_start3A_1091 = arith.constant 0 : i32
      %dma_start3A_1092 = tpu.memref_slice %arg2[%dma_start3A_1090, %dma_start3A_1091] : memref<20000x128xbf16, #tpu.memory_space<hbm>> -> memref<20000x128xbf16, #tpu.memory_space<hbm>>
      %dma_start3A_1093 = tpu.memref_slice %arg13[%dma_start3A_1089] : memref<2x!tpu.dma_semaphore, #tpu.memory_space<semaphore_mem>> -> memref<1x!tpu.dma_semaphore, #tpu.memory_space<semaphore_mem>>
      %dma_start3A_1094 = tpu.memref_squeeze %dma_start3A_1093 : memref<1x!tpu.dma_semaphore, #tpu.memory_space<semaphore_mem>> -> memref<!tpu.dma_semaphore, #tpu.memory_space<semaphore_mem>>
      tpu.enqueue_indirect_dma source(%dma_start3A_1092 : memref<20000x128xbf16, #tpu.memory_space<hbm>>) target(%arg7 : memref<128x128xbf16, #tpu.memory_space<vmem>>) offsets(%arg9 : memref<128xi32, #tpu.memory_space<vmem>>) semaphore(%dma_start3A_1094 : memref<!tpu.dma_semaphore, #tpu.memory_space<semaphore_mem>>)
      %dma_wait3A_1095 = arith.constant 0 : i32
      %dma_wait3A_1096 = arith.constant 0 : i32
      %dma_wait3A_1097 = arith.constant 0 : i32
      %dma_wait3A_1098 = tpu.memref_slice %arg2[%dma_wait3A_1096, %dma_wait3A_1097] : memref<20000x128xbf16, #tpu.memory_space<hbm>> -> memref<128x128xbf16, #tpu.memory_space<hbm>>
      %dma_wait3A_1099 = tpu.memref_slice %arg13[%dma_wait3A_1095] : memref<2x!tpu.dma_semaphore, #tpu.memory_space<semaphore_mem>> -> memref<1x!tpu.dma_semaphore, #tpu.memory_space<semaphore_mem>>
      %dma_wait3A_1100 = tpu.memref_squeeze %dma_wait3A_1099 : memref<1x!tpu.dma_semaphore, #tpu.memory_space<semaphore_mem>> -> memref<!tpu.dma_semaphore, #tpu.memory_space<semaphore_mem>>
      %dma_wait3A_1101 = arith.constant 0 : i32
      %dma_wait3A_1102 = arith.constant 0 : i32
      %dma_wait3A_1103 = tpu.memref_slice %arg2[%dma_wait3A_1101, %dma_wait3A_1102] : memref<20000x128xbf16, #tpu.memory_space<hbm>> -> memref<128x128xbf16, #tpu.memory_space<hbm>>
      tpu.wait_dma2 semaphore(%dma_wait3A_1100 : memref<!tpu.dma_semaphore, #tpu.memory_space<semaphore_mem>>) src(%dma_wait3A_1103 : memref<128x128xbf16, #tpu.memory_space<hbm>>) dst(%arg6 : memref<128x128xbf16, #tpu.memory_space<vmem>>)
      "tpu.region"() ({
        %run_scoped3A = tpu.sem_alloc : memref<!tpu.dma_semaphore, #tpu.memory_space<semaphore_mem>>
        %dma_start3A_1483 = arith.constant 0 : i32
        %dma_start3A_1484 = arith.constant 0 : i32
        %dma_start3A_1485 = tpu.memref_slice %arg5[%dma_start3A_1483, %dma_start3A_1484] : memref<10016x128xbf16, #tpu.memory_space<vmem_shared>> -> memref<10016x128xbf16, #tpu.memory_space<vmem_shared>>
        tpu.enqueue_indirect_dma source(%arg6 : memref<128x128xbf16, #tpu.memory_space<vmem>>) target(%dma_start3A_1485 : memref<10016x128xbf16, #tpu.memory_space<vmem_shared>>) offsets(%arg10 : memref<128xi32, #tpu.memory_space<vmem>>) semaphore(%run_scoped3A : memref<!tpu.dma_semaphore, #tpu.memory_space<semaphore_mem>>) {add = true}
        %dma_wait3A_1486 = arith.constant 0 : i32
        %dma_wait3A_1487 = arith.constant 0 : i32
        %dma_wait3A_1488 = tpu.memref_slice %arg5[%dma_wait3A_1486, %dma_wait3A_1487] : memref<10016x128xbf16, #tpu.memory_space<vmem_shared>> -> memref<10016x128xbf16, #tpu.memory_space<vmem_shared>>
        tpu.wait_indirect_dma semaphore(%run_scoped3A : memref<!tpu.dma_semaphore, #tpu.memory_space<semaphore_mem>>) src(%arg6 : memref<128x128xbf16, #tpu.memory_space<vmem>>) dst(%dma_wait3A_1488 : memref<10016x128xbf16, #tpu.memory_space<vmem_shared>>)
        tpu.yield
      }) : () -> ()
      %get3A_1104 = arith.constant 6 : i32
      %get3A_1105 = arith.index_cast %get3A_1104 : i32 to index
      %get3A_1106 = arith.constant 0 : index
      %get3A_1107 = tpu.vector_load %arg12[%get3A_1105, %get3A_1106] {strides = array<i32>} : memref<8x128xi32, #tpu.memory_space<vmem>>, vector<1x16xi32>,
      %get3A_1108 = vector.shape_cast %get3A_1107 : vector<1x16xi32> to vector<16xi32>
      %shift_right_logical3A_1109 = arith.constant 14 : i32
      %shift_right_logical3A_1110 = vector.broadcast %shift_right_logical3A_1109 : i32 to vector<16xi32>
      %shift_right_logical3A_1111 = arith.shrui %get3A_1108, %shift_right_logical3A_1110 : vector<16xi32>
      %add3A_1112 = vector.broadcast %mul3A_2 : i32 to vector<16xi32>
      %add3A_1113 = arith.addi %shift_right_logical3A_1111, %add3A_1112 : vector<16xi32>
      %swap3A_1114 = arith.constant 0 : index
      %swap3A_1115 = tpu.vector_load %arg8[%swap3A_1114] {strides = array<i32>} : memref<128xi32, #tpu.memory_space<vmem>>, vector<16xi32>,
      %swap3A_1116 = vector.shape_cast %swap3A_1115 : vector<16xi32> to vector<16xi32>
      %swap3A_1117 = vector.shape_cast %add3A_1113 : vector<16xi32> to vector<16xi32>
      tpu.vector_store %arg8[%swap3A_1114], %swap3A_1117 {strides = array<i32>} : memref<128xi32, #tpu.memory_space<vmem>>, vector<16xi32>,
      %and3A_1118 = arith.constant 16383 : i32
      %and3A_1119 = vector.broadcast %and3A_1118 : i32 to vector<16xi32>
      %and3A_1120 = arith.andi %get3A_1108, %and3A_1119 : vector<16xi32>
      %swap3A_1121 = arith.constant 0 : index
      %swap3A_1122 = tpu.vector_load %arg10[%swap3A_1121] {strides = array<i32>} : memref<128xi32, #tpu.memory_space<vmem>>, vector<16xi32>,
      %swap3A_1123 = vector.shape_cast %swap3A_1122 : vector<16xi32> to vector<16xi32>
      %swap3A_1124 = vector.shape_cast %and3A_1120 : vector<16xi32> to vector<16xi32>
      tpu.vector_store %arg10[%swap3A_1121], %swap3A_1124 {strides = array<i32>} : memref<128xi32, #tpu.memory_space<vmem>>, vector<16xi32>,
      %get3A_1125 = arith.constant 6 : i32
      %get3A_1126 = arith.index_cast %get3A_1125 : i32 to index
      %get3A_1127 = arith.constant 16 : index
      %get3A_1128 = tpu.vector_load %arg12[%get3A_1126, %get3A_1127] {strides = array<i32>} : memref<8x128xi32, #tpu.memory_space<vmem>>, vector<1x16xi32>,
      %get3A_1129 = vector.shape_cast %get3A_1128 : vector<1x16xi32> to vector<16xi32>
      %shift_right_logical3A_1130 = arith.constant 14 : i32
      %shift_right_logical3A_1131 = vector.broadcast %shift_right_logical3A_1130 : i32 to vector<16xi32>
      %shift_right_logical3A_1132 = arith.shrui %get3A_1129, %shift_right_logical3A_1131 : vector<16xi32>
      %add3A_1133 = vector.broadcast %mul3A_2 : i32 to vector<16xi32>
      %add3A_1134 = arith.addi %shift_right_logical3A_1132, %add3A_1133 : vector<16xi32>
      %swap3A_1135 = arith.constant 16 : index
      %swap3A_1136 = tpu.vector_load %arg8[%swap3A_1135] {strides = array<i32>} : memref<128xi32, #tpu.memory_space<vmem>>, vector<16xi32>,
      %swap3A_1137 = vector.shape_cast %swap3A_1136 : vector<16xi32> to vector<16xi32>
      %swap3A_1138 = vector.shape_cast %add3A_1134 : vector<16xi32> to vector<16xi32>
      tpu.vector_store %arg8[%swap3A_1135], %swap3A_1138 {strides = array<i32>} : memref<128xi32, #tpu.memory_space<vmem>>, vector<16xi32>,
      %and3A_1139 = arith.constant 16383 : i32
      %and3A_1140 = vector.broadcast %and3A_1139 : i32 to vector<16xi32>
      %and3A_1141 = arith.andi %get3A_1129, %and3A_1140 : vector<16xi32>
      %swap3A_1142 = arith.constant 16 : index
      %swap3A_1143 = tpu.vector_load %arg10[%swap3A_1142] {strides = array<i32>} : memref<128xi32, #tpu.memory_space<vmem>>, vector<16xi32>,
      %swap3A_1144 = vector.shape_cast %swap3A_1143 : vector<16xi32> to vector<16xi32>
      %swap3A_1145 = vector.shape_cast %and3A_1141 : vector<16xi32> to vector<16xi32>
      tpu.vector_store %arg10[%swap3A_1142], %swap3A_1145 {strides = array<i32>} : memref<128xi32, #tpu.memory_space<vmem>>, vector<16xi32>,
      %get3A_1146 = arith.constant 6 : i32
      %get3A_1147 = arith.index_cast %get3A_1146 : i32 to index
      %get3A_1148 = arith.constant 32 : index
      %get3A_1149 = tpu.vector_load %arg12[%get3A_1147, %get3A_1148] {strides = array<i32>} : memref<8x128xi32, #tpu.memory_space<vmem>>, vector<1x16xi32>,
      %get3A_1150 = vector.shape_cast %get3A_1149 : vector<1x16xi32> to vector<16xi32>
      %shift_right_logical3A_1151 = arith.constant 14 : i32
      %shift_right_logical3A_1152 = vector.broadcast %shift_right_logical3A_1151 : i32 to vector<16xi32>
      %shift_right_logical3A_1153 = arith.shrui %get3A_1150, %shift_right_logical3A_1152 : vector<16xi32>
      %add3A_1154 = vector.broadcast %mul3A_2 : i32 to vector<16xi32>
      %add3A_1155 = arith.addi %shift_right_logical3A_1153, %add3A_1154 : vector<16xi32>
      %swap3A_1156 = arith.constant 32 : index
      %swap3A_1157 = tpu.vector_load %arg8[%swap3A_1156] {strides = array<i32>} : memref<128xi32, #tpu.memory_space<vmem>>, vector<16xi32>,
      %swap3A_1158 = vector.shape_cast %swap3A_1157 : vector<16xi32> to vector<16xi32>
      %swap3A_1159 = vector.shape_cast %add3A_1155 : vector<16xi32> to vector<16xi32>
      tpu.vector_store %arg8[%swap3A_1156], %swap3A_1159 {strides = array<i32>} : memref<128xi32, #tpu.memory_space<vmem>>, vector<16xi32>,
      %and3A_1160 = arith.constant 16383 : i32
      %and3A_1161 = vector.broadcast %and3A_1160 : i32 to vector<16xi32>
      %and3A_1162 = arith.andi %get3A_1150, %and3A_1161 : vector<16xi32>
      %swap3A_1163 = arith.constant 32 : index
      %swap3A_1164 = tpu.vector_load %arg10[%swap3A_1163] {strides = array<i32>} : memref<128xi32, #tpu.memory_space<vmem>>, vector<16xi32>,
      %swap3A_1165 = vector.shape_cast %swap3A_1164 : vector<16xi32> to vector<16xi32>
      %swap3A_1166 = vector.shape_cast %and3A_1162 : vector<16xi32> to vector<16xi32>
      tpu.vector_store %arg10[%swap3A_1163], %swap3A_1166 {strides = array<i32>} : memref<128xi32, #tpu.memory_space<vmem>>, vector<16xi32>,
      %get3A_1167 = arith.constant 6 : i32
      %get3A_1168 = arith.index_cast %get3A_1167 : i32 to index
      %get3A_1169 = arith.constant 48 : index
      %get3A_1170 = tpu.vector_load %arg12[%get3A_1168, %get3A_1169] {strides = array<i32>} : memref<8x128xi32, #tpu.memory_space<vmem>>, vector<1x16xi32>,
      %get3A_1171 = vector.shape_cast %get3A_1170 : vector<1x16xi32> to vector<16xi32>
      %shift_right_logical3A_1172 = arith.constant 14 : i32
      %shift_right_logical3A_1173 = vector.broadcast %shift_right_logical3A_1172 : i32 to vector<16xi32>
      %shift_right_logical3A_1174 = arith.shrui %get3A_1171, %shift_right_logical3A_1173 : vector<16xi32>
      %add3A_1175 = vector.broadcast %mul3A_2 : i32 to vector<16xi32>
      %add3A_1176 = arith.addi %shift_right_logical3A_1174, %add3A_1175 : vector<16xi32>
      %swap3A_1177 = arith.constant 48 : index
      %swap3A_1178 = tpu.vector_load %arg8[%swap3A_1177] {strides = array<i32>} : memref<128xi32, #tpu.memory_space<vmem>>, vector<16xi32>,
      %swap3A_1179 = vector.shape_cast %swap3A_1178 : vector<16xi32> to vector<16xi32>
      %swap3A_1180 = vector.shape_cast %add3A_1176 : vector<16xi32> to vector<16xi32>
      tpu.vector_store %arg8[%swap3A_1177], %swap3A_1180 {strides = array<i32>} : memref<128xi32, #tpu.memory_space<vmem>>, vector<16xi32>,
      %and3A_1181 = arith.constant 16383 : i32
      %and3A_1182 = vector.broadcast %and3A_1181 : i32 to vector<16xi32>
      %and3A_1183 = arith.andi %get3A_1171, %and3A_1182 : vector<16xi32>
      %swap3A_1184 = arith.constant 48 : index
      %swap3A_1185 = tpu.vector_load %arg10[%swap3A_1184] {strides = array<i32>} : memref<128xi32, #tpu.memory_space<vmem>>, vector<16xi32>,
      %swap3A_1186 = vector.shape_cast %swap3A_1185 : vector<16xi32> to vector<16xi32>
      %swap3A_1187 = vector.shape_cast %and3A_1183 : vector<16xi32> to vector<16xi32>
      tpu.vector_store %arg10[%swap3A_1184], %swap3A_1187 {strides = array<i32>} : memref<128xi32, #tpu.memory_space<vmem>>, vector<16xi32>,
      %get3A_1188 = arith.constant 6 : i32
      %get3A_1189 = arith.index_cast %get3A_1188 : i32 to index
      %get3A_1190 = arith.constant 64 : index
      %get3A_1191 = tpu.vector_load %arg12[%get3A_1189, %get3A_1190] {strides = array<i32>} : memref<8x128xi32, #tpu.memory_space<vmem>>, vector<1x16xi32>,
      %get3A_1192 = vector.shape_cast %get3A_1191 : vector<1x16xi32> to vector<16xi32>
      %shift_right_logical3A_1193 = arith.constant 14 : i32
      %shift_right_logical3A_1194 = vector.broadcast %shift_right_logical3A_1193 : i32 to vector<16xi32>
      %shift_right_logical3A_1195 = arith.shrui %get3A_1192, %shift_right_logical3A_1194 : vector<16xi32>
      %add3A_1196 = vector.broadcast %mul3A_2 : i32 to vector<16xi32>
      %add3A_1197 = arith.addi %shift_right_logical3A_1195, %add3A_1196 : vector<16xi32>
      %swap3A_1198 = arith.constant 64 : index
      %swap3A_1199 = tpu.vector_load %arg8[%swap3A_1198] {strides = array<i32>} : memref<128xi32, #tpu.memory_space<vmem>>, vector<16xi32>,
      %swap3A_1200 = vector.shape_cast %swap3A_1199 : vector<16xi32> to vector<16xi32>
      %swap3A_1201 = vector.shape_cast %add3A_1197 : vector<16xi32> to vector<16xi32>
      tpu.vector_store %arg8[%swap3A_1198], %swap3A_1201 {strides = array<i32>} : memref<128xi32, #tpu.memory_space<vmem>>, vector<16xi32>,
      %and3A_1202 = arith.constant 16383 : i32
      %and3A_1203 = vector.broadcast %and3A_1202 : i32 to vector<16xi32>
      %and3A_1204 = arith.andi %get3A_1192, %and3A_1203 : vector<16xi32>
      %swap3A_1205 = arith.constant 64 : index
      %swap3A_1206 = tpu.vector_load %arg10[%swap3A_1205] {strides = array<i32>} : memref<128xi32, #tpu.memory_space<vmem>>, vector<16xi32>,
      %swap3A_1207 = vector.shape_cast %swap3A_1206 : vector<16xi32> to vector<16xi32>
      %swap3A_1208 = vector.shape_cast %and3A_1204 : vector<16xi32> to vector<16xi32>
      tpu.vector_store %arg10[%swap3A_1205], %swap3A_1208 {strides = array<i32>} : memref<128xi32, #tpu.memory_space<vmem>>, vector<16xi32>,
      %get3A_1209 = arith.constant 6 : i32
      %get3A_1210 = arith.index_cast %get3A_1209 : i32 to index
      %get3A_1211 = arith.constant 80 : index
      %get3A_1212 = tpu.vector_load %arg12[%get3A_1210, %get3A_1211] {strides = array<i32>} : memref<8x128xi32, #tpu.memory_space<vmem>>, vector<1x16xi32>,
      %get3A_1213 = vector.shape_cast %get3A_1212 : vector<1x16xi32> to vector<16xi32>
      %shift_right_logical3A_1214 = arith.constant 14 : i32
      %shift_right_logical3A_1215 = vector.broadcast %shift_right_logical3A_1214 : i32 to vector<16xi32>
      %shift_right_logical3A_1216 = arith.shrui %get3A_1213, %shift_right_logical3A_1215 : vector<16xi32>
      %add3A_1217 = vector.broadcast %mul3A_2 : i32 to vector<16xi32>
      %add3A_1218 = arith.addi %shift_right_logical3A_1216, %add3A_1217 : vector<16xi32>
      %swap3A_1219 = arith.constant 80 : index
      %swap3A_1220 = tpu.vector_load %arg8[%swap3A_1219] {strides = array<i32>} : memref<128xi32, #tpu.memory_space<vmem>>, vector<16xi32>,
      %swap3A_1221 = vector.shape_cast %swap3A_1220 : vector<16xi32> to vector<16xi32>
      %swap3A_1222 = vector.shape_cast %add3A_1218 : vector<16xi32> to vector<16xi32>
      tpu.vector_store %arg8[%swap3A_1219], %swap3A_1222 {strides = array<i32>} : memref<128xi32, #tpu.memory_space<vmem>>, vector<16xi32>,
      %and3A_1223 = arith.constant 16383 : i32
      %and3A_1224 = vector.broadcast %and3A_1223 : i32 to vector<16xi32>
      %and3A_1225 = arith.andi %get3A_1213, %and3A_1224 : vector<16xi32>
      %swap3A_1226 = arith.constant 80 : index
      %swap3A_1227 = tpu.vector_load %arg10[%swap3A_1226] {strides = array<i32>} : memref<128xi32, #tpu.memory_space<vmem>>, vector<16xi32>,
      %swap3A_1228 = vector.shape_cast %swap3A_1227 : vector<16xi32> to vector<16xi32>
      %swap3A_1229 = vector.shape_cast %and3A_1225 : vector<16xi32> to vector<16xi32>
      tpu.vector_store %arg10[%swap3A_1226], %swap3A_1229 {strides = array<i32>} : memref<128xi32, #tpu.memory_space<vmem>>, vector<16xi32>,
      %get3A_1230 = arith.constant 6 : i32
      %get3A_1231 = arith.index_cast %get3A_1230 : i32 to index
      %get3A_1232 = arith.constant 96 : index
      %get3A_1233 = tpu.vector_load %arg12[%get3A_1231, %get3A_1232] {strides = array<i32>} : memref<8x128xi32, #tpu.memory_space<vmem>>, vector<1x16xi32>,
      %get3A_1234 = vector.shape_cast %get3A_1233 : vector<1x16xi32> to vector<16xi32>
      %shift_right_logical3A_1235 = arith.constant 14 : i32
      %shift_right_logical3A_1236 = vector.broadcast %shift_right_logical3A_1235 : i32 to vector<16xi32>
      %shift_right_logical3A_1237 = arith.shrui %get3A_1234, %shift_right_logical3A_1236 : vector<16xi32>
      %add3A_1238 = vector.broadcast %mul3A_2 : i32 to vector<16xi32>
      %add3A_1239 = arith.addi %shift_right_logical3A_1237, %add3A_1238 : vector<16xi32>
      %swap3A_1240 = arith.constant 96 : index
      %swap3A_1241 = tpu.vector_load %arg8[%swap3A_1240] {strides = array<i32>} : memref<128xi32, #tpu.memory_space<vmem>>, vector<16xi32>,
      %swap3A_1242 = vector.shape_cast %swap3A_1241 : vector<16xi32> to vector<16xi32>
      %swap3A_1243 = vector.shape_cast %add3A_1239 : vector<16xi32> to vector<16xi32>
      tpu.vector_store %arg8[%swap3A_1240], %swap3A_1243 {strides = array<i32>} : memref<128xi32, #tpu.memory_space<vmem>>, vector<16xi32>,
      %and3A_1244 = arith.constant 16383 : i32
      %and3A_1245 = vector.broadcast %and3A_1244 : i32 to vector<16xi32>
      %and3A_1246 = arith.andi %get3A_1234, %and3A_1245 : vector<16xi32>
      %swap3A_1247 = arith.constant 96 : index
      %swap3A_1248 = tpu.vector_load %arg10[%swap3A_1247] {strides = array<i32>} : memref<128xi32, #tpu.memory_space<vmem>>, vector<16xi32>,
      %swap3A_1249 = vector.shape_cast %swap3A_1248 : vector<16xi32> to vector<16xi32>
      %swap3A_1250 = vector.shape_cast %and3A_1246 : vector<16xi32> to vector<16xi32>
      tpu.vector_store %arg10[%swap3A_1247], %swap3A_1250 {strides = array<i32>} : memref<128xi32, #tpu.memory_space<vmem>>, vector<16xi32>,
      %get3A_1251 = arith.constant 6 : i32
      %get3A_1252 = arith.index_cast %get3A_1251 : i32 to index
      %get3A_1253 = arith.constant 112 : index
      %get3A_1254 = tpu.vector_load %arg12[%get3A_1252, %get3A_1253] {strides = array<i32>} : memref<8x128xi32, #tpu.memory_space<vmem>>, vector<1x16xi32>,
      %get3A_1255 = vector.shape_cast %get3A_1254 : vector<1x16xi32> to vector<16xi32>
      %shift_right_logical3A_1256 = arith.constant 14 : i32
      %shift_right_logical3A_1257 = vector.broadcast %shift_right_logical3A_1256 : i32 to vector<16xi32>
      %shift_right_logical3A_1258 = arith.shrui %get3A_1255, %shift_right_logical3A_1257 : vector<16xi32>
      %add3A_1259 = vector.broadcast %mul3A_2 : i32 to vector<16xi32>
      %add3A_1260 = arith.addi %shift_right_logical3A_1258, %add3A_1259 : vector<16xi32>
      %swap3A_1261 = arith.constant 112 : index
      %swap3A_1262 = tpu.vector_load %arg8[%swap3A_1261] {strides = array<i32>} : memref<128xi32, #tpu.memory_space<vmem>>, vector<16xi32>,
      %swap3A_1263 = vector.shape_cast %swap3A_1262 : vector<16xi32> to vector<16xi32>
      %swap3A_1264 = vector.shape_cast %add3A_1260 : vector<16xi32> to vector<16xi32>
      tpu.vector_store %arg8[%swap3A_1261], %swap3A_1264 {strides = array<i32>} : memref<128xi32, #tpu.memory_space<vmem>>, vector<16xi32>,
      %and3A_1265 = arith.constant 16383 : i32
      %and3A_1266 = vector.broadcast %and3A_1265 : i32 to vector<16xi32>
      %and3A_1267 = arith.andi %get3A_1255, %and3A_1266 : vector<16xi32>
      %swap3A_1268 = arith.constant 112 : index
      %swap3A_1269 = tpu.vector_load %arg10[%swap3A_1268] {strides = array<i32>} : memref<128xi32, #tpu.memory_space<vmem>>, vector<16xi32>,
      %swap3A_1270 = vector.shape_cast %swap3A_1269 : vector<16xi32> to vector<16xi32>
      %swap3A_1271 = vector.shape_cast %and3A_1267 : vector<16xi32> to vector<16xi32>
      tpu.vector_store %arg10[%swap3A_1268], %swap3A_1271 {strides = array<i32>} : memref<128xi32, #tpu.memory_space<vmem>>, vector<16xi32>,
      %dma_start3A_1272 = arith.constant 0 : i32
      %dma_start3A_1273 = arith.constant 0 : i32
      %dma_start3A_1274 = arith.constant 0 : i32
      %dma_start3A_1275 = tpu.memref_slice %arg2[%dma_start3A_1273, %dma_start3A_1274] : memref<20000x128xbf16, #tpu.memory_space<hbm>> -> memref<20000x128xbf16, #tpu.memory_space<hbm>>
      %dma_start3A_1276 = tpu.memref_slice %arg13[%dma_start3A_1272] : memref<2x!tpu.dma_semaphore, #tpu.memory_space<semaphore_mem>> -> memref<1x!tpu.dma_semaphore, #tpu.memory_space<semaphore_mem>>
      %dma_start3A_1277 = tpu.memref_squeeze %dma_start3A_1276 : memref<1x!tpu.dma_semaphore, #tpu.memory_space<semaphore_mem>> -> memref<!tpu.dma_semaphore, #tpu.memory_space<semaphore_mem>>
      tpu.enqueue_indirect_dma source(%dma_start3A_1275 : memref<20000x128xbf16, #tpu.memory_space<hbm>>) target(%arg6 : memref<128x128xbf16, #tpu.memory_space<vmem>>) offsets(%arg8 : memref<128xi32, #tpu.memory_space<vmem>>) semaphore(%dma_start3A_1277 : memref<!tpu.dma_semaphore, #tpu.memory_space<semaphore_mem>>)
      %dma_wait3A_1278 = arith.constant 1 : i32
      %dma_wait3A_1279 = arith.constant 0 : i32
      %dma_wait3A_1280 = arith.constant 0 : i32
      %dma_wait3A_1281 = tpu.memref_slice %arg2[%dma_wait3A_1279, %dma_wait3A_1280] : memref<20000x128xbf16, #tpu.memory_space<hbm>> -> memref<128x128xbf16, #tpu.memory_space<hbm>>
      %dma_wait3A_1282 = tpu.memref_slice %arg13[%dma_wait3A_1278] : memref<2x!tpu.dma_semaphore, #tpu.memory_space<semaphore_mem>> -> memref<1x!tpu.dma_semaphore, #tpu.memory_space<semaphore_mem>>
      %dma_wait3A_1283 = tpu.memref_squeeze %dma_wait3A_1282 : memref<1x!tpu.dma_semaphore, #tpu.memory_space<semaphore_mem>> -> memref<!tpu.dma_semaphore, #tpu.memory_space<semaphore_mem>>
      %dma_wait3A_1284 = arith.constant 0 : i32
      %dma_wait3A_1285 = arith.constant 0 : i32
      %dma_wait3A_1286 = tpu.memref_slice %arg2[%dma_wait3A_1284, %dma_wait3A_1285] : memref<20000x128xbf16, #tpu.memory_space<hbm>> -> memref<128x128xbf16, #tpu.memory_space<hbm>>
      tpu.wait_dma2 semaphore(%dma_wait3A_1283 : memref<!tpu.dma_semaphore, #tpu.memory_space<semaphore_mem>>) src(%dma_wait3A_1286 : memref<128x128xbf16, #tpu.memory_space<hbm>>) dst(%arg7 : memref<128x128xbf16, #tpu.memory_space<vmem>>)
      "tpu.region"() ({
        %run_scoped3A = tpu.sem_alloc : memref<!tpu.dma_semaphore, #tpu.memory_space<semaphore_mem>>
        %dma_start3A_1483 = arith.constant 0 : i32
        %dma_start3A_1484 = arith.constant 0 : i32
        %dma_start3A_1485 = tpu.memref_slice %arg5[%dma_start3A_1483, %dma_start3A_1484] : memref<10016x128xbf16, #tpu.memory_space<vmem_shared>> -> memref<10016x128xbf16, #tpu.memory_space<vmem_shared>>
        tpu.enqueue_indirect_dma source(%arg7 : memref<128x128xbf16, #tpu.memory_space<vmem>>) target(%dma_start3A_1485 : memref<10016x128xbf16, #tpu.memory_space<vmem_shared>>) offsets(%arg11 : memref<128xi32, #tpu.memory_space<vmem>>) semaphore(%run_scoped3A : memref<!tpu.dma_semaphore, #tpu.memory_space<semaphore_mem>>) {add = true}
        %dma_wait3A_1486 = arith.constant 0 : i32
        %dma_wait3A_1487 = arith.constant 0 : i32
        %dma_wait3A_1488 = tpu.memref_slice %arg5[%dma_wait3A_1486, %dma_wait3A_1487] : memref<10016x128xbf16, #tpu.memory_space<vmem_shared>> -> memref<10016x128xbf16, #tpu.memory_space<vmem_shared>>
        tpu.wait_indirect_dma semaphore(%run_scoped3A : memref<!tpu.dma_semaphore, #tpu.memory_space<semaphore_mem>>) src(%arg7 : memref<128x128xbf16, #tpu.memory_space<vmem>>) dst(%dma_wait3A_1488 : memref<10016x128xbf16, #tpu.memory_space<vmem_shared>>)
        tpu.yield
      }) : () -> ()
      %get3A_1287 = arith.constant 7 : i32
      %get3A_1288 = arith.index_cast %get3A_1287 : i32 to index
      %get3A_1289 = arith.constant 0 : index
      %get3A_1290 = tpu.vector_load %arg12[%get3A_1288, %get3A_1289] {strides = array<i32>} : memref<8x128xi32, #tpu.memory_space<vmem>>, vector<1x16xi32>,
      %get3A_1291 = vector.shape_cast %get3A_1290 : vector<1x16xi32> to vector<16xi32>
      %shift_right_logical3A_1292 = arith.constant 14 : i32
      %shift_right_logical3A_1293 = vector.broadcast %shift_right_logical3A_1292 : i32 to vector<16xi32>
      %shift_right_logical3A_1294 = arith.shrui %get3A_1291, %shift_right_logical3A_1293 : vector<16xi32>
      %add3A_1295 = vector.broadcast %mul3A_2 : i32 to vector<16xi32>
      %add3A_1296 = arith.addi %shift_right_logical3A_1294, %add3A_1295 : vector<16xi32>
      %swap3A_1297 = arith.constant 0 : index
      %swap3A_1298 = tpu.vector_load %arg9[%swap3A_1297] {strides = array<i32>} : memref<128xi32, #tpu.memory_space<vmem>>, vector<16xi32>,
      %swap3A_1299 = vector.shape_cast %swap3A_1298 : vector<16xi32> to vector<16xi32>
      %swap3A_1300 = vector.shape_cast %add3A_1296 : vector<16xi32> to vector<16xi32>
      tpu.vector_store %arg9[%swap3A_1297], %swap3A_1300 {strides = array<i32>} : memref<128xi32, #tpu.memory_space<vmem>>, vector<16xi32>,
      %and3A_1301 = arith.constant 16383 : i32
      %and3A_1302 = vector.broadcast %and3A_1301 : i32 to vector<16xi32>
      %and3A_1303 = arith.andi %get3A_1291, %and3A_1302 : vector<16xi32>
      %swap3A_1304 = arith.constant 0 : index
      %swap3A_1305 = tpu.vector_load %arg11[%swap3A_1304] {strides = array<i32>} : memref<128xi32, #tpu.memory_space<vmem>>, vector<16xi32>,
      %swap3A_1306 = vector.shape_cast %swap3A_1305 : vector<16xi32> to vector<16xi32>
      %swap3A_1307 = vector.shape_cast %and3A_1303 : vector<16xi32> to vector<16xi32>
      tpu.vector_store %arg11[%swap3A_1304], %swap3A_1307 {strides = array<i32>} : memref<128xi32, #tpu.memory_space<vmem>>, vector<16xi32>,
      %get3A_1308 = arith.constant 7 : i32
      %get3A_1309 = arith.index_cast %get3A_1308 : i32 to index
      %get3A_1310 = arith.constant 16 : index
      %get3A_1311 = tpu.vector_load %arg12[%get3A_1309, %get3A_1310] {strides = array<i32>} : memref<8x128xi32, #tpu.memory_space<vmem>>, vector<1x16xi32>,
      %get3A_1312 = vector.shape_cast %get3A_1311 : vector<1x16xi32> to vector<16xi32>
      %shift_right_logical3A_1313 = arith.constant 14 : i32
      %shift_right_logical3A_1314 = vector.broadcast %shift_right_logical3A_1313 : i32 to vector<16xi32>
      %shift_right_logical3A_1315 = arith.shrui %get3A_1312, %shift_right_logical3A_1314 : vector<16xi32>
      %add3A_1316 = vector.broadcast %mul3A_2 : i32 to vector<16xi32>
      %add3A_1317 = arith.addi %shift_right_logical3A_1315, %add3A_1316 : vector<16xi32>
      %swap3A_1318 = arith.constant 16 : index
      %swap3A_1319 = tpu.vector_load %arg9[%swap3A_1318] {strides = array<i32>} : memref<128xi32, #tpu.memory_space<vmem>>, vector<16xi32>,
      %swap3A_1320 = vector.shape_cast %swap3A_1319 : vector<16xi32> to vector<16xi32>
      %swap3A_1321 = vector.shape_cast %add3A_1317 : vector<16xi32> to vector<16xi32>
      tpu.vector_store %arg9[%swap3A_1318], %swap3A_1321 {strides = array<i32>} : memref<128xi32, #tpu.memory_space<vmem>>, vector<16xi32>,
      %and3A_1322 = arith.constant 16383 : i32
      %and3A_1323 = vector.broadcast %and3A_1322 : i32 to vector<16xi32>
      %and3A_1324 = arith.andi %get3A_1312, %and3A_1323 : vector<16xi32>
      %swap3A_1325 = arith.constant 16 : index
      %swap3A_1326 = tpu.vector_load %arg11[%swap3A_1325] {strides = array<i32>} : memref<128xi32, #tpu.memory_space<vmem>>, vector<16xi32>,
      %swap3A_1327 = vector.shape_cast %swap3A_1326 : vector<16xi32> to vector<16xi32>
      %swap3A_1328 = vector.shape_cast %and3A_1324 : vector<16xi32> to vector<16xi32>
      tpu.vector_store %arg11[%swap3A_1325], %swap3A_1328 {strides = array<i32>} : memref<128xi32, #tpu.memory_space<vmem>>, vector<16xi32>,
      %get3A_1329 = arith.constant 7 : i32
      %get3A_1330 = arith.index_cast %get3A_1329 : i32 to index
      %get3A_1331 = arith.constant 32 : index
      %get3A_1332 = tpu.vector_load %arg12[%get3A_1330, %get3A_1331] {strides = array<i32>} : memref<8x128xi32, #tpu.memory_space<vmem>>, vector<1x16xi32>,
      %get3A_1333 = vector.shape_cast %get3A_1332 : vector<1x16xi32> to vector<16xi32>
      %shift_right_logical3A_1334 = arith.constant 14 : i32
      %shift_right_logical3A_1335 = vector.broadcast %shift_right_logical3A_1334 : i32 to vector<16xi32>
      %shift_right_logical3A_1336 = arith.shrui %get3A_1333, %shift_right_logical3A_1335 : vector<16xi32>
      %add3A_1337 = vector.broadcast %mul3A_2 : i32 to vector<16xi32>
      %add3A_1338 = arith.addi %shift_right_logical3A_1336, %add3A_1337 : vector<16xi32>
      %swap3A_1339 = arith.constant 32 : index
      %swap3A_1340 = tpu.vector_load %arg9[%swap3A_1339] {strides = array<i32>} : memref<128xi32, #tpu.memory_space<vmem>>, vector<16xi32>,
      %swap3A_1341 = vector.shape_cast %swap3A_1340 : vector<16xi32> to vector<16xi32>
      %swap3A_1342 = vector.shape_cast %add3A_1338 : vector<16xi32> to vector<16xi32>
      tpu.vector_store %arg9[%swap3A_1339], %swap3A_1342 {strides = array<i32>} : memref<128xi32, #tpu.memory_space<vmem>>, vector<16xi32>,
      %and3A_1343 = arith.constant 16383 : i32
      %and3A_1344 = vector.broadcast %and3A_1343 : i32 to vector<16xi32>
      %and3A_1345 = arith.andi %get3A_1333, %and3A_1344 : vector<16xi32>
      %swap3A_1346 = arith.constant 32 : index
      %swap3A_1347 = tpu.vector_load %arg11[%swap3A_1346] {strides = array<i32>} : memref<128xi32, #tpu.memory_space<vmem>>, vector<16xi32>,
      %swap3A_1348 = vector.shape_cast %swap3A_1347 : vector<16xi32> to vector<16xi32>
      %swap3A_1349 = vector.shape_cast %and3A_1345 : vector<16xi32> to vector<16xi32>
      tpu.vector_store %arg11[%swap3A_1346], %swap3A_1349 {strides = array<i32>} : memref<128xi32, #tpu.memory_space<vmem>>, vector<16xi32>,
      %get3A_1350 = arith.constant 7 : i32
      %get3A_1351 = arith.index_cast %get3A_1350 : i32 to index
      %get3A_1352 = arith.constant 48 : index
      %get3A_1353 = tpu.vector_load %arg12[%get3A_1351, %get3A_1352] {strides = array<i32>} : memref<8x128xi32, #tpu.memory_space<vmem>>, vector<1x16xi32>,
      %get3A_1354 = vector.shape_cast %get3A_1353 : vector<1x16xi32> to vector<16xi32>
      %shift_right_logical3A_1355 = arith.constant 14 : i32
      %shift_right_logical3A_1356 = vector.broadcast %shift_right_logical3A_1355 : i32 to vector<16xi32>
      %shift_right_logical3A_1357 = arith.shrui %get3A_1354, %shift_right_logical3A_1356 : vector<16xi32>
      %add3A_1358 = vector.broadcast %mul3A_2 : i32 to vector<16xi32>
      %add3A_1359 = arith.addi %shift_right_logical3A_1357, %add3A_1358 : vector<16xi32>
      %swap3A_1360 = arith.constant 48 : index
      %swap3A_1361 = tpu.vector_load %arg9[%swap3A_1360] {strides = array<i32>} : memref<128xi32, #tpu.memory_space<vmem>>, vector<16xi32>,
      %swap3A_1362 = vector.shape_cast %swap3A_1361 : vector<16xi32> to vector<16xi32>
      %swap3A_1363 = vector.shape_cast %add3A_1359 : vector<16xi32> to vector<16xi32>
      tpu.vector_store %arg9[%swap3A_1360], %swap3A_1363 {strides = array<i32>} : memref<128xi32, #tpu.memory_space<vmem>>, vector<16xi32>,
      %and3A_1364 = arith.constant 16383 : i32
      %and3A_1365 = vector.broadcast %and3A_1364 : i32 to vector<16xi32>
      %and3A_1366 = arith.andi %get3A_1354, %and3A_1365 : vector<16xi32>
      %swap3A_1367 = arith.constant 48 : index
      %swap3A_1368 = tpu.vector_load %arg11[%swap3A_1367] {strides = array<i32>} : memref<128xi32, #tpu.memory_space<vmem>>, vector<16xi32>,
      %swap3A_1369 = vector.shape_cast %swap3A_1368 : vector<16xi32> to vector<16xi32>
      %swap3A_1370 = vector.shape_cast %and3A_1366 : vector<16xi32> to vector<16xi32>
      tpu.vector_store %arg11[%swap3A_1367], %swap3A_1370 {strides = array<i32>} : memref<128xi32, #tpu.memory_space<vmem>>, vector<16xi32>,
      %get3A_1371 = arith.constant 7 : i32
      %get3A_1372 = arith.index_cast %get3A_1371 : i32 to index
      %get3A_1373 = arith.constant 64 : index
      %get3A_1374 = tpu.vector_load %arg12[%get3A_1372, %get3A_1373] {strides = array<i32>} : memref<8x128xi32, #tpu.memory_space<vmem>>, vector<1x16xi32>,
      %get3A_1375 = vector.shape_cast %get3A_1374 : vector<1x16xi32> to vector<16xi32>
      %shift_right_logical3A_1376 = arith.constant 14 : i32
      %shift_right_logical3A_1377 = vector.broadcast %shift_right_logical3A_1376 : i32 to vector<16xi32>
      %shift_right_logical3A_1378 = arith.shrui %get3A_1375, %shift_right_logical3A_1377 : vector<16xi32>
      %add3A_1379 = vector.broadcast %mul3A_2 : i32 to vector<16xi32>
      %add3A_1380 = arith.addi %shift_right_logical3A_1378, %add3A_1379 : vector<16xi32>
      %swap3A_1381 = arith.constant 64 : index
      %swap3A_1382 = tpu.vector_load %arg9[%swap3A_1381] {strides = array<i32>} : memref<128xi32, #tpu.memory_space<vmem>>, vector<16xi32>,
      %swap3A_1383 = vector.shape_cast %swap3A_1382 : vector<16xi32> to vector<16xi32>
      %swap3A_1384 = vector.shape_cast %add3A_1380 : vector<16xi32> to vector<16xi32>
      tpu.vector_store %arg9[%swap3A_1381], %swap3A_1384 {strides = array<i32>} : memref<128xi32, #tpu.memory_space<vmem>>, vector<16xi32>,
      %and3A_1385 = arith.constant 16383 : i32
      %and3A_1386 = vector.broadcast %and3A_1385 : i32 to vector<16xi32>
      %and3A_1387 = arith.andi %get3A_1375, %and3A_1386 : vector<16xi32>
      %swap3A_1388 = arith.constant 64 : index
      %swap3A_1389 = tpu.vector_load %arg11[%swap3A_1388] {strides = array<i32>} : memref<128xi32, #tpu.memory_space<vmem>>, vector<16xi32>,
      %swap3A_1390 = vector.shape_cast %swap3A_1389 : vector<16xi32> to vector<16xi32>
      %swap3A_1391 = vector.shape_cast %and3A_1387 : vector<16xi32> to vector<16xi32>
      tpu.vector_store %arg11[%swap3A_1388], %swap3A_1391 {strides = array<i32>} : memref<128xi32, #tpu.memory_space<vmem>>, vector<16xi32>,
      %get3A_1392 = arith.constant 7 : i32
      %get3A_1393 = arith.index_cast %get3A_1392 : i32 to index
      %get3A_1394 = arith.constant 80 : index
      %get3A_1395 = tpu.vector_load %arg12[%get3A_1393, %get3A_1394] {strides = array<i32>} : memref<8x128xi32, #tpu.memory_space<vmem>>, vector<1x16xi32>,
      %get3A_1396 = vector.shape_cast %get3A_1395 : vector<1x16xi32> to vector<16xi32>
      %shift_right_logical3A_1397 = arith.constant 14 : i32
      %shift_right_logical3A_1398 = vector.broadcast %shift_right_logical3A_1397 : i32 to vector<16xi32>
      %shift_right_logical3A_1399 = arith.shrui %get3A_1396, %shift_right_logical3A_1398 : vector<16xi32>
      %add3A_1400 = vector.broadcast %mul3A_2 : i32 to vector<16xi32>
      %add3A_1401 = arith.addi %shift_right_logical3A_1399, %add3A_1400 : vector<16xi32>
      %swap3A_1402 = arith.constant 80 : index
      %swap3A_1403 = tpu.vector_load %arg9[%swap3A_1402] {strides = array<i32>} : memref<128xi32, #tpu.memory_space<vmem>>, vector<16xi32>,
      %swap3A_1404 = vector.shape_cast %swap3A_1403 : vector<16xi32> to vector<16xi32>
      %swap3A_1405 = vector.shape_cast %add3A_1401 : vector<16xi32> to vector<16xi32>
      tpu.vector_store %arg9[%swap3A_1402], %swap3A_1405 {strides = array<i32>} : memref<128xi32, #tpu.memory_space<vmem>>, vector<16xi32>,
      %and3A_1406 = arith.constant 16383 : i32
      %and3A_1407 = vector.broadcast %and3A_1406 : i32 to vector<16xi32>
      %and3A_1408 = arith.andi %get3A_1396, %and3A_1407 : vector<16xi32>
      %swap3A_1409 = arith.constant 80 : index
      %swap3A_1410 = tpu.vector_load %arg11[%swap3A_1409] {strides = array<i32>} : memref<128xi32, #tpu.memory_space<vmem>>, vector<16xi32>,
      %swap3A_1411 = vector.shape_cast %swap3A_1410 : vector<16xi32> to vector<16xi32>
      %swap3A_1412 = vector.shape_cast %and3A_1408 : vector<16xi32> to vector<16xi32>
      tpu.vector_store %arg11[%swap3A_1409], %swap3A_1412 {strides = array<i32>} : memref<128xi32, #tpu.memory_space<vmem>>, vector<16xi32>,
      %get3A_1413 = arith.constant 7 : i32
      %get3A_1414 = arith.index_cast %get3A_1413 : i32 to index
      %get3A_1415 = arith.constant 96 : index
      %get3A_1416 = tpu.vector_load %arg12[%get3A_1414, %get3A_1415] {strides = array<i32>} : memref<8x128xi32, #tpu.memory_space<vmem>>, vector<1x16xi32>,
      %get3A_1417 = vector.shape_cast %get3A_1416 : vector<1x16xi32> to vector<16xi32>
      %shift_right_logical3A_1418 = arith.constant 14 : i32
      %shift_right_logical3A_1419 = vector.broadcast %shift_right_logical3A_1418 : i32 to vector<16xi32>
      %shift_right_logical3A_1420 = arith.shrui %get3A_1417, %shift_right_logical3A_1419 : vector<16xi32>
      %add3A_1421 = vector.broadcast %mul3A_2 : i32 to vector<16xi32>
      %add3A_1422 = arith.addi %shift_right_logical3A_1420, %add3A_1421 : vector<16xi32>
      %swap3A_1423 = arith.constant 96 : index
      %swap3A_1424 = tpu.vector_load %arg9[%swap3A_1423] {strides = array<i32>} : memref<128xi32, #tpu.memory_space<vmem>>, vector<16xi32>,
      %swap3A_1425 = vector.shape_cast %swap3A_1424 : vector<16xi32> to vector<16xi32>
      %swap3A_1426 = vector.shape_cast %add3A_1422 : vector<16xi32> to vector<16xi32>
      tpu.vector_store %arg9[%swap3A_1423], %swap3A_1426 {strides = array<i32>} : memref<128xi32, #tpu.memory_space<vmem>>, vector<16xi32>,
      %and3A_1427 = arith.constant 16383 : i32
      %and3A_1428 = vector.broadcast %and3A_1427 : i32 to vector<16xi32>
      %and3A_1429 = arith.andi %get3A_1417, %and3A_1428 : vector<16xi32>
      %swap3A_1430 = arith.constant 96 : index
      %swap3A_1431 = tpu.vector_load %arg11[%swap3A_1430] {strides = array<i32>} : memref<128xi32, #tpu.memory_space<vmem>>, vector<16xi32>,
      %swap3A_1432 = vector.shape_cast %swap3A_1431 : vector<16xi32> to vector<16xi32>
      %swap3A_1433 = vector.shape_cast %and3A_1429 : vector<16xi32> to vector<16xi32>
      tpu.vector_store %arg11[%swap3A_1430], %swap3A_1433 {strides = array<i32>} : memref<128xi32, #tpu.memory_space<vmem>>, vector<16xi32>,
      %get3A_1434 = arith.constant 7 : i32
      %get3A_1435 = arith.index_cast %get3A_1434 : i32 to index
      %get3A_1436 = arith.constant 112 : index
      %get3A_1437 = tpu.vector_load %arg12[%get3A_1435, %get3A_1436] {strides = array<i32>} : memref<8x128xi32, #tpu.memory_space<vmem>>, vector<1x16xi32>,
      %get3A_1438 = vector.shape_cast %get3A_1437 : vector<1x16xi32> to vector<16xi32>
      %shift_right_logical3A_1439 = arith.constant 14 : i32
      %shift_right_logical3A_1440 = vector.broadcast %shift_right_logical3A_1439 : i32 to vector<16xi32>
      %shift_right_logical3A_1441 = arith.shrui %get3A_1438, %shift_right_logical3A_1440 : vector<16xi32>
      %add3A_1442 = vector.broadcast %mul3A_2 : i32 to vector<16xi32>
      %add3A_1443 = arith.addi %shift_right_logical3A_1441, %add3A_1442 : vector<16xi32>
      %swap3A_1444 = arith.constant 112 : index
      %swap3A_1445 = tpu.vector_load %arg9[%swap3A_1444] {strides = array<i32>} : memref<128xi32, #tpu.memory_space<vmem>>, vector<16xi32>,
      %swap3A_1446 = vector.shape_cast %swap3A_1445 : vector<16xi32> to vector<16xi32>
      %swap3A_1447 = vector.shape_cast %add3A_1443 : vector<16xi32> to vector<16xi32>
      tpu.vector_store %arg9[%swap3A_1444], %swap3A_1447 {strides = array<i32>} : memref<128xi32, #tpu.memory_space<vmem>>, vector<16xi32>,
      %and3A_1448 = arith.constant 16383 : i32
      %and3A_1449 = vector.broadcast %and3A_1448 : i32 to vector<16xi32>
      %and3A_1450 = arith.andi %get3A_1438, %and3A_1449 : vector<16xi32>
      %swap3A_1451 = arith.constant 112 : index
      %swap3A_1452 = tpu.vector_load %arg11[%swap3A_1451] {strides = array<i32>} : memref<128xi32, #tpu.memory_space<vmem>>, vector<16xi32>,
      %swap3A_1453 = vector.shape_cast %swap3A_1452 : vector<16xi32> to vector<16xi32>
      %swap3A_1454 = vector.shape_cast %and3A_1450 : vector<16xi32> to vector<16xi32>
      tpu.vector_store %arg11[%swap3A_1451], %swap3A_1454 {strides = array<i32>} : memref<128xi32, #tpu.memory_space<vmem>>, vector<16xi32>,
      %dma_start3A_1455 = arith.constant 1 : i32
      %dma_start3A_1456 = arith.constant 0 : i32
      %dma_start3A_1457 = arith.constant 0 : i32
      %dma_start3A_1458 = tpu.memref_slice %arg2[%dma_start3A_1456, %dma_start3A_1457] : memref<20000x128xbf16, #tpu.memory_space<hbm>> -> memref<20000x128xbf16, #tpu.memory_space<hbm>>
      %dma_start3A_1459 = tpu.memref_slice %arg13[%dma_start3A_1455] : memref<2x!tpu.dma_semaphore, #tpu.memory_space<semaphore_mem>> -> memref<1x!tpu.dma_semaphore, #tpu.memory_space<semaphore_mem>>
      %dma_start3A_1460 = tpu.memref_squeeze %dma_start3A_1459 : memref<1x!tpu.dma_semaphore, #tpu.memory_space<semaphore_mem>> -> memref<!tpu.dma_semaphore, #tpu.memory_space<semaphore_mem>>
      tpu.enqueue_indirect_dma source(%dma_start3A_1458 : memref<20000x128xbf16, #tpu.memory_space<hbm>>) target(%arg7 : memref<128x128xbf16, #tpu.memory_space<vmem>>) offsets(%arg9 : memref<128xi32, #tpu.memory_space<vmem>>) semaphore(%dma_start3A_1460 : memref<!tpu.dma_semaphore, #tpu.memory_space<semaphore_mem>>)
      %dma_wait3A_1461 = arith.constant 0 : i32
      %dma_wait3A_1462 = arith.constant 0 : i32
      %dma_wait3A_1463 = arith.constant 0 : i32
      %dma_wait3A_1464 = tpu.memref_slice %arg2[%dma_wait3A_1462, %dma_wait3A_1463] : memref<20000x128xbf16, #tpu.memory_space<hbm>> -> memref<128x128xbf16, #tpu.memory_space<hbm>>
      %dma_wait3A_1465 = tpu.memref_slice %arg13[%dma_wait3A_1461] : memref<2x!tpu.dma_semaphore, #tpu.memory_space<semaphore_mem>> -> memref<1x!tpu.dma_semaphore, #tpu.memory_space<semaphore_mem>>
      %dma_wait3A_1466 = tpu.memref_squeeze %dma_wait3A_1465 : memref<1x!tpu.dma_semaphore, #tpu.memory_space<semaphore_mem>> -> memref<!tpu.dma_semaphore, #tpu.memory_space<semaphore_mem>>
      %dma_wait3A_1467 = arith.constant 0 : i32
      %dma_wait3A_1468 = arith.constant 0 : i32
      %dma_wait3A_1469 = tpu.memref_slice %arg2[%dma_wait3A_1467, %dma_wait3A_1468] : memref<20000x128xbf16, #tpu.memory_space<hbm>> -> memref<128x128xbf16, #tpu.memory_space<hbm>>
      tpu.wait_dma2 semaphore(%dma_wait3A_1466 : memref<!tpu.dma_semaphore, #tpu.memory_space<semaphore_mem>>) src(%dma_wait3A_1469 : memref<128x128xbf16, #tpu.memory_space<hbm>>) dst(%arg6 : memref<128x128xbf16, #tpu.memory_space<vmem>>)
      "tpu.region"() ({
        %run_scoped3A = tpu.sem_alloc : memref<!tpu.dma_semaphore, #tpu.memory_space<semaphore_mem>>
        %dma_start3A_1483 = arith.constant 0 : i32
        %dma_start3A_1484 = arith.constant 0 : i32
        %dma_start3A_1485 = tpu.memref_slice %arg5[%dma_start3A_1483, %dma_start3A_1484] : memref<10016x128xbf16, #tpu.memory_space<vmem_shared>> -> memref<10016x128xbf16, #tpu.memory_space<vmem_shared>>
        tpu.enqueue_indirect_dma source(%arg6 : memref<128x128xbf16, #tpu.memory_space<vmem>>) target(%dma_start3A_1485 : memref<10016x128xbf16, #tpu.memory_space<vmem_shared>>) offsets(%arg10 : memref<128xi32, #tpu.memory_space<vmem>>) semaphore(%run_scoped3A : memref<!tpu.dma_semaphore, #tpu.memory_space<semaphore_mem>>) {add = true}
        %dma_wait3A_1486 = arith.constant 0 : i32
        %dma_wait3A_1487 = arith.constant 0 : i32
        %dma_wait3A_1488 = tpu.memref_slice %arg5[%dma_wait3A_1486, %dma_wait3A_1487] : memref<10016x128xbf16, #tpu.memory_space<vmem_shared>> -> memref<10016x128xbf16, #tpu.memory_space<vmem_shared>>
        tpu.wait_indirect_dma semaphore(%run_scoped3A : memref<!tpu.dma_semaphore, #tpu.memory_space<semaphore_mem>>) src(%arg6 : memref<128x128xbf16, #tpu.memory_space<vmem>>) dst(%dma_wait3A_1488 : memref<10016x128xbf16, #tpu.memory_space<vmem_shared>>)
        tpu.yield
      }) : () -> ()
      %lt3A = arith.constant 9 : i32
      %lt3A_1470 = arith.cmpi slt, %scan3A_189, %lt3A : i32
      %convert_element_type3A_1471 = arith.extui %lt3A_1470 : i1 to i32
      %cond3A_1472 = arith.constant 0 : i32
      %cond3A_1473 = arith.cmpi ne, %convert_element_type3A_1471, %cond3A_1472 : i32
      scf.if %cond3A_1473 {
        %add3A_1483 = arith.constant 1 : i32
        %add3A_1484 = arith.addi %scan3A_189, %add3A_1483 : i32
        %mul3A_1485 = arith.constant 8 : i32
        %mul3A_1486 = arith.muli %add3A_1484, %mul3A_1485 : i32
        %add3A_1487 = arith.addi %mul3A_0, %mul3A_1486 : i32
        "tpu.region"() ({
          %run_scoped3A = tpu.sem_alloc : memref<!tpu.dma_semaphore, #tpu.memory_space<semaphore_mem>>
          %dma_start3A_1662 = arith.constant 0 : i32
          %dma_start3A_1663 = tpu.memref_slice %arg3[%add3A_1487, %dma_start3A_1662] : memref<1280x128xi32, #tpu.memory_space<hbm>> -> memref<8x128xi32, #tpu.memory_space<hbm>>
          %dma_start3A_1664 = arith.constant 0 : i32
          %dma_start3A_1665 = tpu.memref_slice %arg3[%add3A_1487, %dma_start3A_1664] : memref<1280x128xi32, #tpu.memory_space<hbm>> -> memref<8x128xi32, #tpu.memory_space<hbm>>
          tpu.enqueue_dma source(%dma_start3A_1665 : memref<8x128xi32, #tpu.memory_space<hbm>>) target(%arg12 : memref<8x128xi32, #tpu.memory_space<vmem>>) target_semaphore(%run_scoped3A : memref<!tpu.dma_semaphore, #tpu.memory_space<semaphore_mem>>)
          %dma_wait3A_1666 = arith.constant 0 : i32
          %dma_wait3A_1667 = tpu.memref_slice %arg3[%add3A_1487, %dma_wait3A_1666] : memref<1280x128xi32, #tpu.memory_space<hbm>> -> memref<8x128xi32, #tpu.memory_space<hbm>>
          %dma_wait3A_1668 = arith.constant 0 : i32
          %dma_wait3A_1669 = tpu.memref_slice %arg3[%add3A_1487, %dma_wait3A_1668] : memref<1280x128xi32, #tpu.memory_space<hbm>> -> memref<8x128xi32, #tpu.memory_space<hbm>>
          tpu.wait_dma2 semaphore(%run_scoped3A : memref<!tpu.dma_semaphore, #tpu.memory_space<semaphore_mem>>) src(%dma_wait3A_1669 : memref<8x128xi32, #tpu.memory_space<hbm>>) dst(%arg12 : memref<8x128xi32, #tpu.memory_space<vmem>>)
          tpu.yield
        }) : () -> ()
        %get3A_1488 = arith.constant 0 : i32
        %get3A_1489 = arith.index_cast %get3A_1488 : i32 to index
        %get3A_1490 = arith.constant 0 : index
        %get3A_1491 = tpu.vector_load %arg12[%get3A_1489, %get3A_1490] {strides = array<i32>} : memref<8x128xi32, #tpu.memory_space<vmem>>, vector<1x16xi32>,
        %get3A_1492 = vector.shape_cast %get3A_1491 : vector<1x16xi32> to vector<16xi32>
        %shift_right_logical3A_1493 = arith.constant 14 : i32
        %shift_right_logical3A_1494 = vector.broadcast %shift_right_logical3A_1493 : i32 to vector<16xi32>
        %shift_right_logical3A_1495 = arith.shrui %get3A_1492, %shift_right_logical3A_1494 : vector<16xi32>
        %add3A_1496 = vector.broadcast %mul3A_2 : i32 to vector<16xi32>
        %add3A_1497 = arith.addi %shift_right_logical3A_1495, %add3A_1496 : vector<16xi32>
        %swap3A_1498 = arith.constant 0 : index
        %swap3A_1499 = tpu.vector_load %arg8[%swap3A_1498] {strides = array<i32>} : memref<128xi32, #tpu.memory_space<vmem>>, vector<16xi32>,
        %swap3A_1500 = vector.shape_cast %swap3A_1499 : vector<16xi32> to vector<16xi32>
        %swap3A_1501 = vector.shape_cast %add3A_1497 : vector<16xi32> to vector<16xi32>
        tpu.vector_store %arg8[%swap3A_1498], %swap3A_1501 {strides = array<i32>} : memref<128xi32, #tpu.memory_space<vmem>>, vector<16xi32>,
        %and3A_1502 = arith.constant 16383 : i32
        %and3A_1503 = vector.broadcast %and3A_1502 : i32 to vector<16xi32>
        %and3A_1504 = arith.andi %get3A_1492, %and3A_1503 : vector<16xi32>
        %swap3A_1505 = arith.constant 0 : index
        %swap3A_1506 = tpu.vector_load %arg10[%swap3A_1505] {strides = array<i32>} : memref<128xi32, #tpu.memory_space<vmem>>, vector<16xi32>,
        %swap3A_1507 = vector.shape_cast %swap3A_1506 : vector<16xi32> to vector<16xi32>
        %swap3A_1508 = vector.shape_cast %and3A_1504 : vector<16xi32> to vector<16xi32>
        tpu.vector_store %arg10[%swap3A_1505], %swap3A_1508 {strides = array<i32>} : memref<128xi32, #tpu.memory_space<vmem>>, vector<16xi32>,
        %get3A_1509 = arith.constant 0 : i32
        %get3A_1510 = arith.index_cast %get3A_1509 : i32 to index
        %get3A_1511 = arith.constant 16 : index
        %get3A_1512 = tpu.vector_load %arg12[%get3A_1510, %get3A_1511] {strides = array<i32>} : memref<8x128xi32, #tpu.memory_space<vmem>>, vector<1x16xi32>,
        %get3A_1513 = vector.shape_cast %get3A_1512 : vector<1x16xi32> to vector<16xi32>
        %shift_right_logical3A_1514 = arith.constant 14 : i32
        %shift_right_logical3A_1515 = vector.broadcast %shift_right_logical3A_1514 : i32 to vector<16xi32>
        %shift_right_logical3A_1516 = arith.shrui %get3A_1513, %shift_right_logical3A_1515 : vector<16xi32>
        %add3A_1517 = vector.broadcast %mul3A_2 : i32 to vector<16xi32>
        %add3A_1518 = arith.addi %shift_right_logical3A_1516, %add3A_1517 : vector<16xi32>
        %swap3A_1519 = arith.constant 16 : index
        %swap3A_1520 = tpu.vector_load %arg8[%swap3A_1519] {strides = array<i32>} : memref<128xi32, #tpu.memory_space<vmem>>, vector<16xi32>,
        %swap3A_1521 = vector.shape_cast %swap3A_1520 : vector<16xi32> to vector<16xi32>
        %swap3A_1522 = vector.shape_cast %add3A_1518 : vector<16xi32> to vector<16xi32>
        tpu.vector_store %arg8[%swap3A_1519], %swap3A_1522 {strides = array<i32>} : memref<128xi32, #tpu.memory_space<vmem>>, vector<16xi32>,
        %and3A_1523 = arith.constant 16383 : i32
        %and3A_1524 = vector.broadcast %and3A_1523 : i32 to vector<16xi32>
        %and3A_1525 = arith.andi %get3A_1513, %and3A_1524 : vector<16xi32>
        %swap3A_1526 = arith.constant 16 : index
        %swap3A_1527 = tpu.vector_load %arg10[%swap3A_1526] {strides = array<i32>} : memref<128xi32, #tpu.memory_space<vmem>>, vector<16xi32>,
        %swap3A_1528 = vector.shape_cast %swap3A_1527 : vector<16xi32> to vector<16xi32>
        %swap3A_1529 = vector.shape_cast %and3A_1525 : vector<16xi32> to vector<16xi32>
        tpu.vector_store %arg10[%swap3A_1526], %swap3A_1529 {strides = array<i32>} : memref<128xi32, #tpu.memory_space<vmem>>, vector<16xi32>,
        %get3A_1530 = arith.constant 0 : i32
        %get3A_1531 = arith.index_cast %get3A_1530 : i32 to index
        %get3A_1532 = arith.constant 32 : index
        %get3A_1533 = tpu.vector_load %arg12[%get3A_1531, %get3A_1532] {strides = array<i32>} : memref<8x128xi32, #tpu.memory_space<vmem>>, vector<1x16xi32>,
        %get3A_1534 = vector.shape_cast %get3A_1533 : vector<1x16xi32> to vector<16xi32>
        %shift_right_logical3A_1535 = arith.constant 14 : i32
        %shift_right_logical3A_1536 = vector.broadcast %shift_right_logical3A_1535 : i32 to vector<16xi32>
        %shift_right_logical3A_1537 = arith.shrui %get3A_1534, %shift_right_logical3A_1536 : vector<16xi32>
        %add3A_1538 = vector.broadcast %mul3A_2 : i32 to vector<16xi32>
        %add3A_1539 = arith.addi %shift_right_logical3A_1537, %add3A_1538 : vector<16xi32>
        %swap3A_1540 = arith.constant 32 : index
        %swap3A_1541 = tpu.vector_load %arg8[%swap3A_1540] {strides = array<i32>} : memref<128xi32, #tpu.memory_space<vmem>>, vector<16xi32>,
        %swap3A_1542 = vector.shape_cast %swap3A_1541 : vector<16xi32> to vector<16xi32>
        %swap3A_1543 = vector.shape_cast %add3A_1539 : vector<16xi32> to vector<16xi32>
        tpu.vector_store %arg8[%swap3A_1540], %swap3A_1543 {strides = array<i32>} : memref<128xi32, #tpu.memory_space<vmem>>, vector<16xi32>,
        %and3A_1544 = arith.constant 16383 : i32
        %and3A_1545 = vector.broadcast %and3A_1544 : i32 to vector<16xi32>
        %and3A_1546 = arith.andi %get3A_1534, %and3A_1545 : vector<16xi32>
        %swap3A_1547 = arith.constant 32 : index
        %swap3A_1548 = tpu.vector_load %arg10[%swap3A_1547] {strides = array<i32>} : memref<128xi32, #tpu.memory_space<vmem>>, vector<16xi32>,
        %swap3A_1549 = vector.shape_cast %swap3A_1548 : vector<16xi32> to vector<16xi32>
        %swap3A_1550 = vector.shape_cast %and3A_1546 : vector<16xi32> to vector<16xi32>
        tpu.vector_store %arg10[%swap3A_1547], %swap3A_1550 {strides = array<i32>} : memref<128xi32, #tpu.memory_space<vmem>>, vector<16xi32>,
        %get3A_1551 = arith.constant 0 : i32
        %get3A_1552 = arith.index_cast %get3A_1551 : i32 to index
        %get3A_1553 = arith.constant 48 : index
        %get3A_1554 = tpu.vector_load %arg12[%get3A_1552, %get3A_1553] {strides = array<i32>} : memref<8x128xi32, #tpu.memory_space<vmem>>, vector<1x16xi32>,
        %get3A_1555 = vector.shape_cast %get3A_1554 : vector<1x16xi32> to vector<16xi32>
        %shift_right_logical3A_1556 = arith.constant 14 : i32
        %shift_right_logical3A_1557 = vector.broadcast %shift_right_logical3A_1556 : i32 to vector<16xi32>
        %shift_right_logical3A_1558 = arith.shrui %get3A_1555, %shift_right_logical3A_1557 : vector<16xi32>
        %add3A_1559 = vector.broadcast %mul3A_2 : i32 to vector<16xi32>
        %add3A_1560 = arith.addi %shift_right_logical3A_1558, %add3A_1559 : vector<16xi32>
        %swap3A_1561 = arith.constant 48 : index
        %swap3A_1562 = tpu.vector_load %arg8[%swap3A_1561] {strides = array<i32>} : memref<128xi32, #tpu.memory_space<vmem>>, vector<16xi32>,
        %swap3A_1563 = vector.shape_cast %swap3A_1562 : vector<16xi32> to vector<16xi32>
        %swap3A_1564 = vector.shape_cast %add3A_1560 : vector<16xi32> to vector<16xi32>
        tpu.vector_store %arg8[%swap3A_1561], %swap3A_1564 {strides = array<i32>} : memref<128xi32, #tpu.memory_space<vmem>>, vector<16xi32>,
        %and3A_1565 = arith.constant 16383 : i32
        %and3A_1566 = vector.broadcast %and3A_1565 : i32 to vector<16xi32>
        %and3A_1567 = arith.andi %get3A_1555, %and3A_1566 : vector<16xi32>
        %swap3A_1568 = arith.constant 48 : index
        %swap3A_1569 = tpu.vector_load %arg10[%swap3A_1568] {strides = array<i32>} : memref<128xi32, #tpu.memory_space<vmem>>, vector<16xi32>,
        %swap3A_1570 = vector.shape_cast %swap3A_1569 : vector<16xi32> to vector<16xi32>
        %swap3A_1571 = vector.shape_cast %and3A_1567 : vector<16xi32> to vector<16xi32>
        tpu.vector_store %arg10[%swap3A_1568], %swap3A_1571 {strides = array<i32>} : memref<128xi32, #tpu.memory_space<vmem>>, vector<16xi32>,
        %get3A_1572 = arith.constant 0 : i32
        %get3A_1573 = arith.index_cast %get3A_1572 : i32 to index
        %get3A_1574 = arith.constant 64 : index
        %get3A_1575 = tpu.vector_load %arg12[%get3A_1573, %get3A_1574] {strides = array<i32>} : memref<8x128xi32, #tpu.memory_space<vmem>>, vector<1x16xi32>,
        %get3A_1576 = vector.shape_cast %get3A_1575 : vector<1x16xi32> to vector<16xi32>
        %shift_right_logical3A_1577 = arith.constant 14 : i32
        %shift_right_logical3A_1578 = vector.broadcast %shift_right_logical3A_1577 : i32 to vector<16xi32>
        %shift_right_logical3A_1579 = arith.shrui %get3A_1576, %shift_right_logical3A_1578 : vector<16xi32>
        %add3A_1580 = vector.broadcast %mul3A_2 : i32 to vector<16xi32>
        %add3A_1581 = arith.addi %shift_right_logical3A_1579, %add3A_1580 : vector<16xi32>
        %swap3A_1582 = arith.constant 64 : index
        %swap3A_1583 = tpu.vector_load %arg8[%swap3A_1582] {strides = array<i32>} : memref<128xi32, #tpu.memory_space<vmem>>, vector<16xi32>,
        %swap3A_1584 = vector.shape_cast %swap3A_1583 : vector<16xi32> to vector<16xi32>
        %swap3A_1585 = vector.shape_cast %add3A_1581 : vector<16xi32> to vector<16xi32>
        tpu.vector_store %arg8[%swap3A_1582], %swap3A_1585 {strides = array<i32>} : memref<128xi32, #tpu.memory_space<vmem>>, vector<16xi32>,
        %and3A_1586 = arith.constant 16383 : i32
        %and3A_1587 = vector.broadcast %and3A_1586 : i32 to vector<16xi32>
        %and3A_1588 = arith.andi %get3A_1576, %and3A_1587 : vector<16xi32>
        %swap3A_1589 = arith.constant 64 : index
        %swap3A_1590 = tpu.vector_load %arg10[%swap3A_1589] {strides = array<i32>} : memref<128xi32, #tpu.memory_space<vmem>>, vector<16xi32>,
        %swap3A_1591 = vector.shape_cast %swap3A_1590 : vector<16xi32> to vector<16xi32>
        %swap3A_1592 = vector.shape_cast %and3A_1588 : vector<16xi32> to vector<16xi32>
        tpu.vector_store %arg10[%swap3A_1589], %swap3A_1592 {strides = array<i32>} : memref<128xi32, #tpu.memory_space<vmem>>, vector<16xi32>,
        %get3A_1593 = arith.constant 0 : i32
        %get3A_1594 = arith.index_cast %get3A_1593 : i32 to index
        %get3A_1595 = arith.constant 80 : index
        %get3A_1596 = tpu.vector_load %arg12[%get3A_1594, %get3A_1595] {strides = array<i32>} : memref<8x128xi32, #tpu.memory_space<vmem>>, vector<1x16xi32>,
        %get3A_1597 = vector.shape_cast %get3A_1596 : vector<1x16xi32> to vector<16xi32>
        %shift_right_logical3A_1598 = arith.constant 14 : i32
        %shift_right_logical3A_1599 = vector.broadcast %shift_right_logical3A_1598 : i32 to vector<16xi32>
        %shift_right_logical3A_1600 = arith.shrui %get3A_1597, %shift_right_logical3A_1599 : vector<16xi32>
        %add3A_1601 = vector.broadcast %mul3A_2 : i32 to vector<16xi32>
        %add3A_1602 = arith.addi %shift_right_logical3A_1600, %add3A_1601 : vector<16xi32>
        %swap3A_1603 = arith.constant 80 : index
        %swap3A_1604 = tpu.vector_load %arg8[%swap3A_1603] {strides = array<i32>} : memref<128xi32, #tpu.memory_space<vmem>>, vector<16xi32>,
        %swap3A_1605 = vector.shape_cast %swap3A_1604 : vector<16xi32> to vector<16xi32>
        %swap3A_1606 = vector.shape_cast %add3A_1602 : vector<16xi32> to vector<16xi32>
        tpu.vector_store %arg8[%swap3A_1603], %swap3A_1606 {strides = array<i32>} : memref<128xi32, #tpu.memory_space<vmem>>, vector<16xi32>,
        %and3A_1607 = arith.constant 16383 : i32
        %and3A_1608 = vector.broadcast %and3A_1607 : i32 to vector<16xi32>
        %and3A_1609 = arith.andi %get3A_1597, %and3A_1608 : vector<16xi32>
        %swap3A_1610 = arith.constant 80 : index
        %swap3A_1611 = tpu.vector_load %arg10[%swap3A_1610] {strides = array<i32>} : memref<128xi32, #tpu.memory_space<vmem>>, vector<16xi32>,
        %swap3A_1612 = vector.shape_cast %swap3A_1611 : vector<16xi32> to vector<16xi32>
        %swap3A_1613 = vector.shape_cast %and3A_1609 : vector<16xi32> to vector<16xi32>
        tpu.vector_store %arg10[%swap3A_1610], %swap3A_1613 {strides = array<i32>} : memref<128xi32, #tpu.memory_space<vmem>>, vector<16xi32>,
        %get3A_1614 = arith.constant 0 : i32
        %get3A_1615 = arith.index_cast %get3A_1614 : i32 to index
        %get3A_1616 = arith.constant 96 : index
        %get3A_1617 = tpu.vector_load %arg12[%get3A_1615, %get3A_1616] {strides = array<i32>} : memref<8x128xi32, #tpu.memory_space<vmem>>, vector<1x16xi32>,
        %get3A_1618 = vector.shape_cast %get3A_1617 : vector<1x16xi32> to vector<16xi32>
        %shift_right_logical3A_1619 = arith.constant 14 : i32
        %shift_right_logical3A_1620 = vector.broadcast %shift_right_logical3A_1619 : i32 to vector<16xi32>
        %shift_right_logical3A_1621 = arith.shrui %get3A_1618, %shift_right_logical3A_1620 : vector<16xi32>
        %add3A_1622 = vector.broadcast %mul3A_2 : i32 to vector<16xi32>
        %add3A_1623 = arith.addi %shift_right_logical3A_1621, %add3A_1622 : vector<16xi32>
        %swap3A_1624 = arith.constant 96 : index
        %swap3A_1625 = tpu.vector_load %arg8[%swap3A_1624] {strides = array<i32>} : memref<128xi32, #tpu.memory_space<vmem>>, vector<16xi32>,
        %swap3A_1626 = vector.shape_cast %swap3A_1625 : vector<16xi32> to vector<16xi32>
        %swap3A_1627 = vector.shape_cast %add3A_1623 : vector<16xi32> to vector<16xi32>
        tpu.vector_store %arg8[%swap3A_1624], %swap3A_1627 {strides = array<i32>} : memref<128xi32, #tpu.memory_space<vmem>>, vector<16xi32>,
        %and3A_1628 = arith.constant 16383 : i32
        %and3A_1629 = vector.broadcast %and3A_1628 : i32 to vector<16xi32>
        %and3A_1630 = arith.andi %get3A_1618, %and3A_1629 : vector<16xi32>
        %swap3A_1631 = arith.constant 96 : index
        %swap3A_1632 = tpu.vector_load %arg10[%swap3A_1631] {strides = array<i32>} : memref<128xi32, #tpu.memory_space<vmem>>, vector<16xi32>,
        %swap3A_1633 = vector.shape_cast %swap3A_1632 : vector<16xi32> to vector<16xi32>
        %swap3A_1634 = vector.shape_cast %and3A_1630 : vector<16xi32> to vector<16xi32>
        tpu.vector_store %arg10[%swap3A_1631], %swap3A_1634 {strides = array<i32>} : memref<128xi32, #tpu.memory_space<vmem>>, vector<16xi32>,
        %get3A_1635 = arith.constant 0 : i32
        %get3A_1636 = arith.index_cast %get3A_1635 : i32 to index
        %get3A_1637 = arith.constant 112 : index
        %get3A_1638 = tpu.vector_load %arg12[%get3A_1636, %get3A_1637] {strides = array<i32>} : memref<8x128xi32, #tpu.memory_space<vmem>>, vector<1x16xi32>,
        %get3A_1639 = vector.shape_cast %get3A_1638 : vector<1x16xi32> to vector<16xi32>
        %shift_right_logical3A_1640 = arith.constant 14 : i32
        %shift_right_logical3A_1641 = vector.broadcast %shift_right_logical3A_1640 : i32 to vector<16xi32>
        %shift_right_logical3A_1642 = arith.shrui %get3A_1639, %shift_right_logical3A_1641 : vector<16xi32>
        %add3A_1643 = vector.broadcast %mul3A_2 : i32 to vector<16xi32>
        %add3A_1644 = arith.addi %shift_right_logical3A_1642, %add3A_1643 : vector<16xi32>
        %swap3A_1645 = arith.constant 112 : index
        %swap3A_1646 = tpu.vector_load %arg8[%swap3A_1645] {strides = array<i32>} : memref<128xi32, #tpu.memory_space<vmem>>, vector<16xi32>,
        %swap3A_1647 = vector.shape_cast %swap3A_1646 : vector<16xi32> to vector<16xi32>
        %swap3A_1648 = vector.shape_cast %add3A_1644 : vector<16xi32> to vector<16xi32>
        tpu.vector_store %arg8[%swap3A_1645], %swap3A_1648 {strides = array<i32>} : memref<128xi32, #tpu.memory_space<vmem>>, vector<16xi32>,
        %and3A_1649 = arith.constant 16383 : i32
        %and3A_1650 = vector.broadcast %and3A_1649 : i32 to vector<16xi32>
        %and3A_1651 = arith.andi %get3A_1639, %and3A_1650 : vector<16xi32>
        %swap3A_1652 = arith.constant 112 : index
        %swap3A_1653 = tpu.vector_load %arg10[%swap3A_1652] {strides = array<i32>} : memref<128xi32, #tpu.memory_space<vmem>>, vector<16xi32>,
        %swap3A_1654 = vector.shape_cast %swap3A_1653 : vector<16xi32> to vector<16xi32>
        %swap3A_1655 = vector.shape_cast %and3A_1651 : vector<16xi32> to vector<16xi32>
        tpu.vector_store %arg10[%swap3A_1652], %swap3A_1655 {strides = array<i32>} : memref<128xi32, #tpu.memory_space<vmem>>, vector<16xi32>,
        %dma_start3A_1656 = arith.constant 0 : i32
        %dma_start3A_1657 = arith.constant 0 : i32
        %dma_start3A_1658 = arith.constant 0 : i32
        %dma_start3A_1659 = tpu.memref_slice %arg2[%dma_start3A_1657, %dma_start3A_1658] : memref<20000x128xbf16, #tpu.memory_space<hbm>> -> memref<20000x128xbf16, #tpu.memory_space<hbm>>
        %dma_start3A_1660 = tpu.memref_slice %arg13[%dma_start3A_1656] : memref<2x!tpu.dma_semaphore, #tpu.memory_space<semaphore_mem>> -> memref<1x!tpu.dma_semaphore, #tpu.memory_space<semaphore_mem>>
        %dma_start3A_1661 = tpu.memref_squeeze %dma_start3A_1660 : memref<1x!tpu.dma_semaphore, #tpu.memory_space<semaphore_mem>> -> memref<!tpu.dma_semaphore, #tpu.memory_space<semaphore_mem>>
        tpu.enqueue_indirect_dma source(%dma_start3A_1659 : memref<20000x128xbf16, #tpu.memory_space<hbm>>) target(%arg6 : memref<128x128xbf16, #tpu.memory_space<vmem>>) offsets(%arg8 : memref<128xi32, #tpu.memory_space<vmem>>) semaphore(%dma_start3A_1661 : memref<!tpu.dma_semaphore, #tpu.memory_space<semaphore_mem>>)
      } else {
      }
      %dma_wait3A_1474 = arith.constant 1 : i32
      %dma_wait3A_1475 = arith.constant 0 : i32
      %dma_wait3A_1476 = arith.constant 0 : i32
      %dma_wait3A_1477 = tpu.memref_slice %arg2[%dma_wait3A_1475, %dma_wait3A_1476] : memref<20000x128xbf16, #tpu.memory_space<hbm>> -> memref<128x128xbf16, #tpu.memory_space<hbm>>
      %dma_wait3A_1478 = tpu.memref_slice %arg13[%dma_wait3A_1474] : memref<2x!tpu.dma_semaphore, #tpu.memory_space<semaphore_mem>> -> memref<1x!tpu.dma_semaphore, #tpu.memory_space<semaphore_mem>>
      %dma_wait3A_1479 = tpu.memref_squeeze %dma_wait3A_1478 : memref<1x!tpu.dma_semaphore, #tpu.memory_space<semaphore_mem>> -> memref<!tpu.dma_semaphore, #tpu.memory_space<semaphore_mem>>
      %dma_wait3A_1480 = arith.constant 0 : i32
      %dma_wait3A_1481 = arith.constant 0 : i32
      %dma_wait3A_1482 = tpu.memref_slice %arg2[%dma_wait3A_1480, %dma_wait3A_1481] : memref<20000x128xbf16, #tpu.memory_space<hbm>> -> memref<128x128xbf16, #tpu.memory_space<hbm>>
      tpu.wait_dma2 semaphore(%dma_wait3A_1479 : memref<!tpu.dma_semaphore, #tpu.memory_space<semaphore_mem>>) src(%dma_wait3A_1482 : memref<128x128xbf16, #tpu.memory_space<hbm>>) dst(%arg7 : memref<128x128xbf16, #tpu.memory_space<vmem>>)
      "tpu.region"() ({
        %run_scoped3A = tpu.sem_alloc : memref<!tpu.dma_semaphore, #tpu.memory_space<semaphore_mem>>
        %dma_start3A_1483 = arith.constant 0 : i32
        %dma_start3A_1484 = arith.constant 0 : i32
        %dma_start3A_1485 = tpu.memref_slice %arg5[%dma_start3A_1483, %dma_start3A_1484] : memref<10016x128xbf16, #tpu.memory_space<vmem_shared>> -> memref<10016x128xbf16, #tpu.memory_space<vmem_shared>>
        tpu.enqueue_indirect_dma source(%arg7 : memref<128x128xbf16, #tpu.memory_space<vmem>>) target(%dma_start3A_1485 : memref<10016x128xbf16, #tpu.memory_space<vmem_shared>>) offsets(%arg11 : memref<128xi32, #tpu.memory_space<vmem>>) semaphore(%run_scoped3A : memref<!tpu.dma_semaphore, #tpu.memory_space<semaphore_mem>>) {add = true}
        %dma_wait3A_1486 = arith.constant 0 : i32
        %dma_wait3A_1487 = arith.constant 0 : i32
        %dma_wait3A_1488 = tpu.memref_slice %arg5[%dma_wait3A_1486, %dma_wait3A_1487] : memref<10016x128xbf16, #tpu.memory_space<vmem_shared>> -> memref<10016x128xbf16, #tpu.memory_space<vmem_shared>>
        tpu.wait_indirect_dma semaphore(%run_scoped3A : memref<!tpu.dma_semaphore, #tpu.memory_space<semaphore_mem>>) src(%arg7 : memref<128x128xbf16, #tpu.memory_space<vmem>>) dst(%dma_wait3A_1488 : memref<10016x128xbf16, #tpu.memory_space<vmem_shared>>)
        tpu.yield
      }) : () -> ()
    }
    %scan3A_184 = arith.constant 10 : i32
    %barrier3A_185 = arith.constant 0 : index
    tpu.barrier barrier_id(%barrier3A_185)
    %mul3A_186 = arith.constant 10000 : i32
    %mul3A_187 = arith.muli %arg0, %mul3A_186 : i32
    %add3A_188 = arith.addi %mul3A_187, %mul3A_4 : i32
    "tpu.region"() ({
      %run_scoped3A = tpu.sem_alloc : memref<!tpu.dma_semaphore, #tpu.memory_space<semaphore_mem>>
      %dma_start3A_189 = arith.constant 0 : i32
      %dma_start3A_190 = tpu.memref_slice %arg4[%add3A_188, %dma_start3A_189] : memref<20000x128xbf16, #tpu.memory_space<hbm>> -> memref<625x128xbf16, #tpu.memory_space<hbm>>
      %dma_start3A_191 = arith.constant 0 : i32
      %dma_start3A_192 = tpu.memref_slice %arg5[%mul3A_4, %dma_start3A_191] : memref<10016x128xbf16, #tpu.memory_space<vmem_shared>> -> memref<625x128xbf16, #tpu.memory_space<vmem_shared>>
      tpu.enqueue_dma source(%dma_start3A_192 : memref<625x128xbf16, #tpu.memory_space<vmem_shared>>) target(%dma_start3A_190 : memref<625x128xbf16, #tpu.memory_space<hbm>>) target_semaphore(%run_scoped3A : memref<!tpu.dma_semaphore, #tpu.memory_space<semaphore_mem>>)
      %dma_wait3A = arith.constant 0 : i32
      %dma_wait3A_193 = tpu.memref_slice %arg4[%add3A_188, %dma_wait3A] : memref<20000x128xbf16, #tpu.memory_space<hbm>> -> memref<625x128xbf16, #tpu.memory_space<hbm>>
      %dma_wait3A_194 = arith.constant 0 : i32
      %dma_wait3A_195 = tpu.memref_slice %arg5[%mul3A_4, %dma_wait3A_194] : memref<10016x128xbf16, #tpu.memory_space<vmem_shared>> -> memref<625x128xbf16, #tpu.memory_space<vmem_shared>>
      tpu.wait_dma2 semaphore(%run_scoped3A : memref<!tpu.dma_semaphore, #tpu.memory_space<semaphore_mem>>) src(%dma_wait3A_195 : memref<625x128xbf16, #tpu.memory_space<vmem_shared>>) dst(%dma_wait3A_193 : memref<625x128xbf16, #tpu.memory_space<hbm>>)
      tpu.yield
    }) : () -> ()
    return
  }
}

</mosaic_0001>

<sc_bundles>
// kernel: _propagate.3.cloned.1.call-start
scs
__scs_entry_jumppad:
0x0: {  	(pc) =	sbr.rel $0x88, $3  }
0x1: {  	(tag) =	ssettag $0x0;
	lr =	simm.s32 $0x1  }
0x2: {  	[smem:$0x3F9F] =	sst lr;
	_ =	strace $0xD0000000  }
0x3: {  	_ = 	snop  }
0x4: {  	_ = 	snop  }
0x5: {  	_ = 	snop  }
0x6: {  	_ = 	snop  }
0x7: {  	_ = 	snop  }
__scs_overlays_trampoline_lowered:
0x8: {  	[smem:$0x3FAE] =	sst s0  }
0x9: {  	[smem:$0x3FAF] =	sst s1  }
0xa: {  	[smem:$0x3FB0] =	sst s2  }
0xb: {  	[smem:$0x3FB1] =	sst s3  }
0xc: {  	[smem:$0x3FB2] =	sst s4  }
0xd: {  	[smem:$0x3FB3] =	sst s5  }
0xe: {  	[smem:$0x3FB4] =	sst s6  }
0xf: {  	[smem:$0x3FB5] =	sst s7  }
0x10: {  	[smem:$0x3FB6] =	sst s8  }
0x11: {  	[smem:$0x3FB7] =	sst s9;
	s0 =	simm.s32 @!p0 $0x0  }
0x12: {  	s1 =	sld [smem:$0x3F9D];
	s0 =	simm.s32 @p0 $0x1  }
0x13: {  	[smem:$0x3FB8] =	sst s0;
	s0 =	simm.s32 @!p1 $0x0  }
0x14: {  	s2 =	sld [smem:$0x3F9C];
	s0 =	simm.s32 @p1 $0x1  }
0x15: {  	[smem:$0x3FB9] =	sst s0;
	s0 =	simm.s32 @!p2 $0x0  }
0x16: {  	s3 =	sld [smem:$0x3FDB];
	s0 =	simm.s32 @p2 $0x1  }
0x17: {  	s4 =	simm.s32 $0x1BF5;
	[smem:$0x3FBB] =	sst s0  }
0x18: {  	s0 =	sld [smem:$0x3F9E];
	_ =	swait.ge [sflag:s4], $0x0  }
0x19: {  	s7 =	sld [smem:$0x3F9F]  }
0x1a: {  	s8 =	sadd.s32 $0xFFFFE003, lr  }
0x1b: {  	s9 =	sadd.s32 $0xFFFFFEF7, lr;
	s5 =	simm.s32 $0xFFFFFFFF;
	p2 =	slt.u32 s8, $0xFFFFF086  }
0x1c: {  	p1 =	slt.u32 s9, $0xF7A;
	s5 =	simm.s32 @!p2 $0x0  }
0x1d: {  	s5 =	simm.s32 @p1 $0x1;
	p0 =	seq.s32 s7, s2  }
0x1e: {  	s7 =	smul.u32 @!p0 $0xF7A, s2;
	p2 =	seq.s32 @!p0 s5, $0x0  }
0x1f: {  	s9 =	smul.u32 $0xF7A, s1;
	s8 =	simm.s32 @!p0 $0x1BF5;
	p2 =	por !p2, p0  }
0x20: {  	[sflag:s8] =	ssyncset.s32 @!p0 $0xFFFFF086;
	s6 =	sadd.s32 @!p0 s3, s7;
	s7 =	simm.s32 @!p0 $0x108  }
0x21: {  	s3 =	sadd.s32 s3, s9;
	s6 =	sadd.s32 @!p0 $0x88, s6;
	s7 =	simm.s32 @p2 $0x1082  }
0x22: {  	[simem:s7], [sflag:s8] =	dma.local @!p0 [hbm:s6], $0xF7A  }
0x23: {  	s9 =	sor.u32 $0xD0000000, s2;
	s6 =	simm.s32 $0x108;
	_ =	swait.ge @!p0 [sflag:s8], $0x0  }
0x24: {  	s3 =	sadd.s32 $0x88, s3;
	s6 =	simm.s32 @!p1 $0x1082;
	[sflag:s4] =	ssyncset.s32 $0xFFFFF086  }
0x25: {  	[simem:s6], [sflag:s4] =	dma.local [hbm:s3], $0xF7A  }
0x26: {  	[smem:$0x3F9F] =	sst s1;
	(tag) =	ssettag s2;
	_ =	strace s9  }
0x27: {  	s1 =	sld [smem:$0x3FAF]  }
0x28: {  	s2 =	sld [smem:$0x3FB0]  }
0x29: {  	s4 =	sld [smem:$0x3FB2]  }
0x2a: {  	p0 =	seq.s32 s5, $0x0;
	s5 =	sld [smem:$0x3FB3]  }
0x2b: {  	s6 =	sld [smem:$0x3FB4]  }
0x2c: {  	s7 =	sld [smem:$0x3FB5]  }
0x2d: {  	s3 =	simm.s32 $0x108;
	s8 =	sld [smem:$0x3FB6]  }
0x2e: {  	s3 =	simm.s32 @!p0 $0x1082;
	s9 =	sld [smem:$0x3FB7]  }
0x2f: {  	lr =	sadd.s32 s0, s3;
	s0 =	sld [smem:$0x3FAE]  }
0x30: {  	s3 =	sld [smem:$0x3FB1]  }
0x31: {  	[smem:$0x3FBA] =	sst s10  }
0x32: {  	s10 =	sld [smem:$0x3FB8];
	_ =	sdelay $0x3  }
0x33: {  	p0 =	seq.s32 s10, $0x1;
	s10 =	sld [smem:$0x3FBA];
	_ =	sdelay $0x3  }
0x34: {  	[smem:$0x3FBA] =	sst s10  }
0x35: {  	s10 =	sld [smem:$0x3FB9];
	_ =	sdelay $0x3  }
0x36: {  	p1 =	seq.s32 s10, $0x1;
	s10 =	sld [smem:$0x3FBA];
	_ =	sdelay $0x3  }
0x37: {  	[smem:$0x3FBA] =	sst s10  }
0x38: {  	s10 =	sld [smem:$0x3FBB]  }
0x39: {  	_ = 	snop;
	(pc) =	sbr.ind lr, $3  }
0x3a: {  	_ = 	snop  }
0x3b: {  	_ = 	snop  }
0x3c: {  	p2 =	seq.s32 s10, $0x1;
	s10 =	sld [smem:$0x3FBA]  }
0x3d: {  	_ =	shalt  }
0x3e: {  	_ =	shalt  }
0x3f: {  	_ =	shalt  }
0x40: {  	_ =	shalt  }
0x41: {  	_ =	shalt  }
0x42: {  	_ =	shalt  }
0x43: {  	_ =	shalt  }
0x44: {  	_ =	shalt  }
0x45: {  	_ =	shalt  }
0x46: {  	_ =	shalt  }
0x47: {  	_ =	shalt  }
0x48: {  	_ =	shalt  }
0x49: {  	_ =	shalt  }
0x4a: {  	_ =	shalt  }
0x4b: {  	_ =	shalt  }
0x4c: {  	_ =	shalt  }
0x4d: {  	_ =	shalt  }
0x4e: {  	_ =	shalt  }
0x4f: {  	_ =	shalt  }
0x50: {  	_ =	shalt  }
0x51: {  	_ =	shalt  }
0x52: {  	_ =	shalt  }
0x53: {  	_ =	shalt  }
0x54: {  	_ =	shalt  }
0x55: {  	_ =	shalt  }
0x56: {  	_ =	shalt  }
0x57: {  	_ =	shalt  }
0x58: {  	_ =	shalt  }
0x59: {  	_ =	shalt  }
0x5a: {  	_ =	shalt  }
0x5b: {  	_ =	shalt  }
0x5c: {  	_ =	shalt  }
0x5d: {  	_ =	shalt  }
0x5e: {  	_ =	shalt  }
0x5f: {  	_ =	shalt  }
0x60: {  	_ =	shalt  }
0x61: {  	_ =	shalt  }
0x62: {  	_ =	shalt  }
0x63: {  	_ =	shalt  }
0x64: {  	_ =	shalt  }
0x65: {  	_ =	shalt  }
0x66: {  	_ =	shalt  }
0x67: {  	_ =	shalt  }
0x68: {  	_ =	shalt  }
0x69: {  	_ =	shalt  }
0x6a: {  	_ =	shalt  }
0x6b: {  	_ =	shalt  }
0x6c: {  	_ =	shalt  }
0x6d: {  	_ =	shalt  }
0x6e: {  	_ =	shalt  }
0x6f: {  	_ =	shalt  }
0x70: {  	_ =	shalt  }
0x71: {  	_ =	shalt  }
0x72: {  	_ =	shalt  }
0x73: {  	_ =	shalt  }
0x74: {  	_ =	shalt  }
0x75: {  	_ =	shalt  }
0x76: {  	_ =	shalt  }
0x77: {  	_ =	shalt  }
0x78: {  	_ =	shalt  }
0x79: {  	_ =	shalt  }
0x7a: {  	_ =	shalt  }
0x7b: {  	_ =	shalt  }
0x7c: {  	_ =	shalt  }
0x7d: {  	_ =	shalt  }
0x7e: {  	_ =	shalt  }
0x7f: {  	_ =	shalt  }
0x80: {  	_ =	shalt  }
0x81: {  	_ =	shalt  }
0x82: {  	_ =	shalt  }
0x83: {  	_ =	shalt  }
0x84: {  	_ =	shalt  }
0x85: {  	_ =	shalt  }
0x86: {  	_ =	shalt  }
0x87: {  	_ =	shalt  }
.Lfunc_end0:
.L_simem_size_0:
called_computation_lowered:
.L_overlay_start_0:
0x88: {  	s2 =	sld [smem:$0x3FD9]  }
0x89: {  	s3 =	sld [smem:$0x3FFE];
	_ =	sdelay $0x1  }
0x8a: {  	s1 =	srdreg.scid  }
0x8b: {  	s0 =	sand.u32 $0x1, s1  }
0x8c: {  	s17 =	sshll.u32 s0, $0xA;
	s2 =	sadd.s32 s3, s2  }
0x8d: {  	s2 =	sadd.s32 s2, s17  }
0x8e: {  	[smem:$0x3FC6] =	sst s2  }
0x8f: {  	_ = 	snop  }
0x90: {  	s2 =	sld [smem:$0x3FC8]  }
0x91: {  	s18 =	sld [smem:$0x3FD0];
	(tm) =	ssettm $0x1  }
0x92: {  	s4 =	sld [smem:$0x3FFB];
	_ =	sdelay $0x3  }
0x93: {  	_ =	strace s4  }
0x94: {  	s4 =	sld [smem:$0x3FFC];
	_ =	sdelay $0x3  }
0x95: {  	_ =	strace s4  }
0x96: {  	s4 =	sld [smem:$0x3FFD];
	_ =	sdelay $0x3  }
0x97: {  	_ =	strace s4  }
0x98: {  	_ =	strace $0x8FFFFFFF  }
0x99: {  	s19 =	sld [smem:$0x3FDB];
	_ =	sdelay $0x1  }
0x9a: {  	s5 =	simm.s32 $_scs_section_size  }
0x9b: {  	s6 =	simm.s32 $_size__tile_overlayer_lowered;
	s7 =	simm.s32 $_tile_overlayer_lowered  }
0x9c: {  	s22 =	simm.s32 $0x1BFF;
	s21 =	sshll.u32 s7, $0x1;
	s4 =	sadd.s32 s5, s19  }
0x9d: {  	s8 =	simm.s32 $0x0;
	s20 =	sshll.u32 s6, $0x1;
	s6 =	sadd.s32 s21, s4  }
0x9e: {  	[timem:s8], [sflag:s22] =	dma.local [hbm:s6], s20  }
0x9f: {  	_ =	swait.ge [sflag:s22], s20  }
0xa0: {  	s5 =	ssub.s32 $0x0, s20;
	[sflag:s22] =	ssyncset.done $0x0  }
0xa1: {  	[sflag:s22] =	ssyncadd.s32 s5;
	_ =	sdelay $0x1  }
0xa2: {  	s23 =	simm.s32 $0x1B8B  }
0xa3: {  	_ =	swait.ge [sflag:s23], $0x1  }
0xa4: {  	[sflag:s23] =	ssyncset.done $0x0  }
0xa5: {  	s25 =	simm.s32 $0x1B8E;
	s24 =	sld [smem:$0x3FFE];
	[sflag:s23] =	ssyncadd.s32 $0xFFFFFFFF  }
0xa6: {  	s26 =	simm.s32 $execute0_lowered;
	[smem:$0x3FD2] =	sst s25  }
0xa7: {  	s6 =	sshll.u32 s26, $0x1;
	_ =	strace $0x80000046;
	[dreg:$0x1] =	wrdreg $0xFFFFFFFF  }
0xa8: {  	s28 =	simm.s32 $_size_execute0_lowered;
	s4 =	sadd.s32 s4, s6;
	[dreg:$0x0] =	wrdreg $0x0  }
0xa9: {  	s6 =	sshll.u32 s28, $0x1;
	[dreg:$0x2] =	wrdreg s4  }
0xaa: {  	[dreg:$0x3] =	wrdreg s6  }
0xab: {  	[dreg:$0x4] =	wrdreg $0xC0  }
0xac: {  	_ =	task [dreg:s8], $0x5FFFF  }
0xad: {  	[dreg:$0x1] =	wrdreg $0xFFFFFFFF  }
0xae: {  	[dreg:$0x0] =	wrdreg $0x60  }
0xaf: {  	[dreg:$0x2] =	wrdreg s18  }
0xb0: {  	[dreg:$0x3] =	wrdreg s2  }
0xb1: {  	[dreg:$0x4] =	wrdreg s24  }
0xb2: {  	[dreg:$0x5] =	wrdreg $0x0  }
0xb3: {  	[dreg:$0x6] =	wrdreg $0x9  }
0xb4: {  	_ =	task.clear_ibuf [dreg:s8], $0x7FFFF;
	_ =	strace $0x90000046  }
0xb5: {  	s29 =	simm.s32 $0x9;
	_ =	strace $0x80000048  }
0xb6: {  	_ =	swait.ge [sflag:s29], $0x1  }
0xb7: {  	[sflag:s29] =	ssyncadd.s32 $0xFFFFFFFF  }
0xb8: {  	_ =	strace $0x90000048  }
0xb9: {  	_ =	sfence  }
0xba: {  	s30 =	sld [smem:$0x0];
	_ =	sdelay $0x2  }
0xbb: {  	s31 =	sshll.u32 s1, $0xD;
	s1 =	sshrl.u32 s1, $0x2  }
0xbc: {  	s3 =	sand.u32 $0x4000, s31;
	s1 =	sadd.s32 s1, s30  }
0xbd: {  	s0 =	sor.u32 s3, s0;
	s1 =	sshll.u32 s1, $0x11  }
0xbe: {  	s0 =	sor.u32 s1, s0  }
0xbf: {  	s0 =	sadd.s32 $0x8F2B, s0  }
0xc0: {  	[sflag:s0] =	ssyncadd.remote.s32 $0x1  }
0xc1: {  	_ =	sfence.sel $0xFFFF  }
0xc2: {  	[dreg:$0x0] =	wrdreg $0xFFFFFFFF;
	(pc) =	sbr.abs _section_cstart, $3  }
0xc3: {  	[dreg:$0x1] =	wrdreg $0xFFFFFFFF  }
0xc4: {  	_ =	task.clear_ibuf [dreg:s8], $0x2FFFF;
	_ =	strace $0x9FFFFFFF  }
0xc5: {  	(tm) =	ssettm $0x7FFFFFFF  }
tec
execute0_lowered:
.L_overlay_start_1:
0x0: {  	(tag) =	ssettag $0x1  }
0x1: {  	s0 =	rddreg [dreg:$0x0]  }
0x2: {  	s7 =	rddreg [dreg:$0x1];
	s1 =	srdreg.scid  }
0x3: {  	s4 =	rddreg [dreg:$0x2];
	s10 =	stileid.u32  }
0x4: {  	s2 =	rddreg [dreg:$0x3];
	s3 =	simm.s32 $0x0;
	s15 =	simm.s32 $0x9C80  }
0x5: {  	s16 =	simm.s32 $0x80;
	s17 =	simm.s32 $0xDD00;
	s18 =	simm.s32 $0xBC80  }
0x6: {  	s19 =	simm.s32 $0x1;
	s20 =	simm.s32 $0xDD80;
	s22 =	simm.s32 $0xDE00  }
0x7: {  	s5 =	sand.u32 $0x1, s1;
	s6 =	smul.u32 $0x271, s10;
	s1 =	rddreg [dreg:$0x4]  }
0x8: {  	s23 =	simm.s32 $0x0;
	[smem:$0x7FF] =	sst s3;
	s8 =	smul.u32 $0x27100, s10  }
0x9: {  	s31 =	sshll.u32 s10, $0x6;
	s13 =	smul.u32 $0x500, s10;
	s14 =	sadd.s32 $0x9C400, s2  }
0xa: {  	p0 =	sne.s32 s10, $0x0;
	s21 =	smul.u32 $0x2710, s5;
	_ =	strace $0x80000047  }
0xb: {  	s9 =	ssub.s32 $0x2, s5;
	s30 =	smul.u32 $0x13880, s5;
	s5 =	sor.u32 $0x1C03, s31  }
0xc: {  	s29 =	sshrl.u32 s9, $0x1;
	s8 =	sshrl.u32 s8, $0x2;
	s7 =	sadd.s32 s7, s13  }
0xd: {  	s13 =	simm.s32 $0xDE80;
	s6 =	sadd.s32 s6, s21;
	s9 =	ssub.s32 s9, s29  }
0xe: {  	s12 =	sadd.s32 s8, s2;
	v0 =	vmov s21;
	s21 =	simm.s32 $0x2;
	s6 =	sshll.u32 s6, $0x3  }
0xf: {  	s9 =	smax.u32 s9, $0x1;
	s10 =	sshrl.u32 s12, $0x3;
	s12 =	sshrl.u32 @!p0 s14, $0x3  }
0x10: {  	s14 =	simm.s32 $0xDC80;
	s11 =	sadd.s32 s6, s4;
	s4 =	sadd.s32 s0, s6  }
0x11: {  	s6 =	sadd.s32 s0, s30;
	s8 =	sadd.s32 $0x400, s11;
	s11 =	simm.s32 $0x3  }
.LBB2_1:
0x12: {  	[spmem:s10], [sflag:s5] =	dma.local [hbm:s4], $0x1388  }
0x13: {  	_ =	swait.ge [sflag:s11], $0x1388  }
0x14: {  	[sflag:s11] =	ssyncset.done $0x0  }
0x15: {  	s24 =	simm.s32 @!p0 $0x3;
	[sflag:s11] =	ssyncadd.s32 $0xFFFFEC78  }
0x16: {  	[spmem:s12], [sflag:s5] =	dma.local @!p0 [hbm:s6], $0x80  }
0x17: {  	_ =	swait.ge @!p0 [sflag:s24], $0x80  }
0x18: {  	[sflag:s24] =	ssyncset.done @!p0 $0x0  }
0x19: {  	[sflag:s24] =	ssyncadd.s32 @!p0 $0xFFFFFF80  }
0x1a: {  	[bflag:$0x0] =	sbarrier.arrive $0xFFFF  }
0x1b: {  	[tilespmem:s13], [sflag:$0x3] =	stream.linear.gather [hbm4b:s7+s3], $0x400, $0x38;
	[tilespmem:$0xE280] =	vst v63  }
0x1c: {  	_ =	swait.ge [sflag:s11], $0x400  }
0x1d: {  	[sflag:s11] =	ssyncset.done $0x0  }
0x1e: {  	[sflag:s11] =	ssyncadd.s32 $0xFFFFFC00  }
0x1f: {  	v1 =	vld [tilespmem:$0xDE80]  }
0x20: {  	v2 =	vld [tilespmem:$0xDE90];
	_ =	sdelay $0x1  }
0x21: {  	v3 =	vld [tilespmem:$0xDEA0];
	_ =	sdelay $0x1  }
0x22: {  	v5 =	vld [tilespmem:$0xDEB0];
	v4 =	vshrl.u32 v1, $0xE;
	v1 =	vand.u32 $0x3FFF, v1  }
0x23: {  	v59 =	vshrl.u32 v2, $0xE;
	v4 =	vadd.s32 v0, v4;
	[tilespmem:$0xDD80] =	vst v1  }
0x24: {  	v60 =	vld [tilespmem:$0xDEC0];
	v1 =	vadd.s32 v0, v59;
	[tilespmem:$0xDC80] =	vst v4  }
0x25: {  	[tilespmem:$0xDC90] =	vst v1;
	v1 =	vand.u32 $0x3FFF, v2;
	v2 =	vshrl.u32 v3, $0xE  }
0x26: {  	[tilespmem:$0xDD90] =	vst v1;
	v1 =	vadd.s32 v0, v2;
	v2 =	vld [tilespmem:$0xDED0]  }
0x27: {  	[tilespmem:$0xDCA0] =	vst v1;
	v1 =	vand.u32 $0x3FFF, v3;
	v3 =	vshrl.u32 v5, $0xE  }
0x28: {  	[tilespmem:$0xDDA0] =	vst v1;
	v1 =	vadd.s32 v0, v3;
	v3 =	vld [tilespmem:$0xDEE0]  }
0x29: {  	v61 =	vshrl.u32 v60, $0xE;
	[tilespmem:$0xDCB0] =	vst v1;
	v1 =	vand.u32 $0x3FFF, v5  }
0x2a: {  	v62 =	vld [tilespmem:$0xDEF0];
	[tilespmem:$0xDDB0] =	vst v1;
	v1 =	vadd.s32 v0, v61  }
0x2b: {  	[tilespmem:$0xDCC0] =	vst v1;
	v1 =	vand.u32 $0x3FFF, v60;
	v63 =	vshrl.u32 v2, $0xE  }
0x2c: {  	[tilespmem:$0xDDC0] =	vst v1;
	v1 =	vadd.s32 v0, v63  }
0x2d: {  	[tilespmem:$0xDCD0] =	vst v1;
	v1 =	vand.u32 $0x3FFF, v2;
	v2 =	vshrl.u32 v3, $0xE  }
0x2e: {  	[tilespmem:$0xDDD0] =	vst v1;
	v1 =	vadd.s32 v0, v2  }
0x2f: {  	v2 =	vshrl.u32 v62, $0xE;
	[tilespmem:$0xDCE0] =	vst v1;
	v1 =	vand.u32 $0x3FFF, v3  }
0x30: {  	[tilespmem:$0xDDE0] =	vst v1;
	v1 =	vadd.s32 v0, v2  }
0x31: {  	[tilespmem:$0xDCF0] =	vst v1;
	v1 =	vand.u32 $0x3FFF, v62  }
0x32: {  	s24 =	simm.s32 $0x80;
	[tilespmem:$0xDDF0] =	vst v1  }
0x33: {  	[tilespmem:s15], [sflag:$0x1] =	stream.indirect.gather [hbm4b:s0+s16], $0x40, s14, s16, $0xb8;
	[tilespmem:$0xE280] =	vst v63  }
.LBB2_2:
0x34: {  	v1 =	vld [tilespmem:$0xDF00]  }
0x35: {  	v2 =	vld [tilespmem:$0xDF10];
	_ =	sdelay $0x1  }
0x36: {  	v3 =	vld [tilespmem:$0xDF20];
	_ =	sdelay $0x1  }
0x37: {  	v5 =	vld [tilespmem:$0xDF30];
	v4 =	vshrl.u32 v1, $0xE;
	v1 =	vand.u32 $0x3FFF, v1  }
0x38: {  	v17 =	vshrl.u32 v2, $0xE;
	v4 =	vadd.s32 v0, v4;
	[tilespmem:$0xDE00] =	vst v1  }
0x39: {  	v18 =	vld [tilespmem:$0xDF40];
	v1 =	vadd.s32 v0, v17;
	[tilespmem:$0xDD00] =	vst v4  }
0x3a: {  	[tilespmem:$0xDD10] =	vst v1;
	v1 =	vand.u32 $0x3FFF, v2;
	v2 =	vshrl.u32 v3, $0xE  }
0x3b: {  	[tilespmem:$0xDE10] =	vst v1;
	v1 =	vadd.s32 v0, v2;
	v2 =	vld [tilespmem:$0xDF50]  }
0x3c: {  	[tilespmem:$0xDD20] =	vst v1;
	v1 =	vand.u32 $0x3FFF, v3;
	v3 =	vshrl.u32 v5, $0xE  }
0x3d: {  	[tilespmem:$0xDE20] =	vst v1;
	v1 =	vadd.s32 v0, v3;
	v3 =	vld [tilespmem:$0xDF60]  }
0x3e: {  	v19 =	vshrl.u32 v18, $0xE;
	[tilespmem:$0xDD30] =	vst v1;
	v1 =	vand.u32 $0x3FFF, v5  }
0x3f: {  	v20 =	vld [tilespmem:$0xDF70];
	[tilespmem:$0xDE30] =	vst v1;
	v1 =	vadd.s32 v0, v19  }
0x40: {  	[tilespmem:$0xDD40] =	vst v1;
	v1 =	vand.u32 $0x3FFF, v18;
	v21 =	vshrl.u32 v2, $0xE  }
0x41: {  	[tilespmem:$0xDE40] =	vst v1;
	v1 =	vadd.s32 v0, v21  }
0x42: {  	[tilespmem:$0xDD50] =	vst v1;
	v1 =	vand.u32 $0x3FFF, v2;
	v2 =	vshrl.u32 v3, $0xE  }
0x43: {  	[tilespmem:$0xDE50] =	vst v1;
	v1 =	vadd.s32 v0, v2  }
0x44: {  	v2 =	vshrl.u32 v20, $0xE;
	[tilespmem:$0xDD60] =	vst v1;
	v1 =	vand.u32 $0x3FFF, v3  }
0x45: {  	[tilespmem:$0xDE60] =	vst v1;
	v1 =	vadd.s32 v0, v2  }
0x46: {  	[tilespmem:$0xDD70] =	vst v1;
	v1 =	vand.u32 $0x3FFF, v20  }
0x47: {  	[tilespmem:$0xDE70] =	vst v1  }
0x48: {  	[tilespmem:s18], [sflag:$0x2] =	stream.indirect.gather [hbm4b:s0+s16], $0x40, s17, s16, $0xb8;
	[tilespmem:$0xE280] =	vst v63  }
0x49: {  	_ =	swait.ge [sflag:s19], $0x2000  }
0x4a: {  	[sflag:s19] =	ssyncset.done $0x0  }
0x4b: {  	[sflag:s19] =	ssyncadd.s32 $0xFFFFE000  }
0x4c: {  	[spmem:s2] =	stream.indirect.scatter.add.bf16 [tilespmem:s15], [sflag:$0x3], $0x40, s20, s16, $0xb8;
	[tilespmem:$0xE280] =	vst v63  }
0x4d: {  	_ =	swait.ge [sflag:s11], $0x2000  }
0x4e: {  	[sflag:s11] =	ssyncset.done $0x0  }
0x4f: {  	[sflag:s11] =	ssyncadd.s32 $0xFFFFE000  }
0x50: {  	v1 =	vld [tilespmem:$0xDF80]  }
0x51: {  	v2 =	vld [tilespmem:$0xDF90];
	_ =	sdelay $0x1  }
0x52: {  	v3 =	vld [tilespmem:$0xDFA0];
	_ =	sdelay $0x1  }
0x53: {  	v23 =	vld [tilespmem:$0xDFB0];
	v22 =	vshrl.u32 v1, $0xE;
	v1 =	vand.u32 $0x3FFF, v1  }
0x54: {  	v24 =	vshrl.u32 v2, $0xE;
	v4 =	vadd.s32 v0, v22;
	[tilespmem:$0xDD80] =	vst v1  }
0x55: {  	v25 =	vld [tilespmem:$0xDFC0];
	v1 =	vadd.s32 v0, v24;
	[tilespmem:$0xDC80] =	vst v4  }
0x56: {  	[tilespmem:$0xDC90] =	vst v1;
	v1 =	vand.u32 $0x3FFF, v2;
	v2 =	vshrl.u32 v3, $0xE  }
0x57: {  	[tilespmem:$0xDD90] =	vst v1;
	v1 =	vadd.s32 v0, v2;
	v2 =	vld [tilespmem:$0xDFD0]  }
0x58: {  	[tilespmem:$0xDCA0] =	vst v1;
	v1 =	vand.u32 $0x3FFF, v3;
	v3 =	vshrl.u32 v23, $0xE  }
0x59: {  	[tilespmem:$0xDDA0] =	vst v1;
	v1 =	vadd.s32 v0, v3;
	v3 =	vld [tilespmem:$0xDFE0]  }
0x5a: {  	v26 =	vshrl.u32 v25, $0xE;
	[tilespmem:$0xDCB0] =	vst v1;
	v1 =	vand.u32 $0x3FFF, v23  }
0x5b: {  	v27 =	vld [tilespmem:$0xDFF0];
	[tilespmem:$0xDDB0] =	vst v1;
	v1 =	vadd.s32 v0, v26  }
0x5c: {  	[tilespmem:$0xDCC0] =	vst v1;
	v1 =	vand.u32 $0x3FFF, v25;
	v28 =	vshrl.u32 v2, $0xE  }
0x5d: {  	[tilespmem:$0xDDC0] =	vst v1;
	v1 =	vadd.s32 v0, v28  }
0x5e: {  	[tilespmem:$0xDCD0] =	vst v1;
	v1 =	vand.u32 $0x3FFF, v2;
	v2 =	vshrl.u32 v3, $0xE  }
0x5f: {  	[tilespmem:$0xDDD0] =	vst v1;
	v1 =	vadd.s32 v0, v2  }
0x60: {  	v2 =	vshrl.u32 v27, $0xE;
	[tilespmem:$0xDCE0] =	vst v1;
	v1 =	vand.u32 $0x3FFF, v3  }
0x61: {  	[tilespmem:$0xDDE0] =	vst v1;
	v1 =	vadd.s32 v0, v2  }
0x62: {  	[tilespmem:$0xDCF0] =	vst v1;
	v1 =	vand.u32 $0x3FFF, v27  }
0x63: {  	[tilespmem:$0xDDF0] =	vst v1  }
0x64: {  	[tilespmem:s15], [sflag:$0x1] =	stream.indirect.gather [hbm4b:s0+s16], $0x40, s14, s16, $0xb8;
	[tilespmem:$0xE280] =	vst v63  }
0x65: {  	_ =	swait.ge [sflag:s21], $0x2000  }
0x66: {  	[sflag:s21] =	ssyncset.done $0x0  }
0x67: {  	[sflag:s21] =	ssyncadd.s32 $0xFFFFE000  }
0x68: {  	[spmem:s2] =	stream.indirect.scatter.add.bf16 [tilespmem:s18], [sflag:$0x3], $0x40, s22, s16, $0xb8;
	[tilespmem:$0xE280] =	vst v63  }
0x69: {  	_ =	swait.ge [sflag:s11], $0x2000  }
0x6a: {  	[sflag:s11] =	ssyncset.done $0x0  }
0x6b: {  	[sflag:s11] =	ssyncadd.s32 $0xFFFFE000  }
0x6c: {  	v1 =	vld [tilespmem:$0xE000]  }
0x6d: {  	v2 =	vld [tilespmem:$0xE010];
	_ =	sdelay $0x1  }
0x6e: {  	v3 =	vld [tilespmem:$0xE020];
	_ =	sdelay $0x1  }
0x6f: {  	v30 =	vld [tilespmem:$0xE030];
	v29 =	vshrl.u32 v1, $0xE;
	v1 =	vand.u32 $0x3FFF, v1  }
0x70: {  	v31 =	vshrl.u32 v2, $0xE;
	v4 =	vadd.s32 v0, v29;
	[tilespmem:$0xDE00] =	vst v1  }
0x71: {  	v32 =	vld [tilespmem:$0xE040];
	v1 =	vadd.s32 v0, v31;
	[tilespmem:$0xDD00] =	vst v4  }
0x72: {  	[tilespmem:$0xDD10] =	vst v1;
	v1 =	vand.u32 $0x3FFF, v2;
	v2 =	vshrl.u32 v3, $0xE  }
0x73: {  	[tilespmem:$0xDE10] =	vst v1;
	v1 =	vadd.s32 v0, v2;
	v2 =	vld [tilespmem:$0xE050]  }
0x74: {  	[tilespmem:$0xDD20] =	vst v1;
	v1 =	vand.u32 $0x3FFF, v3;
	v3 =	vshrl.u32 v30, $0xE  }
0x75: {  	[tilespmem:$0xDE20] =	vst v1;
	v1 =	vadd.s32 v0, v3;
	v3 =	vld [tilespmem:$0xE060]  }
0x76: {  	v33 =	vshrl.u32 v32, $0xE;
	[tilespmem:$0xDD30] =	vst v1;
	v1 =	vand.u32 $0x3FFF, v30  }
0x77: {  	v34 =	vld [tilespmem:$0xE070];
	[tilespmem:$0xDE30] =	vst v1;
	v1 =	vadd.s32 v0, v33  }
0x78: {  	[tilespmem:$0xDD40] =	vst v1;
	v1 =	vand.u32 $0x3FFF, v32;
	v35 =	vshrl.u32 v2, $0xE  }
0x79: {  	[tilespmem:$0xDE40] =	vst v1;
	v1 =	vadd.s32 v0, v35  }
0x7a: {  	[tilespmem:$0xDD50] =	vst v1;
	v1 =	vand.u32 $0x3FFF, v2;
	v2 =	vshrl.u32 v3, $0xE  }
0x7b: {  	[tilespmem:$0xDE50] =	vst v1;
	v1 =	vadd.s32 v0, v2  }
0x7c: {  	v2 =	vshrl.u32 v34, $0xE;
	[tilespmem:$0xDD60] =	vst v1;
	v1 =	vand.u32 $0x3FFF, v3  }
0x7d: {  	[tilespmem:$0xDE60] =	vst v1;
	v1 =	vadd.s32 v0, v2  }
0x7e: {  	[tilespmem:$0xDD70] =	vst v1;
	v1 =	vand.u32 $0x3FFF, v34  }
0x7f: {  	[tilespmem:$0xDE70] =	vst v1  }
0x80: {  	[tilespmem:s18], [sflag:$0x2] =	stream.indirect.gather [hbm4b:s0+s16], $0x40, s17, s16, $0xb8;
	[tilespmem:$0xE280] =	vst v63  }
0x81: {  	_ =	swait.ge [sflag:s19], $0x2000  }
0x82: {  	[sflag:s19] =	ssyncset.done $0x0  }
0x83: {  	[sflag:s19] =	ssyncadd.s32 $0xFFFFE000  }
0x84: {  	[spmem:s2] =	stream.indirect.scatter.add.bf16 [tilespmem:s15], [sflag:$0x3], $0x40, s20, s16, $0xb8;
	[tilespmem:$0xE280] =	vst v63  }
0x85: {  	_ =	swait.ge [sflag:s11], $0x2000  }
0x86: {  	[sflag:s11] =	ssyncset.done $0x0  }
0x87: {  	[sflag:s11] =	ssyncadd.s32 $0xFFFFE000  }
0x88: {  	v1 =	vld [tilespmem:$0xE080]  }
0x89: {  	v2 =	vld [tilespmem:$0xE090];
	_ =	sdelay $0x1  }
0x8a: {  	v3 =	vld [tilespmem:$0xE0A0];
	_ =	sdelay $0x1  }
0x8b: {  	v37 =	vld [tilespmem:$0xE0B0];
	v36 =	vshrl.u32 v1, $0xE;
	v1 =	vand.u32 $0x3FFF, v1  }
0x8c: {  	v38 =	vshrl.u32 v2, $0xE;
	v4 =	vadd.s32 v0, v36;
	[tilespmem:$0xDD80] =	vst v1  }
0x8d: {  	v39 =	vld [tilespmem:$0xE0C0];
	v1 =	vadd.s32 v0, v38;
	[tilespmem:$0xDC80] =	vst v4  }
0x8e: {  	[tilespmem:$0xDC90] =	vst v1;
	v1 =	vand.u32 $0x3FFF, v2;
	v2 =	vshrl.u32 v3, $0xE  }
0x8f: {  	[tilespmem:$0xDD90] =	vst v1;
	v1 =	vadd.s32 v0, v2;
	v2 =	vld [tilespmem:$0xE0D0]  }
0x90: {  	[tilespmem:$0xDCA0] =	vst v1;
	v1 =	vand.u32 $0x3FFF, v3;
	v3 =	vshrl.u32 v37, $0xE  }
0x91: {  	[tilespmem:$0xDDA0] =	vst v1;
	v1 =	vadd.s32 v0, v3;
	v3 =	vld [tilespmem:$0xE0E0]  }
0x92: {  	v40 =	vshrl.u32 v39, $0xE;
	[tilespmem:$0xDCB0] =	vst v1;
	v1 =	vand.u32 $0x3FFF, v37  }
0x93: {  	v41 =	vld [tilespmem:$0xE0F0];
	[tilespmem:$0xDDB0] =	vst v1;
	v1 =	vadd.s32 v0, v40  }
0x94: {  	[tilespmem:$0xDCC0] =	vst v1;
	v1 =	vand.u32 $0x3FFF, v39;
	v42 =	vshrl.u32 v2, $0xE  }
0x95: {  	[tilespmem:$0xDDC0] =	vst v1;
	v1 =	vadd.s32 v0, v42  }
0x96: {  	[tilespmem:$0xDCD0] =	vst v1;
	v1 =	vand.u32 $0x3FFF, v2;
	v2 =	vshrl.u32 v3, $0xE  }
0x97: {  	[tilespmem:$0xDDD0] =	vst v1;
	v1 =	vadd.s32 v0, v2  }
0x98: {  	v2 =	vshrl.u32 v41, $0xE;
	[tilespmem:$0xDCE0] =	vst v1;
	v1 =	vand.u32 $0x3FFF, v3  }
0x99: {  	[tilespmem:$0xDDE0] =	vst v1;
	v1 =	vadd.s32 v0, v2  }
0x9a: {  	[tilespmem:$0xDCF0] =	vst v1;
	v1 =	vand.u32 $0x3FFF, v41  }
0x9b: {  	[tilespmem:$0xDDF0] =	vst v1  }
0x9c: {  	[tilespmem:s15], [sflag:$0x1] =	stream.indirect.gather [hbm4b:s0+s16], $0x40, s14, s16, $0xb8;
	[tilespmem:$0xE280] =	vst v63  }
0x9d: {  	_ =	swait.ge [sflag:s21], $0x2000  }
0x9e: {  	[sflag:s21] =	ssyncset.done $0x0  }
0x9f: {  	[sflag:s21] =	ssyncadd.s32 $0xFFFFE000  }
0xa0: {  	[spmem:s2] =	stream.indirect.scatter.add.bf16 [tilespmem:s18], [sflag:$0x3], $0x40, s22, s16, $0xb8;
	[tilespmem:$0xE280] =	vst v63  }
0xa1: {  	_ =	swait.ge [sflag:s11], $0x2000  }
0xa2: {  	[sflag:s11] =	ssyncset.done $0x0  }
0xa3: {  	[sflag:s11] =	ssyncadd.s32 $0xFFFFE000  }
0xa4: {  	v1 =	vld [tilespmem:$0xE100]  }
0xa5: {  	v2 =	vld [tilespmem:$0xE110];
	_ =	sdelay $0x1  }
0xa6: {  	v3 =	vld [tilespmem:$0xE120];
	_ =	sdelay $0x1  }
0xa7: {  	v44 =	vld [tilespmem:$0xE130];
	v43 =	vshrl.u32 v1, $0xE;
	v1 =	vand.u32 $0x3FFF, v1  }
0xa8: {  	v45 =	vshrl.u32 v2, $0xE;
	v4 =	vadd.s32 v0, v43;
	[tilespmem:$0xDE00] =	vst v1  }
0xa9: {  	v46 =	vld [tilespmem:$0xE140];
	v1 =	vadd.s32 v0, v45;
	[tilespmem:$0xDD00] =	vst v4  }
0xaa: {  	[tilespmem:$0xDD10] =	vst v1;
	v1 =	vand.u32 $0x3FFF, v2;
	v2 =	vshrl.u32 v3, $0xE  }
0xab: {  	[tilespmem:$0xDE10] =	vst v1;
	v1 =	vadd.s32 v0, v2;
	v2 =	vld [tilespmem:$0xE150]  }
0xac: {  	[tilespmem:$0xDD20] =	vst v1;
	v1 =	vand.u32 $0x3FFF, v3;
	v3 =	vshrl.u32 v44, $0xE  }
0xad: {  	[tilespmem:$0xDE20] =	vst v1;
	v1 =	vadd.s32 v0, v3;
	v3 =	vld [tilespmem:$0xE160]  }
0xae: {  	v47 =	vshrl.u32 v46, $0xE;
	[tilespmem:$0xDD30] =	vst v1;
	v1 =	vand.u32 $0x3FFF, v44  }
0xaf: {  	v48 =	vld [tilespmem:$0xE170];
	[tilespmem:$0xDE30] =	vst v1;
	v1 =	vadd.s32 v0, v47  }
0xb0: {  	[tilespmem:$0xDD40] =	vst v1;
	v1 =	vand.u32 $0x3FFF, v46;
	v49 =	vshrl.u32 v2, $0xE  }
0xb1: {  	[tilespmem:$0xDE40] =	vst v1;
	v1 =	vadd.s32 v0, v49  }
0xb2: {  	[tilespmem:$0xDD50] =	vst v1;
	v1 =	vand.u32 $0x3FFF, v2;
	v2 =	vshrl.u32 v3, $0xE  }
0xb3: {  	[tilespmem:$0xDE50] =	vst v1;
	v1 =	vadd.s32 v0, v2  }
0xb4: {  	v2 =	vshrl.u32 v48, $0xE;
	[tilespmem:$0xDD60] =	vst v1;
	v1 =	vand.u32 $0x3FFF, v3  }
0xb5: {  	[tilespmem:$0xDE60] =	vst v1;
	v1 =	vadd.s32 v0, v2  }
0xb6: {  	[tilespmem:$0xDD70] =	vst v1;
	v1 =	vand.u32 $0x3FFF, v48  }
0xb7: {  	[tilespmem:$0xDE70] =	vst v1  }
0xb8: {  	[tilespmem:s18], [sflag:$0x2] =	stream.indirect.gather [hbm4b:s0+s16], $0x40, s17, s16, $0xb8;
	[tilespmem:$0xE280] =	vst v63  }
0xb9: {  	_ =	swait.ge [sflag:s19], $0x2000  }
0xba: {  	[sflag:s19] =	ssyncset.done $0x0  }
0xbb: {  	[sflag:s19] =	ssyncadd.s32 $0xFFFFE000  }
0xbc: {  	[spmem:s2] =	stream.indirect.scatter.add.bf16 [tilespmem:s15], [sflag:$0x3], $0x40, s20, s16, $0xb8;
	[tilespmem:$0xE280] =	vst v63  }
0xbd: {  	_ =	swait.ge [sflag:s11], $0x2000  }
0xbe: {  	[sflag:s11] =	ssyncset.done $0x0  }
0xbf: {  	[sflag:s11] =	ssyncadd.s32 $0xFFFFE000  }
0xc0: {  	v1 =	vld [tilespmem:$0xE180]  }
0xc1: {  	v2 =	vld [tilespmem:$0xE190];
	_ =	sdelay $0x1  }
0xc2: {  	v3 =	vld [tilespmem:$0xE1A0];
	_ =	sdelay $0x1  }
0xc3: {  	v51 =	vld [tilespmem:$0xE1B0];
	v50 =	vshrl.u32 v1, $0xE;
	v1 =	vand.u32 $0x3FFF, v1  }
0xc4: {  	v52 =	vshrl.u32 v2, $0xE;
	v4 =	vadd.s32 v0, v50;
	[tilespmem:$0xDD80] =	vst v1  }
0xc5: {  	v53 =	vld [tilespmem:$0xE1C0];
	v1 =	vadd.s32 v0, v52;
	[tilespmem:$0xDC80] =	vst v4  }
0xc6: {  	[tilespmem:$0xDC90] =	vst v1;
	v1 =	vand.u32 $0x3FFF, v2;
	v2 =	vshrl.u32 v3, $0xE  }
0xc7: {  	[tilespmem:$0xDD90] =	vst v1;
	v1 =	vadd.s32 v0, v2;
	v2 =	vld [tilespmem:$0xE1D0]  }
0xc8: {  	[tilespmem:$0xDCA0] =	vst v1;
	v1 =	vand.u32 $0x3FFF, v3;
	v3 =	vshrl.u32 v51, $0xE  }
0xc9: {  	[tilespmem:$0xDDA0] =	vst v1;
	v1 =	vadd.s32 v0, v3;
	v3 =	vld [tilespmem:$0xE1E0]  }
0xca: {  	v54 =	vshrl.u32 v53, $0xE;
	[tilespmem:$0xDCB0] =	vst v1;
	v1 =	vand.u32 $0x3FFF, v51  }
0xcb: {  	v55 =	vld [tilespmem:$0xE1F0];
	[tilespmem:$0xDDB0] =	vst v1;
	v1 =	vadd.s32 v0, v54  }
0xcc: {  	[tilespmem:$0xDCC0] =	vst v1;
	v1 =	vand.u32 $0x3FFF, v53;
	v56 =	vshrl.u32 v2, $0xE  }
0xcd: {  	[tilespmem:$0xDDC0] =	vst v1;
	v1 =	vadd.s32 v0, v56  }
0xce: {  	[tilespmem:$0xDCD0] =	vst v1;
	v1 =	vand.u32 $0x3FFF, v2;
	v2 =	vshrl.u32 v3, $0xE  }
0xcf: {  	[tilespmem:$0xDDD0] =	vst v1;
	v1 =	vadd.s32 v0, v2  }
0xd0: {  	v2 =	vshrl.u32 v55, $0xE;
	[tilespmem:$0xDCE0] =	vst v1;
	v1 =	vand.u32 $0x3FFF, v3  }
0xd1: {  	[tilespmem:$0xDDE0] =	vst v1;
	v1 =	vadd.s32 v0, v2  }
0xd2: {  	[tilespmem:$0xDCF0] =	vst v1;
	v1 =	vand.u32 $0x3FFF, v55  }
0xd3: {  	[tilespmem:$0xDDF0] =	vst v1  }
0xd4: {  	[tilespmem:s15], [sflag:$0x1] =	stream.indirect.gather [hbm4b:s0+s16], $0x40, s14, s16, $0xb8;
	[tilespmem:$0xE280] =	vst v63  }
0xd5: {  	_ =	swait.ge [sflag:s21], $0x2000  }
0xd6: {  	[sflag:s21] =	ssyncset.done $0x0  }
0xd7: {  	[sflag:s21] =	ssyncadd.s32 $0xFFFFE000  }
0xd8: {  	[spmem:s2] =	stream.indirect.scatter.add.bf16 [tilespmem:s18], [sflag:$0x3], $0x40, s22, s16, $0xb8;
	[tilespmem:$0xE280] =	vst v63  }
0xd9: {  	_ =	swait.ge [sflag:s11], $0x2000  }
0xda: {  	[sflag:s11] =	ssyncset.done $0x0  }
0xdb: {  	[sflag:s11] =	ssyncadd.s32 $0xFFFFE000  }
0xdc: {  	v1 =	vld [tilespmem:$0xE200]  }
0xdd: {  	v2 =	vld [tilespmem:$0xE210];
	_ =	sdelay $0x1  }
0xde: {  	v3 =	vld [tilespmem:$0xE220];
	_ =	sdelay $0x1  }
0xdf: {  	v58 =	vld [tilespmem:$0xE230];
	v57 =	vshrl.u32 v1, $0xE;
	v1 =	vand.u32 $0x3FFF, v1  }
0xe0: {  	v59 =	vshrl.u32 v2, $0xE;
	v4 =	vadd.s32 v0, v57;
	[tilespmem:$0xDE00] =	vst v1  }
0xe1: {  	v60 =	vld [tilespmem:$0xE240];
	v1 =	vadd.s32 v0, v59;
	[tilespmem:$0xDD00] =	vst v4  }
0xe2: {  	[tilespmem:$0xDD10] =	vst v1;
	v1 =	vand.u32 $0x3FFF, v2;
	v2 =	vshrl.u32 v3, $0xE  }
0xe3: {  	[tilespmem:$0xDE10] =	vst v1;
	v1 =	vadd.s32 v0, v2;
	v2 =	vld [tilespmem:$0xE250]  }
0xe4: {  	[tilespmem:$0xDD20] =	vst v1;
	v1 =	vand.u32 $0x3FFF, v3;
	v3 =	vshrl.u32 v58, $0xE  }
0xe5: {  	[tilespmem:$0xDE20] =	vst v1;
	v1 =	vadd.s32 v0, v3;
	v3 =	vld [tilespmem:$0xE260]  }
0xe6: {  	v61 =	vshrl.u32 v60, $0xE;
	[tilespmem:$0xDD30] =	vst v1;
	v1 =	vand.u32 $0x3FFF, v58  }
0xe7: {  	v62 =	vld [tilespmem:$0xE270];
	[tilespmem:$0xDE30] =	vst v1;
	v1 =	vadd.s32 v0, v61  }
0xe8: {  	[tilespmem:$0xDD40] =	vst v1;
	v1 =	vand.u32 $0x3FFF, v60;
	v63 =	vshrl.u32 v2, $0xE  }
0xe9: {  	[tilespmem:$0xDE40] =	vst v1;
	v1 =	vadd.s32 v0, v63  }
0xea: {  	[tilespmem:$0xDD50] =	vst v1;
	v1 =	vand.u32 $0x3FFF, v2;
	v2 =	vshrl.u32 v3, $0xE  }
0xeb: {  	[tilespmem:$0xDE50] =	vst v1;
	v1 =	vadd.s32 v0, v2  }
0xec: {  	v2 =	vshrl.u32 v62, $0xE;
	[tilespmem:$0xDD60] =	vst v1;
	v1 =	vand.u32 $0x3FFF, v3  }
0xed: {  	[tilespmem:$0xDE60] =	vst v1;
	v1 =	vadd.s32 v0, v2  }
0xee: {  	[tilespmem:$0xDD70] =	vst v1;
	v1 =	vand.u32 $0x3FFF, v62  }
0xef: {  	[tilespmem:$0xDE70] =	vst v1  }
0xf0: {  	[tilespmem:s18], [sflag:$0x2] =	stream.indirect.gather [hbm4b:s0+s16], $0x40, s17, s16, $0xb8;
	[tilespmem:$0xE280] =	vst v63  }
0xf1: {  	_ =	swait.ge [sflag:s19], $0x2000  }
0xf2: {  	[sflag:s19] =	ssyncset.done $0x0  }
0xf3: {  	[sflag:s19] =	ssyncadd.s32 $0xFFFFE000  }
0xf4: {  	[spmem:s2] =	stream.indirect.scatter.add.bf16 [tilespmem:s15], [sflag:$0x3], $0x40, s20, s16, $0xb8;
	[tilespmem:$0xE280] =	vst v63  }
0xf5: {  	p1 =	seq.s32 s24, $0x500;
	_ =	swait.ge [sflag:s11], $0x2000  }
0xf6: {  	s25 =	sadd.s32 @!p1 s24, s7;
	[sflag:s11] =	ssyncset.done $0x0  }
0xf7: {  	s26 =	simm.s32 @!p1 $0x0;
	s28 =	simm.s32 @!p1 $0xDE80;
	[sflag:s11] =	ssyncadd.s32 $0xFFFFE000  }
0xf8: {  	[tilespmem:s28], [sflag:$0x3] =	stream.linear.gather @!p1 [hbm4b:s25+s26], $0x400, $0x38;
	[tilespmem:$0xE280] =	vst v63  }
0xf9: {  	s25 =	simm.s32 @!p1 $0x3  }
0xfa: {  	_ =	swait.ge @!p1 [sflag:s25], $0x400  }
0xfb: {  	[sflag:s25] =	ssyncset.done @!p1 $0x0  }
0xfc: {  	[sflag:s25] =	ssyncadd.s32 @!p1 $0xFFFFFC00  }
0xfd: {  	v1 =	vld @!p1 [tilespmem:$0xDE80];
	_ =	sdelay $0x1  }
0xfe: {  	v2 =	vld @!p1 [tilespmem:$0xDE90];
	_ =	sdelay $0x1  }
0xff: {  	v3 =	vld @!p1 [tilespmem:$0xDEA0]  }
0x100: {  	v4 =	vshrl.u32 @!p1 v1, $0xE  }
0x101: {  	v5 =	vld @!p1 [tilespmem:$0xDEB0];
	v4 =	vadd.s32 @!p1 v0, v4  }
0x102: {  	v1 =	vand.u32 @!p1 $0x3FFF, v1;
	[tilespmem:$0xDC80] =	vst @!p1 v4;
	v4 =	vshrl.u32 @!p1 v2, $0xE  }
0x103: {  	[tilespmem:$0xDD80] =	vst @!p1 v1;
	v1 =	vadd.s32 @!p1 v0, v4;
	v4 =	vld @!p1 [tilespmem:$0xDEC0]  }
0x104: {  	[tilespmem:$0xDC90] =	vst @!p1 v1;
	v1 =	vand.u32 @!p1 $0x3FFF, v2;
	v2 =	vshrl.u32 @!p1 v3, $0xE  }
0x105: {  	[tilespmem:$0xDD90] =	vst @!p1 v1;
	v1 =	vadd.s32 @!p1 v0, v2;
	v2 =	vld @!p1 [tilespmem:$0xDED0]  }
0x106: {  	[tilespmem:$0xDCA0] =	vst @!p1 v1;
	v1 =	vand.u32 @!p1 $0x3FFF, v3;
	v3 =	vshrl.u32 @!p1 v5, $0xE  }
0x107: {  	[tilespmem:$0xDDA0] =	vst @!p1 v1;
	v1 =	vadd.s32 @!p1 v0, v3;
	v3 =	vld @!p1 [tilespmem:$0xDEE0]  }
0x108: {  	[tilespmem:$0xDCB0] =	vst @!p1 v1;
	v1 =	vand.u32 @!p1 $0x3FFF, v5;
	v5 =	vshrl.u32 @!p1 v4, $0xE  }
0x109: {  	[tilespmem:$0xDDB0] =	vst @!p1 v1;
	v1 =	vadd.s32 @!p1 v0, v5;
	v5 =	vld @!p1 [tilespmem:$0xDEF0]  }
0x10a: {  	[tilespmem:$0xDCC0] =	vst @!p1 v1;
	v1 =	vand.u32 @!p1 $0x3FFF, v4;
	v4 =	vshrl.u32 @!p1 v2, $0xE  }
0x10b: {  	[tilespmem:$0xDDC0] =	vst @!p1 v1;
	v1 =	vadd.s32 @!p1 v0, v4  }
0x10c: {  	[tilespmem:$0xDCD0] =	vst @!p1 v1;
	v1 =	vand.u32 @!p1 $0x3FFF, v2;
	v2 =	vshrl.u32 @!p1 v3, $0xE  }
0x10d: {  	[tilespmem:$0xDDD0] =	vst @!p1 v1;
	v1 =	vadd.s32 @!p1 v0, v2  }
0x10e: {  	[tilespmem:$0xDCE0] =	vst @!p1 v1;
	v1 =	vand.u32 @!p1 $0x3FFF, v3;
	v2 =	vshrl.u32 @!p1 v5, $0xE  }
0x10f: {  	[tilespmem:$0xDDE0] =	vst @!p1 v1;
	v1 =	vadd.s32 @!p1 v0, v2  }
0x110: {  	[tilespmem:$0xDCF0] =	vst @!p1 v1;
	v1 =	vand.u32 @!p1 $0x3FFF, v5  }
0x111: {  	s26 =	simm.s32 @!p1 $0xDC80;
	s28 =	simm.s32 @!p1 $0x9C80;
	s25 =	simm.s32 @!p1 $0x80;
	[tilespmem:$0xDDF0] =	vst @!p1 v1  }
0x112: {  	[tilespmem:s28], [sflag:$0x1] =	stream.indirect.gather @!p1 [hbm4b:s0+s25], $0x40, s26, s25, $0xb8;
	[tilespmem:$0xE280] =	vst v63  }
0x113: {  	s24 =	sadd.s32 $0x80, s24;
	_ =	swait.ge [sflag:s21], $0x2000  }
0x114: {  	p1 =	sne.s32 s24, $0x580;
	[sflag:s21] =	ssyncset.done $0x0  }
.Ltmp0:
0x115: {  	[sflag:s21] =	ssyncadd.s32 $0xFFFFE000;
	(pc) =	sbr.rel @p1 .LBB2_2-.Ltmp0, $4  }
0x116: {  	[spmem:s2] =	stream.indirect.scatter.add.bf16 [tilespmem:s18], [sflag:$0x3], $0x40, s22, s16, $0xb8;
	[tilespmem:$0xE280] =	vst v63  }
0x117: {  	_ =	swait.ge [sflag:s11], $0x2000  }
0x118: {  	[sflag:s11] =	ssyncset.done $0x0  }
0x119: {  	[sflag:s11] =	ssyncadd.s32 $0xFFFFE000  }
0x11a: {  	s23 =	sadd.s32 $0x1, s23  }
0x11b: {  	p1 =	sne.s32 s23, s9  }
.Ltmp1:
0x11c: {  	[bflag:$0x0] =	sbarrier.arrive $0xFFFF;
	(pc) =	sbr.rel @p1 .LBB2_1-.Ltmp1, $4  }
0x11d: {  	[hbm:s8], [sflag:s5] =	dma.local [spmem:s10], $0x1388  }
0x11e: {  	_ =	swait.ge [sflag:s11], $0x1388  }
0x11f: {  	[sflag:s11] =	ssyncset.done $0x0  }
0x120: {  	[sflag:s11] =	ssyncadd.s32 $0xFFFFEC78  }
0x121: {  	_ =	sfence.sel $0x180000  }
0x122: {  	[bflag:$0x0] =	sbarrier.arrive $0xFFFF  }
0x123: {  	_ =	strace $0x90000047  }
0x124: {  	s0 =	sadd.s32 @!p0 $0x100000, s1;
	[bflag:$0x2] =	sbarrier.arrive $0xFFFF  }
0x125: {  	[sflag:s0] =	ssyncadd.tile.s32 @!p0 $0x1;
	_ =	shalt  }
.Lfunc_end2:
_tile_overlayer_lowered:
.L_overlay_start_2:
0x126: {  	(tag) =	ssettag $0x2  }
0x127: {  	s0 =	rddreg [dreg:$0x0];
	s2 =	stileid.u32  }
0x128: {  	s1 =	rddreg [dreg:$0x1];
	p0 =	sne.s32 s2, $0x0  }
0x129: {  	s3 =	rddreg [dreg:$0x2];
	[bflag:$0x3] =	sbarrier.arrive $0xFFFF;
	s2 =	simm.s32 @!p0 $0x1C03  }
0x12a: {  	[timem:s3], [sflag:s2] =	dma.local @!p0 [hbm:s0], s1  }
0x12b: {  	s0 =	simm.s32 @!p0 $0x3  }
0x12c: {  	_ =	swait.ge @!p0 [sflag:s0], s1  }
0x12d: {  	s1 =	ssub.s32 @!p0 $0x0, s1;
	[sflag:s0] =	ssyncset.done @!p0 $0x0  }
0x12e: {  	[sflag:s0] =	ssyncadd.s32 @!p0 s1  }
0x12f: {  	[bflag:$0x3] =	sbarrier.arrive $0xFFFF  }
0x130: {  	_ =	shalt  }

</sc_bundles>
